<compile_context>
chip_gen: v7x
topology: tpu7x:2x2x1
jax: 0.10.2.dev20260603
libtpu: 0.0.44.dev20260713+nightly
codegen_flags: <defaults>
</compile_context>

<pallas_src>
import functools

import jax
import jax.numpy as jnp
from jax import lax
from jax.experimental import pallas as pl
from jax.experimental.pallas import tpu as pltpu
from jax.experimental.pallas import tpu_sc as plsc

_L = 150
_LP = 152
_D = 768
_H = 384
_B = 16384
_BS_SC = 8192
_CH = 16
_BS = 512
_EBS = 4096


def _softplus(x):
    return jnp.maximum(x, 0.0) + jnp.log1p(jnp.exp(-jnp.abs(x)))



def _make_sc_norms():
    nc = 2
    rpp = _BS_SC // 16
    nchunk = rpp // _CH

    mesh = plsc.VectorSubcoreMesh(core_axis_name="c", subcore_axis_name="s")

    @functools.partial(
        pl.kernel,
        mesh=mesh,
        out_type=jax.ShapeDtypeStruct((2, _BS_SC), jnp.float32),
        scratch_types=[
            pltpu.VMEM((_L * _H,), jnp.float32),
            pltpu.VMEM((rpp,), jnp.int32),
            pltpu.VMEM((_CH, _H), jnp.float32),
            pltpu.VMEM((_CH, _H), jnp.float32),
            pltpu.VMEM((1, rpp), jnp.float32),
            pltpu.SemaphoreType.DMA,
            pltpu.SemaphoreType.DMA,
        ],
        compiler_params=pltpu.CompilerParams(
            use_tc_tiling_on_sc=True,
            needs_layout_passes=False,
        ),
    )
    def sc_norms(x_hbm, cent_hbm, lab_hbm, out_hbm,
                 cent_v, lab_v, buf0, buf1, out_v, sem0, sem1):
        wid = lax.axis_index("s") * nc + lax.axis_index("c")
        pair = wid // 2
        half = wid % 2
        rb = pair * rpp
        fb = half * _H

        pltpu.sync_copy(lab_hbm.at[pl.ds(rb, rpp)], lab_v)
        pltpu.sync_copy(cent_hbm.at[pl.ds(half * _L * _H, _L * _H)], cent_v)

        def x_slice(g):
            return x_hbm.at[pl.ds(rb + g * _CH, _CH), pl.ds(fb, _H)]

        iota16 = lax.iota(jnp.int32, 16)

        def compute_chunk(buf, g):
            lv = lab_v[pl.ds(g * _CH, 16)]
            phi = iota16
            cptr = lv * _H + iota16
            zero = jnp.zeros((16,), jnp.float32)
            accs = [zero, zero, zero, zero]

            def blk(t, carry):
                phi, cptr, a0, a1, a2, a3 = carry
                accs = [a0, a1, a2, a3]
                for u in range(16):
                    xv = plsc.load_gather(buf, [iota16, phi])
                    cv = plsc.load_gather(cent_v, [cptr])
                    dd = xv - cv
                    accs[u % 4] = accs[u % 4] + dd * dd
                    phi = phi + 1
                    cptr = cptr + 1
                return (phi, cptr, *accs)

            nblk = (_H - 16) // 16
            phi, cptr, *accs = lax.fori_loop(0, nblk, blk, (phi, cptr, *accs))
            for u in range(16):
                xv = plsc.load_gather(buf, [iota16, phi])
                cv = plsc.load_gather(cent_v, [cptr])
                dd = xv - cv
                accs[u % 4] = accs[u % 4] + dd * dd
                phi1 = phi + 1
                wrap = phi1 == _H
                phi = jnp.where(wrap, 0, phi1)
                cptr = jnp.where(wrap, cptr + 1 - _H, cptr + 1)
            s = (accs[0] + accs[1]) + (accs[2] + accs[3])
            out_v[0, pl.ds(g * _CH, 16)] = s

        pltpu.async_copy(x_slice(0), buf0, sem0)
        pltpu.async_copy(x_slice(1), buf1, sem1)

        def body(i, _):
            c0 = 2 * i
            pltpu.make_async_copy(x_slice(0), buf0, sem0).wait()
            compute_chunk(buf0, c0)
            pltpu.async_copy(
                x_slice(jnp.minimum(c0 + 2, nchunk - 1)), buf0, sem0)
            c1 = 2 * i + 1
            pltpu.make_async_copy(x_slice(0), buf1, sem1).wait()
            compute_chunk(buf1, c1)
            pltpu.async_copy(
                x_slice(jnp.minimum(c1 + 2, nchunk - 1)), buf1, sem1)
            return 0

        lax.fori_loop(0, nchunk // 2, body, 0)
        pltpu.make_async_copy(x_slice(0), buf0, sem0).wait()
        pltpu.make_async_copy(x_slice(0), buf1, sem1).wait()

        pltpu.sync_copy(out_v, out_hbm.at[pl.ds(half, 1), pl.ds(rb, rpp)])

    return sc_norms



def _tc_body(lab_ref, cent_ref, tab_ref, x_ref, part_ref, acc_ref):
    i = pl.program_id(0)
    nb = pl.num_programs(0)

    @pl.when(i == 0)
    def _init():
        acc_ref[0] = 0.0
        acc_ref[1] = 0.0

    lab = lab_ref[pl.ds(i, 1), :]
    iota = lax.broadcasted_iota(jnp.int32, (_LP, _BS), 0)
    oh_t = (iota == lab).astype(jnp.float32)

    c = lax.dot_general(oh_t, cent_ref[...],
                        (((0,), (0,)), ((), ())),
                        preferred_element_type=jnp.float32)
    diff = x_ref[...] - c
    sq = diff * diff
    s1 = jnp.sum(sq[:, :_H], axis=1, keepdims=True)
    s2 = jnp.sum(sq[:, _H:], axis=1, keepdims=True)
    z1 = jnp.sqrt(s1)
    z2 = jnp.sqrt(s2)

    g = lax.dot_general(oh_t, tab_ref[...],
                        (((0,), (0,)), ((), ())),
                        preferred_element_type=jnp.float32)
    k1 = _softplus(g[:, 0:1])
    k2 = _softplus(g[:, 1:2])
    d = _softplus(g[:, 2:3])

    euc = z1 * k1 + z2 * k2
    acc_ref[0] += jnp.sum(jnp.maximum(euc - d, 0.0))
    acc_ref[1] += jnp.sum(jnp.maximum(d - euc, 0.0))

    @pl.when(i == nb - 1)
    def _fin():
        part_ref[0, 0] = acc_ref[0]
        part_ref[0, 1] = acc_ref[1]


def _tc_main(pooled_output, lab2d_tc, cent_pad, tab128):
    nb = (_B - _BS_SC) // _BS
    off = _BS_SC // _BS
    return pl.pallas_call(
        _tc_body,
        grid=(nb,),
        in_specs=[
            pl.BlockSpec((nb, _BS), lambda i: (0, 0)),
            pl.BlockSpec((_LP, _D), lambda i: (0, 0)),
            pl.BlockSpec((_LP, 128), lambda i: (0, 0)),
            pl.BlockSpec((_BS, _D), lambda i: (i + off, 0)),
        ],
        out_specs=pl.BlockSpec(memory_space=pltpu.SMEM),
        out_shape=jax.ShapeDtypeStruct((1, 2), jnp.float32),
        scratch_shapes=[pltpu.SMEM((2,), jnp.float32)],
        compiler_params=pltpu.CompilerParams(
            dimension_semantics=("arbitrary",),
        ),
    )(lab2d_tc, cent_pad, tab128, pooled_output)



def _epi_body(w_ref, part_ref, lab_ref, tab_ref, drow_ref, s_ref,
              loss_ref, dsp_ref, acc_ref):
    i = pl.program_id(0)
    nb = pl.num_programs(0)

    @pl.when(i == 0)
    def _init():
        acc_ref[0] = 0.0
        acc_ref[1] = 0.0
        dsp_ref[...] = _softplus(drow_ref[...])

    lab = lab_ref[pl.ds(i, 1), :]
    iota = lax.broadcasted_iota(jnp.int32, (_LP, _EBS), 0)
    oh_t = (iota == lab).astype(jnp.float32)
    gt = lax.dot_general(tab_ref[...], oh_t,
                         (((0,), (0,)), ((), ())),
                         preferred_element_type=jnp.float32)
    k1 = _softplus(gt[0:1, :])
    k2 = _softplus(gt[1:2, :])
    d = _softplus(gt[2:3, :])

    s = s_ref[...]
    z1 = jnp.sqrt(s[0:1, :])
    z2 = jnp.sqrt(s[1:2, :])
    euc = z1 * k1 + z2 * k2
    acc_ref[0] += jnp.sum(jnp.maximum(euc - d, 0.0))
    acc_ref[1] += jnp.sum(jnp.maximum(d - euc, 0.0))

    @pl.when(i == nb - 1)
    def _fin():
        pos = acc_ref[0] + part_ref[0, 0]
        neg = acc_ref[1] + part_ref[0, 1]
        loss_ref[0, 0] = (w_ref[0, 0] * pos + neg) / _B


def _epilogue(s_arr, parts, lab2d_sc, tab8, drow, w_arr):
    nb = _BS_SC // _EBS
    return pl.pallas_call(
        _epi_body,
        grid=(nb,),
        in_specs=[
            pl.BlockSpec(memory_space=pltpu.SMEM),
            pl.BlockSpec(memory_space=pltpu.SMEM),
            pl.BlockSpec((nb, _EBS), lambda i: (0, 0)),
            pl.BlockSpec((_LP, 8), lambda i: (0, 0)),
            pl.BlockSpec((1, _LP), lambda i: (0, 0)),
            pl.BlockSpec((2, _EBS), lambda i: (0, i)),
        ],
        out_specs=[
            pl.BlockSpec(memory_space=pltpu.SMEM),
            pl.BlockSpec((1, _LP), lambda i: (0, 0)),
        ],
        out_shape=[
            jax.ShapeDtypeStruct((1, 1), jnp.float32),
            jax.ShapeDtypeStruct((1, _LP), jnp.float32),
        ],
        scratch_shapes=[pltpu.SMEM((2,), jnp.float32)],
        compiler_params=pltpu.CompilerParams(
            dimension_semantics=("arbitrary",),
        ),
    )(w_arr, parts, lab2d_sc, tab8, drow, s_arr)


def kernel(pooled_output, centroids, labels, delta, param_ab, w=1.0):
    labels = labels.astype(jnp.int32)
    cent_flat = jnp.transpose(
        centroids.reshape(_L, 2, _H), (1, 0, 2)).reshape(-1)

    sc_norms = _make_sc_norms()
    s_arr = sc_norms(pooled_output, cent_flat, labels)

    cent_pad = jnp.zeros((_LP, _D), jnp.float32).at[:_L].set(centroids)
    tab128 = jnp.zeros((_LP, 128), jnp.float32)
    tab128 = tab128.at[:_L, 0].set(param_ab[:, 0])
    tab128 = tab128.at[:_L, 1].set(param_ab[:, 1])
    tab128 = tab128.at[:_L, 2].set(delta)
    lab2d_tc = labels[_BS_SC:].reshape((_B - _BS_SC) // _BS, _BS)
    parts = _tc_main(pooled_output, lab2d_tc, cent_pad, tab128)

    tab8 = jnp.zeros((_LP, 8), jnp.float32)
    tab8 = tab8.at[:_L, 0].set(param_ab[:, 0])
    tab8 = tab8.at[:_L, 1].set(param_ab[:, 1])
    tab8 = tab8.at[:_L, 2].set(delta)
    drow = jnp.zeros((1, _LP), jnp.float32).at[0, :_L].set(delta)
    lab2d_sc = labels[:_BS_SC].reshape(_BS_SC // _EBS, _EBS)
    w_arr = jnp.asarray(w, jnp.float32).reshape(1, 1)

    loss, dsp_row = _epilogue(s_arr, parts, lab2d_sc, tab8, drow, w_arr)
    return loss[0, 0], dsp_row[0, :_L]

# --- scband reference (transcript-rebuilt; emitter-appended) ---
"""Pipeline reference for scband-boundary-loss-52364241273067 (READ-ONLY COPY).

The authoritative reference and input builder live on the scoring server;
editing this copy changes nothing except your own understanding.
"""

import jax, jax.numpy as jnp
import numpy as np

NUM_LABELS = 150
FEAT_DIM = 768
PARAM_DIM = 2
BATCH = 16384

def softplus(x):
    return jnp.logaddexp(x, 0.0)

def setup_inputs(seed: int = 0) -> dict:
    key = jax.random.key(seed)
    k1, k2, k3, k4, k5 = jax.random.split(key, 5)
    pooled_output = jax.random.normal(k1, (BATCH, FEAT_DIM), dtype=jnp.float32)
    centroids = jax.random.normal(k2, (NUM_LABELS, FEAT_DIM), dtype=jnp.float32)
    labels = jax.random.randint(k3, (BATCH,), 0, NUM_LABELS, dtype=jnp.int64 if jax.config.jax_enable_x64 else jnp.int32)
    # learned parameters, initialized like the torch module (normal with mean 2 / mean 1)
    delta = jax.random.normal(k4, (NUM_LABELS,), dtype=jnp.float32) + 2.0
    param_ab = jax.random.normal(k5, (NUM_LABELS, PARAM_DIM), dtype=jnp.float32) + 1.0
    w = jnp.float32(1.0)
    return {"pooled_output": pooled_output, "centroids": centroids, "labels": labels, "delta": delta, "param_ab": param_ab, "w": w}

def reference(pooled_output, centroids, labels, delta, param_ab, w=1.0):
    delta_sp = softplus(delta)                      # [L]
    k = softplus(param_ab[labels])                  # [B, param_dim] gather
    d = delta_sp[labels]                            # [B] gather
    c = centroids[labels]                           # [B, D] gather
    x = pooled_output
    z = (x - c).reshape(x.shape[0], PARAM_DIM, x.shape[1] // PARAM_DIM)
    z = jnp.linalg.norm(z, ord=2, axis=2)           # [B, param_dim]
    euc_dis = (z * k).sum(axis=-1)                  # [B]
    pos_mask = (euc_dis > d).astype(jnp.float32)
    neg_mask = (euc_dis < d).astype(jnp.float32)
    pos_loss = (euc_dis - d) * pos_mask
    neg_loss = (d - euc_dis) * neg_mask
    loss = w * pos_loss.mean() + neg_loss.mean()
    return (loss, delta_sp)

if __name__ == "__main__":
    import jax
    _d = setup_inputs()
    print(jax.jit(kernel)(*tuple(_d.values())))

</pallas_src>

<mosaic_0001>
#map = affine_map<(d0, d1) -> (0, 0)>
#map1 = affine_map<(d0, d1) -> (0)>
module attributes {stable_mosaic.version = 14 : i64} {
  func.func @sc_norms(%arg0: i32, %arg1: i32, %arg2: memref<16384x768xf32, #tpu.memory_space<hbm>>, %arg3: memref<115200xf32, #tpu.memory_space<hbm>>, %arg4: memref<16384xi32, #tpu.memory_space<hbm>>, %arg5: memref<2x8192xf32, #tpu.memory_space<hbm>>, %arg6: memref<57600xf32, #tpu.memory_space<vmem>>, %arg7: memref<512xi32, #tpu.memory_space<vmem>>, %arg8: memref<16x384xf32, #tpu.memory_space<vmem>>, %arg9: memref<16x384xf32, #tpu.memory_space<vmem>>, %arg10: memref<1x512xf32, #tpu.memory_space<vmem>>, %arg11: memref<!tpu.dma_semaphore, #tpu.memory_space<semaphore_mem>>, %arg12: memref<!tpu.dma_semaphore, #tpu.memory_space<semaphore_mem>>) attributes {dimension_semantics = [#tpu.dimension_semantics<core_parallel>, #tpu.dimension_semantics<subcore_parallel>], iteration_bounds = array<i64: 2, 16>, scalar_prefetch = 0 : i64, scratch_operands = 7 : i64, tpu.core_type = #tpu.core_type<sc_vector_subcore>, window_params = [{transform_indices = #map}, {transform_indices = #map1}, {transform_indices = #map1}, {transform_indices = #map}]} {
    %mul3A = arith.constant 2 : i32
    %mul3A_0 = arith.muli %arg1, %mul3A : i32
    %add3A = arith.addi %mul3A_0, %arg0 : i32
    %jit3A = arith.constant 2 : i32
    %div3A = arith.divsi %add3A, %jit3A : i32
    %sign3A = arith.constant 0 : i32
    %sign3A_1 = arith.cmpi sgt, %add3A, %sign3A : i32
    %sign3A_2 = arith.extui %sign3A_1 : i1 to i32
    %sign3A_3 = arith.constant 0 : i32
    %sign3A_4 = arith.cmpi slt, %add3A, %sign3A_3 : i32
    %sign3A_5 = arith.extui %sign3A_4 : i1 to i32
    %sign3A_6 = arith.subi %sign3A_2, %sign3A_5 : i32
    %sign3A_7 = arith.constant 0 : i32
    %sign3A_8 = arith.cmpi sgt, %jit3A, %sign3A_7 : i32
    %sign3A_9 = arith.extui %sign3A_8 : i1 to i32
    %sign3A_10 = arith.constant 0 : i32
    %sign3A_11 = arith.cmpi slt, %jit3A, %sign3A_10 : i32
    %sign3A_12 = arith.extui %sign3A_11 : i1 to i32
    %sign3A_13 = arith.subi %sign3A_9, %sign3A_12 : i32
    %ne3A = arith.cmpi ne, %sign3A_6, %sign3A_13 : i32
    %rem3A = arith.remsi %add3A, %jit3A : i32
    %ne3A_14 = arith.constant 0 : i32
    %ne3A_15 = arith.cmpi ne, %rem3A, %ne3A_14 : i32
    %and3A = arith.andi %ne3A, %ne3A_15 : i1
    %sub3A = arith.constant 1 : i32
    %sub3A_16 = arith.subi %div3A, %sub3A : i32
    %select_n3A = arith.select %and3A, %sub3A_16, %div3A : i32
    %jit3A_17 = arith.constant 2 : i32
    %eq3A = arith.constant 0 : i32
    %eq3A_18 = arith.cmpi eq, %jit3A_17, %eq3A : i32
    %jit3A_19 = arith.constant 1 : i32
    %select_n3A_20 = arith.select %eq3A_18, %jit3A_19, %jit3A_17 : i32
    %rem3A_21 = arith.remsi %add3A, %select_n3A_20 : i32
    %ne3A_22 = arith.constant 0 : i32
    %ne3A_23 = arith.cmpi ne, %rem3A_21, %ne3A_22 : i32
    %lt3A = arith.constant 0 : i32
    %lt3A_24 = arith.cmpi slt, %rem3A_21, %lt3A : i32
    %lt3A_25 = arith.constant 0 : i32
    %lt3A_26 = arith.cmpi slt, %select_n3A_20, %lt3A_25 : i32
    %ne3A_27 = arith.xori %lt3A_24, %lt3A_26 : i1
    %and3A_28 = arith.andi %ne3A_27, %ne3A_23 : i1
    %add3A_29 = arith.addi %rem3A_21, %select_n3A_20 : i32
    %select_n3A_30 = arith.select %and3A_28, %add3A_29, %rem3A_21 : i32
    %mul3A_31 = arith.constant 512 : i32
    %mul3A_32 = arith.muli %select_n3A, %mul3A_31 : i32
    %mul3A_33 = arith.constant 384 : i32
    %mul3A_34 = arith.muli %select_n3A_30, %mul3A_33 : i32
    "tpu.region"() ({
      %run_scoped3A = tpu.sem_alloc : memref<!tpu.dma_semaphore, #tpu.memory_space<semaphore_mem>>
      %dma_start3A_59 = tpu.memref_slice %arg4[%mul3A_32] : memref<16384xi32, #tpu.memory_space<hbm>> -> memref<512xi32, #tpu.memory_space<hbm>>
      %dma_start3A_60 = tpu.memref_slice %arg4[%mul3A_32] : memref<16384xi32, #tpu.memory_space<hbm>> -> memref<512xi32, #tpu.memory_space<hbm>>
      tpu.enqueue_dma source(%dma_start3A_60 : memref<512xi32, #tpu.memory_space<hbm>>) target(%arg7 : memref<512xi32, #tpu.memory_space<vmem>>) target_semaphore(%run_scoped3A : memref<!tpu.dma_semaphore, #tpu.memory_space<semaphore_mem>>)
      %dma_wait3A_61 = tpu.memref_slice %arg4[%mul3A_32] : memref<16384xi32, #tpu.memory_space<hbm>> -> memref<512xi32, #tpu.memory_space<hbm>>
      %dma_wait3A_62 = tpu.memref_slice %arg4[%mul3A_32] : memref<16384xi32, #tpu.memory_space<hbm>> -> memref<512xi32, #tpu.memory_space<hbm>>
      tpu.wait_dma2 semaphore(%run_scoped3A : memref<!tpu.dma_semaphore, #tpu.memory_space<semaphore_mem>>) src(%dma_wait3A_62 : memref<512xi32, #tpu.memory_space<hbm>>) dst(%arg7 : memref<512xi32, #tpu.memory_space<vmem>>)
      tpu.yield
    }) : () -> ()
    %mul3A_35 = arith.constant 150 : i32
    %mul3A_36 = arith.muli %select_n3A_30, %mul3A_35 : i32
    %mul3A_37 = arith.constant 384 : i32
    %mul3A_38 = arith.muli %mul3A_36, %mul3A_37 : i32
    "tpu.region"() ({
      %run_scoped3A = tpu.sem_alloc : memref<!tpu.dma_semaphore, #tpu.memory_space<semaphore_mem>>
      %dma_start3A_59 = tpu.memref_slice %arg3[%mul3A_38] : memref<115200xf32, #tpu.memory_space<hbm>> -> memref<57600xf32, #tpu.memory_space<hbm>>
      %dma_start3A_60 = tpu.memref_slice %arg3[%mul3A_38] : memref<115200xf32, #tpu.memory_space<hbm>> -> memref<57600xf32, #tpu.memory_space<hbm>>
      tpu.enqueue_dma source(%dma_start3A_60 : memref<57600xf32, #tpu.memory_space<hbm>>) target(%arg6 : memref<57600xf32, #tpu.memory_space<vmem>>) target_semaphore(%run_scoped3A : memref<!tpu.dma_semaphore, #tpu.memory_space<semaphore_mem>>)
      %dma_wait3A_61 = tpu.memref_slice %arg3[%mul3A_38] : memref<115200xf32, #tpu.memory_space<hbm>> -> memref<57600xf32, #tpu.memory_space<hbm>>
      %dma_wait3A_62 = tpu.memref_slice %arg3[%mul3A_38] : memref<115200xf32, #tpu.memory_space<hbm>> -> memref<57600xf32, #tpu.memory_space<hbm>>
      tpu.wait_dma2 semaphore(%run_scoped3A : memref<!tpu.dma_semaphore, #tpu.memory_space<semaphore_mem>>) src(%dma_wait3A_62 : memref<57600xf32, #tpu.memory_space<hbm>>) dst(%arg6 : memref<57600xf32, #tpu.memory_space<vmem>>)
      tpu.yield
    }) : () -> ()
    %iota3A = tpu.iota {dimensions = array<i32: 0>} : vector<16xi32>
    %add3A_39 = arith.constant 0 : i32
    %add3A_40 = arith.addi %mul3A_32, %add3A_39 : i32
    %dma_start3A = tpu.memref_slice %arg2[%add3A_40, %mul3A_34] : memref<16384x768xf32, #tpu.memory_space<hbm>> -> memref<16x384xf32, #tpu.memory_space<hbm>>
    %dma_start3A_41 = tpu.memref_slice %arg2[%add3A_40, %mul3A_34] : memref<16384x768xf32, #tpu.memory_space<hbm>> -> memref<16x384xf32, #tpu.memory_space<hbm>>
    tpu.enqueue_dma source(%dma_start3A_41 : memref<16x384xf32, #tpu.memory_space<hbm>>) target(%arg8 : memref<16x384xf32, #tpu.memory_space<vmem>>) target_semaphore(%arg11 : memref<!tpu.dma_semaphore, #tpu.memory_space<semaphore_mem>>)
    %add3A_42 = arith.constant 16 : i32
    %add3A_43 = arith.addi %mul3A_32, %add3A_42 : i32
    %dma_start3A_44 = tpu.memref_slice %arg2[%add3A_43, %mul3A_34] : memref<16384x768xf32, #tpu.memory_space<hbm>> -> memref<16x384xf32, #tpu.memory_space<hbm>>
    %dma_start3A_45 = tpu.memref_slice %arg2[%add3A_43, %mul3A_34] : memref<16384x768xf32, #tpu.memory_space<hbm>> -> memref<16x384xf32, #tpu.memory_space<hbm>>
    tpu.enqueue_dma source(%dma_start3A_45 : memref<16x384xf32, #tpu.memory_space<hbm>>) target(%arg9 : memref<16x384xf32, #tpu.memory_space<vmem>>) target_semaphore(%arg12 : memref<!tpu.dma_semaphore, #tpu.memory_space<semaphore_mem>>)
    %scan3A = arith.constant 0 : i32
    %scan3A_46 = arith.constant 0 : i32
    %scan3A_47 = arith.constant 16 : i32
    %scan3A_48 = arith.addi %scan3A_46, %scan3A_47 : i32
    %scan3A_49 = arith.constant 1 : i32
    %scan3A_50 = scf.for %scan3A_59 = %scan3A_46 to %scan3A_48 step %scan3A_49 iter_args(%scan3A_60 = %scan3A) -> (i32)  : i32 {
      %mul3A_61 = arith.constant 2 : i32
      %mul3A_62 = arith.muli %mul3A_61, %scan3A_59 : i32
      %add3A_63 = arith.constant 0 : i32
      %add3A_64 = arith.addi %mul3A_32, %add3A_63 : i32
      %dma_wait3A_65 = tpu.memref_slice %arg2[%add3A_64, %mul3A_34] : memref<16384x768xf32, #tpu.memory_space<hbm>> -> memref<16x384xf32, #tpu.memory_space<hbm>>
      %dma_wait3A_66 = tpu.memref_slice %arg2[%add3A_64, %mul3A_34] : memref<16384x768xf32, #tpu.memory_space<hbm>> -> memref<16x384xf32, #tpu.memory_space<hbm>>
      tpu.wait_dma2 semaphore(%arg11 : memref<!tpu.dma_semaphore, #tpu.memory_space<semaphore_mem>>) src(%dma_wait3A_66 : memref<16x384xf32, #tpu.memory_space<hbm>>) dst(%arg8 : memref<16x384xf32, #tpu.memory_space<vmem>>)
      %mul3A_67 = arith.constant 16 : i32
      %mul3A_68 = arith.muli %mul3A_62, %mul3A_67 : i32
      %get3A = arith.index_cast %mul3A_68 : i32 to index
      %get3A_69 = tpu.vector_load %arg7[%get3A] {strides = array<i32>} : memref<512xi32, #tpu.memory_space<vmem>>, vector<16xi32>,
      %mul3A_70 = arith.constant 384 : i32
      %mul3A_71 = vector.broadcast %mul3A_70 : i32 to vector<16xi32>
      %mul3A_72 = arith.muli %get3A_69, %mul3A_71 : vector<16xi32>
      %add3A_73 = arith.addi %mul3A_72, %iota3A : vector<16xi32>
      %broadcast_in_dim3A = arith.constant 0.000000e+00 : f32
      %broadcast_in_dim3A_74 = vector.broadcast %broadcast_in_dim3A : f32 to vector<16xf32>
      %scan3A_75 = arith.constant 0 : i32
      %scan3A_76 = arith.constant 23 : i32
      %scan3A_77 = arith.addi %scan3A_75, %scan3A_76 : i32
      %scan3A_78 = arith.constant 1 : i32
      %scan3A_79:6 = scf.for %scan3A_907 = %scan3A_75 to %scan3A_77 step %scan3A_78 iter_args(%scan3A_908 = %iota3A, %scan3A_909 = %add3A_73, %scan3A_910 = %broadcast_in_dim3A_74, %scan3A_911 = %broadcast_in_dim3A_74, %scan3A_912 = %broadcast_in_dim3A_74, %scan3A_913 = %broadcast_in_dim3A_74) -> (vector<16xi32>, vector<16xi32>, vector<16xf32>, vector<16xf32>, vector<16xf32>, vector<16xf32>)  : i32 {
        %gather3A_914 = tpu.vector_load_idx %arg8[%iota3A, %scan3A_908] : memref<16x384xf32, #tpu.memory_space<vmem>>[vector<16xi32>, vector<16xi32>], vector<16xf32>,
        %gather3A_915 = tpu.vector_load_idx %arg6[%scan3A_909] : memref<57600xf32, #tpu.memory_space<vmem>>[vector<16xi32>], vector<16xf32>,
        %sub3A_916 = arith.subf %gather3A_914, %gather3A_915 : vector<16xf32>
        %mul3A_917 = arith.mulf %sub3A_916, %sub3A_916 : vector<16xf32>
        %add3A_918 = arith.addf %scan3A_910, %mul3A_917 : vector<16xf32>
        %add3A_919 = arith.constant 1 : i32
        %add3A_920 = vector.broadcast %add3A_919 : i32 to vector<16xi32>
        %add3A_921 = arith.addi %scan3A_908, %add3A_920 : vector<16xi32>
        %add3A_922 = arith.constant 1 : i32
        %add3A_923 = vector.broadcast %add3A_922 : i32 to vector<16xi32>
        %add3A_924 = arith.addi %scan3A_909, %add3A_923 : vector<16xi32>
        %gather3A_925 = tpu.vector_load_idx %arg8[%iota3A, %add3A_921] : memref<16x384xf32, #tpu.memory_space<vmem>>[vector<16xi32>, vector<16xi32>], vector<16xf32>,
        %gather3A_926 = tpu.vector_load_idx %arg6[%add3A_924] : memref<57600xf32, #tpu.memory_space<vmem>>[vector<16xi32>], vector<16xf32>,
        %sub3A_927 = arith.subf %gather3A_925, %gather3A_926 : vector<16xf32>
        %mul3A_928 = arith.mulf %sub3A_927, %sub3A_927 : vector<16xf32>
        %add3A_929 = arith.addf %scan3A_911, %mul3A_928 : vector<16xf32>
        %add3A_930 = arith.constant 1 : i32
        %add3A_931 = vector.broadcast %add3A_930 : i32 to vector<16xi32>
        %add3A_932 = arith.addi %add3A_921, %add3A_931 : vector<16xi32>
        %add3A_933 = arith.constant 1 : i32
        %add3A_934 = vector.broadcast %add3A_933 : i32 to vector<16xi32>
        %add3A_935 = arith.addi %add3A_924, %add3A_934 : vector<16xi32>
        %gather3A_936 = tpu.vector_load_idx %arg8[%iota3A, %add3A_932] : memref<16x384xf32, #tpu.memory_space<vmem>>[vector<16xi32>, vector<16xi32>], vector<16xf32>,
        %gather3A_937 = tpu.vector_load_idx %arg6[%add3A_935] : memref<57600xf32, #tpu.memory_space<vmem>>[vector<16xi32>], vector<16xf32>,
        %sub3A_938 = arith.subf %gather3A_936, %gather3A_937 : vector<16xf32>
        %mul3A_939 = arith.mulf %sub3A_938, %sub3A_938 : vector<16xf32>
        %add3A_940 = arith.addf %scan3A_912, %mul3A_939 : vector<16xf32>
        %add3A_941 = arith.constant 1 : i32
        %add3A_942 = vector.broadcast %add3A_941 : i32 to vector<16xi32>
        %add3A_943 = arith.addi %add3A_932, %add3A_942 : vector<16xi32>
        %add3A_944 = arith.constant 1 : i32
        %add3A_945 = vector.broadcast %add3A_944 : i32 to vector<16xi32>
        %add3A_946 = arith.addi %add3A_935, %add3A_945 : vector<16xi32>
        %gather3A_947 = tpu.vector_load_idx %arg8[%iota3A, %add3A_943] : memref<16x384xf32, #tpu.memory_space<vmem>>[vector<16xi32>, vector<16xi32>], vector<16xf32>,
        %gather3A_948 = tpu.vector_load_idx %arg6[%add3A_946] : memref<57600xf32, #tpu.memory_space<vmem>>[vector<16xi32>], vector<16xf32>,
        %sub3A_949 = arith.subf %gather3A_947, %gather3A_948 : vector<16xf32>
        %mul3A_950 = arith.mulf %sub3A_949, %sub3A_949 : vector<16xf32>
        %add3A_951 = arith.addf %scan3A_913, %mul3A_950 : vector<16xf32>
        %add3A_952 = arith.constant 1 : i32
        %add3A_953 = vector.broadcast %add3A_952 : i32 to vector<16xi32>
        %add3A_954 = arith.addi %add3A_943, %add3A_953 : vector<16xi32>
        %add3A_955 = arith.constant 1 : i32
        %add3A_956 = vector.broadcast %add3A_955 : i32 to vector<16xi32>
        %add3A_957 = arith.addi %add3A_946, %add3A_956 : vector<16xi32>
        %gather3A_958 = tpu.vector_load_idx %arg8[%iota3A, %add3A_954] : memref<16x384xf32, #tpu.memory_space<vmem>>[vector<16xi32>, vector<16xi32>], vector<16xf32>,
        %gather3A_959 = tpu.vector_load_idx %arg6[%add3A_957] : memref<57600xf32, #tpu.memory_space<vmem>>[vector<16xi32>], vector<16xf32>,
        %sub3A_960 = arith.subf %gather3A_958, %gather3A_959 : vector<16xf32>
        %mul3A_961 = arith.mulf %sub3A_960, %sub3A_960 : vector<16xf32>
        %add3A_962 = arith.addf %add3A_918, %mul3A_961 : vector<16xf32>
        %add3A_963 = arith.constant 1 : i32
        %add3A_964 = vector.broadcast %add3A_963 : i32 to vector<16xi32>
        %add3A_965 = arith.addi %add3A_954, %add3A_964 : vector<16xi32>
        %add3A_966 = arith.constant 1 : i32
        %add3A_967 = vector.broadcast %add3A_966 : i32 to vector<16xi32>
        %add3A_968 = arith.addi %add3A_957, %add3A_967 : vector<16xi32>
        %gather3A_969 = tpu.vector_load_idx %arg8[%iota3A, %add3A_965] : memref<16x384xf32, #tpu.memory_space<vmem>>[vector<16xi32>, vector<16xi32>], vector<16xf32>,
        %gather3A_970 = tpu.vector_load_idx %arg6[%add3A_968] : memref<57600xf32, #tpu.memory_space<vmem>>[vector<16xi32>], vector<16xf32>,
        %sub3A_971 = arith.subf %gather3A_969, %gather3A_970 : vector<16xf32>
        %mul3A_972 = arith.mulf %sub3A_971, %sub3A_971 : vector<16xf32>
        %add3A_973 = arith.addf %add3A_929, %mul3A_972 : vector<16xf32>
        %add3A_974 = arith.constant 1 : i32
        %add3A_975 = vector.broadcast %add3A_974 : i32 to vector<16xi32>
        %add3A_976 = arith.addi %add3A_965, %add3A_975 : vector<16xi32>
        %add3A_977 = arith.constant 1 : i32
        %add3A_978 = vector.broadcast %add3A_977 : i32 to vector<16xi32>
        %add3A_979 = arith.addi %add3A_968, %add3A_978 : vector<16xi32>
        %gather3A_980 = tpu.vector_load_idx %arg8[%iota3A, %add3A_976] : memref<16x384xf32, #tpu.memory_space<vmem>>[vector<16xi32>, vector<16xi32>], vector<16xf32>,
        %gather3A_981 = tpu.vector_load_idx %arg6[%add3A_979] : memref<57600xf32, #tpu.memory_space<vmem>>[vector<16xi32>], vector<16xf32>,
        %sub3A_982 = arith.subf %gather3A_980, %gather3A_981 : vector<16xf32>
        %mul3A_983 = arith.mulf %sub3A_982, %sub3A_982 : vector<16xf32>
        %add3A_984 = arith.addf %add3A_940, %mul3A_983 : vector<16xf32>
        %add3A_985 = arith.constant 1 : i32
        %add3A_986 = vector.broadcast %add3A_985 : i32 to vector<16xi32>
        %add3A_987 = arith.addi %add3A_976, %add3A_986 : vector<16xi32>
        %add3A_988 = arith.constant 1 : i32
        %add3A_989 = vector.broadcast %add3A_988 : i32 to vector<16xi32>
        %add3A_990 = arith.addi %add3A_979, %add3A_989 : vector<16xi32>
        %gather3A_991 = tpu.vector_load_idx %arg8[%iota3A, %add3A_987] : memref<16x384xf32, #tpu.memory_space<vmem>>[vector<16xi32>, vector<16xi32>], vector<16xf32>,
        %gather3A_992 = tpu.vector_load_idx %arg6[%add3A_990] : memref<57600xf32, #tpu.memory_space<vmem>>[vector<16xi32>], vector<16xf32>,
        %sub3A_993 = arith.subf %gather3A_991, %gather3A_992 : vector<16xf32>
        %mul3A_994 = arith.mulf %sub3A_993, %sub3A_993 : vector<16xf32>
        %add3A_995 = arith.addf %add3A_951, %mul3A_994 : vector<16xf32>
        %add3A_996 = arith.constant 1 : i32
        %add3A_997 = vector.broadcast %add3A_996 : i32 to vector<16xi32>
        %add3A_998 = arith.addi %add3A_987, %add3A_997 : vector<16xi32>
        %add3A_999 = arith.constant 1 : i32
        %add3A_1000 = vector.broadcast %add3A_999 : i32 to vector<16xi32>
        %add3A_1001 = arith.addi %add3A_990, %add3A_1000 : vector<16xi32>
        %gather3A_1002 = tpu.vector_load_idx %arg8[%iota3A, %add3A_998] : memref<16x384xf32, #tpu.memory_space<vmem>>[vector<16xi32>, vector<16xi32>], vector<16xf32>,
        %gather3A_1003 = tpu.vector_load_idx %arg6[%add3A_1001] : memref<57600xf32, #tpu.memory_space<vmem>>[vector<16xi32>], vector<16xf32>,
        %sub3A_1004 = arith.subf %gather3A_1002, %gather3A_1003 : vector<16xf32>
        %mul3A_1005 = arith.mulf %sub3A_1004, %sub3A_1004 : vector<16xf32>
        %add3A_1006 = arith.addf %add3A_962, %mul3A_1005 : vector<16xf32>
        %add3A_1007 = arith.constant 1 : i32
        %add3A_1008 = vector.broadcast %add3A_1007 : i32 to vector<16xi32>
        %add3A_1009 = arith.addi %add3A_998, %add3A_1008 : vector<16xi32>
        %add3A_1010 = arith.constant 1 : i32
        %add3A_1011 = vector.broadcast %add3A_1010 : i32 to vector<16xi32>
        %add3A_1012 = arith.addi %add3A_1001, %add3A_1011 : vector<16xi32>
        %gather3A_1013 = tpu.vector_load_idx %arg8[%iota3A, %add3A_1009] : memref<16x384xf32, #tpu.memory_space<vmem>>[vector<16xi32>, vector<16xi32>], vector<16xf32>,
        %gather3A_1014 = tpu.vector_load_idx %arg6[%add3A_1012] : memref<57600xf32, #tpu.memory_space<vmem>>[vector<16xi32>], vector<16xf32>,
        %sub3A_1015 = arith.subf %gather3A_1013, %gather3A_1014 : vector<16xf32>
        %mul3A_1016 = arith.mulf %sub3A_1015, %sub3A_1015 : vector<16xf32>
        %add3A_1017 = arith.addf %add3A_973, %mul3A_1016 : vector<16xf32>
        %add3A_1018 = arith.constant 1 : i32
        %add3A_1019 = vector.broadcast %add3A_1018 : i32 to vector<16xi32>
        %add3A_1020 = arith.addi %add3A_1009, %add3A_1019 : vector<16xi32>
        %add3A_1021 = arith.constant 1 : i32
        %add3A_1022 = vector.broadcast %add3A_1021 : i32 to vector<16xi32>
        %add3A_1023 = arith.addi %add3A_1012, %add3A_1022 : vector<16xi32>
        %gather3A_1024 = tpu.vector_load_idx %arg8[%iota3A, %add3A_1020] : memref<16x384xf32, #tpu.memory_space<vmem>>[vector<16xi32>, vector<16xi32>], vector<16xf32>,
        %gather3A_1025 = tpu.vector_load_idx %arg6[%add3A_1023] : memref<57600xf32, #tpu.memory_space<vmem>>[vector<16xi32>], vector<16xf32>,
        %sub3A_1026 = arith.subf %gather3A_1024, %gather3A_1025 : vector<16xf32>
        %mul3A_1027 = arith.mulf %sub3A_1026, %sub3A_1026 : vector<16xf32>
        %add3A_1028 = arith.addf %add3A_984, %mul3A_1027 : vector<16xf32>
        %add3A_1029 = arith.constant 1 : i32
        %add3A_1030 = vector.broadcast %add3A_1029 : i32 to vector<16xi32>
        %add3A_1031 = arith.addi %add3A_1020, %add3A_1030 : vector<16xi32>
        %add3A_1032 = arith.constant 1 : i32
        %add3A_1033 = vector.broadcast %add3A_1032 : i32 to vector<16xi32>
        %add3A_1034 = arith.addi %add3A_1023, %add3A_1033 : vector<16xi32>
        %gather3A_1035 = tpu.vector_load_idx %arg8[%iota3A, %add3A_1031] : memref<16x384xf32, #tpu.memory_space<vmem>>[vector<16xi32>, vector<16xi32>], vector<16xf32>,
        %gather3A_1036 = tpu.vector_load_idx %arg6[%add3A_1034] : memref<57600xf32, #tpu.memory_space<vmem>>[vector<16xi32>], vector<16xf32>,
        %sub3A_1037 = arith.subf %gather3A_1035, %gather3A_1036 : vector<16xf32>
        %mul3A_1038 = arith.mulf %sub3A_1037, %sub3A_1037 : vector<16xf32>
        %add3A_1039 = arith.addf %add3A_995, %mul3A_1038 : vector<16xf32>
        %add3A_1040 = arith.constant 1 : i32
        %add3A_1041 = vector.broadcast %add3A_1040 : i32 to vector<16xi32>
        %add3A_1042 = arith.addi %add3A_1031, %add3A_1041 : vector<16xi32>
        %add3A_1043 = arith.constant 1 : i32
        %add3A_1044 = vector.broadcast %add3A_1043 : i32 to vector<16xi32>
        %add3A_1045 = arith.addi %add3A_1034, %add3A_1044 : vector<16xi32>
        %gather3A_1046 = tpu.vector_load_idx %arg8[%iota3A, %add3A_1042] : memref<16x384xf32, #tpu.memory_space<vmem>>[vector<16xi32>, vector<16xi32>], vector<16xf32>,
        %gather3A_1047 = tpu.vector_load_idx %arg6[%add3A_1045] : memref<57600xf32, #tpu.memory_space<vmem>>[vector<16xi32>], vector<16xf32>,
        %sub3A_1048 = arith.subf %gather3A_1046, %gather3A_1047 : vector<16xf32>
        %mul3A_1049 = arith.mulf %sub3A_1048, %sub3A_1048 : vector<16xf32>
        %add3A_1050 = arith.addf %add3A_1006, %mul3A_1049 : vector<16xf32>
        %add3A_1051 = arith.constant 1 : i32
        %add3A_1052 = vector.broadcast %add3A_1051 : i32 to vector<16xi32>
        %add3A_1053 = arith.addi %add3A_1042, %add3A_1052 : vector<16xi32>
        %add3A_1054 = arith.constant 1 : i32
        %add3A_1055 = vector.broadcast %add3A_1054 : i32 to vector<16xi32>
        %add3A_1056 = arith.addi %add3A_1045, %add3A_1055 : vector<16xi32>
        %gather3A_1057 = tpu.vector_load_idx %arg8[%iota3A, %add3A_1053] : memref<16x384xf32, #tpu.memory_space<vmem>>[vector<16xi32>, vector<16xi32>], vector<16xf32>,
        %gather3A_1058 = tpu.vector_load_idx %arg6[%add3A_1056] : memref<57600xf32, #tpu.memory_space<vmem>>[vector<16xi32>], vector<16xf32>,
        %sub3A_1059 = arith.subf %gather3A_1057, %gather3A_1058 : vector<16xf32>
        %mul3A_1060 = arith.mulf %sub3A_1059, %sub3A_1059 : vector<16xf32>
        %add3A_1061 = arith.addf %add3A_1017, %mul3A_1060 : vector<16xf32>
        %add3A_1062 = arith.constant 1 : i32
        %add3A_1063 = vector.broadcast %add3A_1062 : i32 to vector<16xi32>
        %add3A_1064 = arith.addi %add3A_1053, %add3A_1063 : vector<16xi32>
        %add3A_1065 = arith.constant 1 : i32
        %add3A_1066 = vector.broadcast %add3A_1065 : i32 to vector<16xi32>
        %add3A_1067 = arith.addi %add3A_1056, %add3A_1066 : vector<16xi32>
        %gather3A_1068 = tpu.vector_load_idx %arg8[%iota3A, %add3A_1064] : memref<16x384xf32, #tpu.memory_space<vmem>>[vector<16xi32>, vector<16xi32>], vector<16xf32>,
        %gather3A_1069 = tpu.vector_load_idx %arg6[%add3A_1067] : memref<57600xf32, #tpu.memory_space<vmem>>[vector<16xi32>], vector<16xf32>,
        %sub3A_1070 = arith.subf %gather3A_1068, %gather3A_1069 : vector<16xf32>
        %mul3A_1071 = arith.mulf %sub3A_1070, %sub3A_1070 : vector<16xf32>
        %add3A_1072 = arith.addf %add3A_1028, %mul3A_1071 : vector<16xf32>
        %add3A_1073 = arith.constant 1 : i32
        %add3A_1074 = vector.broadcast %add3A_1073 : i32 to vector<16xi32>
        %add3A_1075 = arith.addi %add3A_1064, %add3A_1074 : vector<16xi32>
        %add3A_1076 = arith.constant 1 : i32
        %add3A_1077 = vector.broadcast %add3A_1076 : i32 to vector<16xi32>
        %add3A_1078 = arith.addi %add3A_1067, %add3A_1077 : vector<16xi32>
        %gather3A_1079 = tpu.vector_load_idx %arg8[%iota3A, %add3A_1075] : memref<16x384xf32, #tpu.memory_space<vmem>>[vector<16xi32>, vector<16xi32>], vector<16xf32>,
        %gather3A_1080 = tpu.vector_load_idx %arg6[%add3A_1078] : memref<57600xf32, #tpu.memory_space<vmem>>[vector<16xi32>], vector<16xf32>,
        %sub3A_1081 = arith.subf %gather3A_1079, %gather3A_1080 : vector<16xf32>
        %mul3A_1082 = arith.mulf %sub3A_1081, %sub3A_1081 : vector<16xf32>
        %add3A_1083 = arith.addf %add3A_1039, %mul3A_1082 : vector<16xf32>
        %add3A_1084 = arith.constant 1 : i32
        %add3A_1085 = vector.broadcast %add3A_1084 : i32 to vector<16xi32>
        %add3A_1086 = arith.addi %add3A_1075, %add3A_1085 : vector<16xi32>
        %add3A_1087 = arith.constant 1 : i32
        %add3A_1088 = vector.broadcast %add3A_1087 : i32 to vector<16xi32>
        %add3A_1089 = arith.addi %add3A_1078, %add3A_1088 : vector<16xi32>
        scf.yield %add3A_1086, %add3A_1089, %add3A_1050, %add3A_1061, %add3A_1072, %add3A_1083 : vector<16xi32>, vector<16xi32>, vector<16xf32>, vector<16xf32>, vector<16xf32>, vector<16xf32>
      }
      %scan3A_80 = arith.constant 23 : i32
      %gather3A = tpu.vector_load_idx %arg8[%iota3A, %scan3A_79#0] : memref<16x384xf32, #tpu.memory_space<vmem>>[vector<16xi32>, vector<16xi32>], vector<16xf32>,
      %gather3A_81 = tpu.vector_load_idx %arg6[%scan3A_79#1] : memref<57600xf32, #tpu.memory_space<vmem>>[vector<16xi32>], vector<16xf32>,
      %sub3A_82 = arith.subf %gather3A, %gather3A_81 : vector<16xf32>
      %mul3A_83 = arith.mulf %sub3A_82, %sub3A_82 : vector<16xf32>
      %add3A_84 = arith.addf %scan3A_79#2, %mul3A_83 : vector<16xf32>
      %add3A_85 = arith.constant 1 : i32
      %add3A_86 = vector.broadcast %add3A_85 : i32 to vector<16xi32>
      %add3A_87 = arith.addi %scan3A_79#0, %add3A_86 : vector<16xi32>
      %eq3A_88 = arith.constant 384 : i32
      %eq3A_89 = vector.broadcast %eq3A_88 : i32 to vector<16xi32>
      %eq3A_90 = arith.cmpi eq, %add3A_87, %eq3A_89 : vector<16xi32>
      %jit3A_91 = arith.constant 0 : i32
      %broadcast_in_dim3A_92 = vector.broadcast %jit3A_91 : i32 to vector<16xi32>
      %select_n3A_93 = arith.select %eq3A_90, %broadcast_in_dim3A_92, %add3A_87 : vector<16xi1>, vector<16xi32>
      %add3A_94 = arith.constant 1 : i32
      %add3A_95 = vector.broadcast %add3A_94 : i32 to vector<16xi32>
      %add3A_96 = arith.addi %scan3A_79#1, %add3A_95 : vector<16xi32>
      %sub3A_97 = arith.constant 384 : i32
      %sub3A_98 = vector.broadcast %sub3A_97 : i32 to vector<16xi32>
      %sub3A_99 = arith.subi %add3A_96, %sub3A_98 : vector<16xi32>
      %add3A_100 = arith.constant 1 : i32
      %add3A_101 = vector.broadcast %add3A_100 : i32 to vector<16xi32>
      %add3A_102 = arith.addi %scan3A_79#1, %add3A_101 : vector<16xi32>
      %select_n3A_103 = arith.select %eq3A_90, %sub3A_99, %add3A_102 : vector<16xi1>, vector<16xi32>
      %gather3A_104 = tpu.vector_load_idx %arg8[%iota3A, %select_n3A_93] : memref<16x384xf32, #tpu.memory_space<vmem>>[vector<16xi32>, vector<16xi32>], vector<16xf32>,
      %gather3A_105 = tpu.vector_load_idx %arg6[%select_n3A_103] : memref<57600xf32, #tpu.memory_space<vmem>>[vector<16xi32>], vector<16xf32>,
      %sub3A_106 = arith.subf %gather3A_104, %gather3A_105 : vector<16xf32>
      %mul3A_107 = arith.mulf %sub3A_106, %sub3A_106 : vector<16xf32>
      %add3A_108 = arith.addf %scan3A_79#3, %mul3A_107 : vector<16xf32>
      %add3A_109 = arith.constant 1 : i32
      %add3A_110 = vector.broadcast %add3A_109 : i32 to vector<16xi32>
      %add3A_111 = arith.addi %select_n3A_93, %add3A_110 : vector<16xi32>
      %eq3A_112 = arith.constant 384 : i32
      %eq3A_113 = vector.broadcast %eq3A_112 : i32 to vector<16xi32>
      %eq3A_114 = arith.cmpi eq, %add3A_111, %eq3A_113 : vector<16xi32>
      %jit3A_115 = arith.constant 0 : i32
      %broadcast_in_dim3A_116 = vector.broadcast %jit3A_115 : i32 to vector<16xi32>
      %select_n3A_117 = arith.select %eq3A_114, %broadcast_in_dim3A_116, %add3A_111 : vector<16xi1>, vector<16xi32>
      %add3A_118 = arith.constant 1 : i32
      %add3A_119 = vector.broadcast %add3A_118 : i32 to vector<16xi32>
      %add3A_120 = arith.addi %select_n3A_103, %add3A_119 : vector<16xi32>
      %sub3A_121 = arith.constant 384 : i32
      %sub3A_122 = vector.broadcast %sub3A_121 : i32 to vector<16xi32>
      %sub3A_123 = arith.subi %add3A_120, %sub3A_122 : vector<16xi32>
      %add3A_124 = arith.constant 1 : i32
      %add3A_125 = vector.broadcast %add3A_124 : i32 to vector<16xi32>
      %add3A_126 = arith.addi %select_n3A_103, %add3A_125 : vector<16xi32>
      %select_n3A_127 = arith.select %eq3A_114, %sub3A_123, %add3A_126 : vector<16xi1>, vector<16xi32>
      %gather3A_128 = tpu.vector_load_idx %arg8[%iota3A, %select_n3A_117] : memref<16x384xf32, #tpu.memory_space<vmem>>[vector<16xi32>, vector<16xi32>], vector<16xf32>,
      %gather3A_129 = tpu.vector_load_idx %arg6[%select_n3A_127] : memref<57600xf32, #tpu.memory_space<vmem>>[vector<16xi32>], vector<16xf32>,
      %sub3A_130 = arith.subf %gather3A_128, %gather3A_129 : vector<16xf32>
      %mul3A_131 = arith.mulf %sub3A_130, %sub3A_130 : vector<16xf32>
      %add3A_132 = arith.addf %scan3A_79#4, %mul3A_131 : vector<16xf32>
      %add3A_133 = arith.constant 1 : i32
      %add3A_134 = vector.broadcast %add3A_133 : i32 to vector<16xi32>
      %add3A_135 = arith.addi %select_n3A_117, %add3A_134 : vector<16xi32>
      %eq3A_136 = arith.constant 384 : i32
      %eq3A_137 = vector.broadcast %eq3A_136 : i32 to vector<16xi32>
      %eq3A_138 = arith.cmpi eq, %add3A_135, %eq3A_137 : vector<16xi32>
      %jit3A_139 = arith.constant 0 : i32
      %broadcast_in_dim3A_140 = vector.broadcast %jit3A_139 : i32 to vector<16xi32>
      %select_n3A_141 = arith.select %eq3A_138, %broadcast_in_dim3A_140, %add3A_135 : vector<16xi1>, vector<16xi32>
      %add3A_142 = arith.constant 1 : i32
      %add3A_143 = vector.broadcast %add3A_142 : i32 to vector<16xi32>
      %add3A_144 = arith.addi %select_n3A_127, %add3A_143 : vector<16xi32>
      %sub3A_145 = arith.constant 384 : i32
      %sub3A_146 = vector.broadcast %sub3A_145 : i32 to vector<16xi32>
      %sub3A_147 = arith.subi %add3A_144, %sub3A_146 : vector<16xi32>
      %add3A_148 = arith.constant 1 : i32
      %add3A_149 = vector.broadcast %add3A_148 : i32 to vector<16xi32>
      %add3A_150 = arith.addi %select_n3A_127, %add3A_149 : vector<16xi32>
      %select_n3A_151 = arith.select %eq3A_138, %sub3A_147, %add3A_150 : vector<16xi1>, vector<16xi32>
      %gather3A_152 = tpu.vector_load_idx %arg8[%iota3A, %select_n3A_141] : memref<16x384xf32, #tpu.memory_space<vmem>>[vector<16xi32>, vector<16xi32>], vector<16xf32>,
      %gather3A_153 = tpu.vector_load_idx %arg6[%select_n3A_151] : memref<57600xf32, #tpu.memory_space<vmem>>[vector<16xi32>], vector<16xf32>,
      %sub3A_154 = arith.subf %gather3A_152, %gather3A_153 : vector<16xf32>
      %mul3A_155 = arith.mulf %sub3A_154, %sub3A_154 : vector<16xf32>
      %add3A_156 = arith.addf %scan3A_79#5, %mul3A_155 : vector<16xf32>
      %add3A_157 = arith.constant 1 : i32
      %add3A_158 = vector.broadcast %add3A_157 : i32 to vector<16xi32>
      %add3A_159 = arith.addi %select_n3A_141, %add3A_158 : vector<16xi32>
      %eq3A_160 = arith.constant 384 : i32
      %eq3A_161 = vector.broadcast %eq3A_160 : i32 to vector<16xi32>
      %eq3A_162 = arith.cmpi eq, %add3A_159, %eq3A_161 : vector<16xi32>
      %jit3A_163 = arith.constant 0 : i32
      %broadcast_in_dim3A_164 = vector.broadcast %jit3A_163 : i32 to vector<16xi32>
      %select_n3A_165 = arith.select %eq3A_162, %broadcast_in_dim3A_164, %add3A_159 : vector<16xi1>, vector<16xi32>
      %add3A_166 = arith.constant 1 : i32
      %add3A_167 = vector.broadcast %add3A_166 : i32 to vector<16xi32>
      %add3A_168 = arith.addi %select_n3A_151, %add3A_167 : vector<16xi32>
      %sub3A_169 = arith.constant 384 : i32
      %sub3A_170 = vector.broadcast %sub3A_169 : i32 to vector<16xi32>
      %sub3A_171 = arith.subi %add3A_168, %sub3A_170 : vector<16xi32>
      %add3A_172 = arith.constant 1 : i32
      %add3A_173 = vector.broadcast %add3A_172 : i32 to vector<16xi32>
      %add3A_174 = arith.addi %select_n3A_151, %add3A_173 : vector<16xi32>
      %select_n3A_175 = arith.select %eq3A_162, %sub3A_171, %add3A_174 : vector<16xi1>, vector<16xi32>
      %gather3A_176 = tpu.vector_load_idx %arg8[%iota3A, %select_n3A_165] : memref<16x384xf32, #tpu.memory_space<vmem>>[vector<16xi32>, vector<16xi32>], vector<16xf32>,
      %gather3A_177 = tpu.vector_load_idx %arg6[%select_n3A_175] : memref<57600xf32, #tpu.memory_space<vmem>>[vector<16xi32>], vector<16xf32>,
      %sub3A_178 = arith.subf %gather3A_176, %gather3A_177 : vector<16xf32>
      %mul3A_179 = arith.mulf %sub3A_178, %sub3A_178 : vector<16xf32>
      %add3A_180 = arith.addf %add3A_84, %mul3A_179 : vector<16xf32>
      %add3A_181 = arith.constant 1 : i32
      %add3A_182 = vector.broadcast %add3A_181 : i32 to vector<16xi32>
      %add3A_183 = arith.addi %select_n3A_165, %add3A_182 : vector<16xi32>
      %eq3A_184 = arith.constant 384 : i32
      %eq3A_185 = vector.broadcast %eq3A_184 : i32 to vector<16xi32>
      %eq3A_186 = arith.cmpi eq, %add3A_183, %eq3A_185 : vector<16xi32>
      %jit3A_187 = arith.constant 0 : i32
      %broadcast_in_dim3A_188 = vector.broadcast %jit3A_187 : i32 to vector<16xi32>
      %select_n3A_189 = arith.select %eq3A_186, %broadcast_in_dim3A_188, %add3A_183 : vector<16xi1>, vector<16xi32>
      %add3A_190 = arith.constant 1 : i32
      %add3A_191 = vector.broadcast %add3A_190 : i32 to vector<16xi32>
      %add3A_192 = arith.addi %select_n3A_175, %add3A_191 : vector<16xi32>
      %sub3A_193 = arith.constant 384 : i32
      %sub3A_194 = vector.broadcast %sub3A_193 : i32 to vector<16xi32>
      %sub3A_195 = arith.subi %add3A_192, %sub3A_194 : vector<16xi32>
      %add3A_196 = arith.constant 1 : i32
      %add3A_197 = vector.broadcast %add3A_196 : i32 to vector<16xi32>
      %add3A_198 = arith.addi %select_n3A_175, %add3A_197 : vector<16xi32>
      %select_n3A_199 = arith.select %eq3A_186, %sub3A_195, %add3A_198 : vector<16xi1>, vector<16xi32>
      %gather3A_200 = tpu.vector_load_idx %arg8[%iota3A, %select_n3A_189] : memref<16x384xf32, #tpu.memory_space<vmem>>[vector<16xi32>, vector<16xi32>], vector<16xf32>,
      %gather3A_201 = tpu.vector_load_idx %arg6[%select_n3A_199] : memref<57600xf32, #tpu.memory_space<vmem>>[vector<16xi32>], vector<16xf32>,
      %sub3A_202 = arith.subf %gather3A_200, %gather3A_201 : vector<16xf32>
      %mul3A_203 = arith.mulf %sub3A_202, %sub3A_202 : vector<16xf32>
      %add3A_204 = arith.addf %add3A_108, %mul3A_203 : vector<16xf32>
      %add3A_205 = arith.constant 1 : i32
      %add3A_206 = vector.broadcast %add3A_205 : i32 to vector<16xi32>
      %add3A_207 = arith.addi %select_n3A_189, %add3A_206 : vector<16xi32>
      %eq3A_208 = arith.constant 384 : i32
      %eq3A_209 = vector.broadcast %eq3A_208 : i32 to vector<16xi32>
      %eq3A_210 = arith.cmpi eq, %add3A_207, %eq3A_209 : vector<16xi32>
      %jit3A_211 = arith.constant 0 : i32
      %broadcast_in_dim3A_212 = vector.broadcast %jit3A_211 : i32 to vector<16xi32>
      %select_n3A_213 = arith.select %eq3A_210, %broadcast_in_dim3A_212, %add3A_207 : vector<16xi1>, vector<16xi32>
      %add3A_214 = arith.constant 1 : i32
      %add3A_215 = vector.broadcast %add3A_214 : i32 to vector<16xi32>
      %add3A_216 = arith.addi %select_n3A_199, %add3A_215 : vector<16xi32>
      %sub3A_217 = arith.constant 384 : i32
      %sub3A_218 = vector.broadcast %sub3A_217 : i32 to vector<16xi32>
      %sub3A_219 = arith.subi %add3A_216, %sub3A_218 : vector<16xi32>
      %add3A_220 = arith.constant 1 : i32
      %add3A_221 = vector.broadcast %add3A_220 : i32 to vector<16xi32>
      %add3A_222 = arith.addi %select_n3A_199, %add3A_221 : vector<16xi32>
      %select_n3A_223 = arith.select %eq3A_210, %sub3A_219, %add3A_222 : vector<16xi1>, vector<16xi32>
      %gather3A_224 = tpu.vector_load_idx %arg8[%iota3A, %select_n3A_213] : memref<16x384xf32, #tpu.memory_space<vmem>>[vector<16xi32>, vector<16xi32>], vector<16xf32>,
      %gather3A_225 = tpu.vector_load_idx %arg6[%select_n3A_223] : memref<57600xf32, #tpu.memory_space<vmem>>[vector<16xi32>], vector<16xf32>,
      %sub3A_226 = arith.subf %gather3A_224, %gather3A_225 : vector<16xf32>
      %mul3A_227 = arith.mulf %sub3A_226, %sub3A_226 : vector<16xf32>
      %add3A_228 = arith.addf %add3A_132, %mul3A_227 : vector<16xf32>
      %add3A_229 = arith.constant 1 : i32
      %add3A_230 = vector.broadcast %add3A_229 : i32 to vector<16xi32>
      %add3A_231 = arith.addi %select_n3A_213, %add3A_230 : vector<16xi32>
      %eq3A_232 = arith.constant 384 : i32
      %eq3A_233 = vector.broadcast %eq3A_232 : i32 to vector<16xi32>
      %eq3A_234 = arith.cmpi eq, %add3A_231, %eq3A_233 : vector<16xi32>
      %jit3A_235 = arith.constant 0 : i32
      %broadcast_in_dim3A_236 = vector.broadcast %jit3A_235 : i32 to vector<16xi32>
      %select_n3A_237 = arith.select %eq3A_234, %broadcast_in_dim3A_236, %add3A_231 : vector<16xi1>, vector<16xi32>
      %add3A_238 = arith.constant 1 : i32
      %add3A_239 = vector.broadcast %add3A_238 : i32 to vector<16xi32>
      %add3A_240 = arith.addi %select_n3A_223, %add3A_239 : vector<16xi32>
      %sub3A_241 = arith.constant 384 : i32
      %sub3A_242 = vector.broadcast %sub3A_241 : i32 to vector<16xi32>
      %sub3A_243 = arith.subi %add3A_240, %sub3A_242 : vector<16xi32>
      %add3A_244 = arith.constant 1 : i32
      %add3A_245 = vector.broadcast %add3A_244 : i32 to vector<16xi32>
      %add3A_246 = arith.addi %select_n3A_223, %add3A_245 : vector<16xi32>
      %select_n3A_247 = arith.select %eq3A_234, %sub3A_243, %add3A_246 : vector<16xi1>, vector<16xi32>
      %gather3A_248 = tpu.vector_load_idx %arg8[%iota3A, %select_n3A_237] : memref<16x384xf32, #tpu.memory_space<vmem>>[vector<16xi32>, vector<16xi32>], vector<16xf32>,
      %gather3A_249 = tpu.vector_load_idx %arg6[%select_n3A_247] : memref<57600xf32, #tpu.memory_space<vmem>>[vector<16xi32>], vector<16xf32>,
      %sub3A_250 = arith.subf %gather3A_248, %gather3A_249 : vector<16xf32>
      %mul3A_251 = arith.mulf %sub3A_250, %sub3A_250 : vector<16xf32>
      %add3A_252 = arith.addf %add3A_156, %mul3A_251 : vector<16xf32>
      %add3A_253 = arith.constant 1 : i32
      %add3A_254 = vector.broadcast %add3A_253 : i32 to vector<16xi32>
      %add3A_255 = arith.addi %select_n3A_237, %add3A_254 : vector<16xi32>
      %eq3A_256 = arith.constant 384 : i32
      %eq3A_257 = vector.broadcast %eq3A_256 : i32 to vector<16xi32>
      %eq3A_258 = arith.cmpi eq, %add3A_255, %eq3A_257 : vector<16xi32>
      %jit3A_259 = arith.constant 0 : i32
      %broadcast_in_dim3A_260 = vector.broadcast %jit3A_259 : i32 to vector<16xi32>
      %select_n3A_261 = arith.select %eq3A_258, %broadcast_in_dim3A_260, %add3A_255 : vector<16xi1>, vector<16xi32>
      %add3A_262 = arith.constant 1 : i32
      %add3A_263 = vector.broadcast %add3A_262 : i32 to vector<16xi32>
      %add3A_264 = arith.addi %select_n3A_247, %add3A_263 : vector<16xi32>
      %sub3A_265 = arith.constant 384 : i32
      %sub3A_266 = vector.broadcast %sub3A_265 : i32 to vector<16xi32>
      %sub3A_267 = arith.subi %add3A_264, %sub3A_266 : vector<16xi32>
      %add3A_268 = arith.constant 1 : i32
      %add3A_269 = vector.broadcast %add3A_268 : i32 to vector<16xi32>
      %add3A_270 = arith.addi %select_n3A_247, %add3A_269 : vector<16xi32>
      %select_n3A_271 = arith.select %eq3A_258, %sub3A_267, %add3A_270 : vector<16xi1>, vector<16xi32>
      %gather3A_272 = tpu.vector_load_idx %arg8[%iota3A, %select_n3A_261] : memref<16x384xf32, #tpu.memory_space<vmem>>[vector<16xi32>, vector<16xi32>], vector<16xf32>,
      %gather3A_273 = tpu.vector_load_idx %arg6[%select_n3A_271] : memref<57600xf32, #tpu.memory_space<vmem>>[vector<16xi32>], vector<16xf32>,
      %sub3A_274 = arith.subf %gather3A_272, %gather3A_273 : vector<16xf32>
      %mul3A_275 = arith.mulf %sub3A_274, %sub3A_274 : vector<16xf32>
      %add3A_276 = arith.addf %add3A_180, %mul3A_275 : vector<16xf32>
      %add3A_277 = arith.constant 1 : i32
      %add3A_278 = vector.broadcast %add3A_277 : i32 to vector<16xi32>
      %add3A_279 = arith.addi %select_n3A_261, %add3A_278 : vector<16xi32>
      %eq3A_280 = arith.constant 384 : i32
      %eq3A_281 = vector.broadcast %eq3A_280 : i32 to vector<16xi32>
      %eq3A_282 = arith.cmpi eq, %add3A_279, %eq3A_281 : vector<16xi32>
      %jit3A_283 = arith.constant 0 : i32
      %broadcast_in_dim3A_284 = vector.broadcast %jit3A_283 : i32 to vector<16xi32>
      %select_n3A_285 = arith.select %eq3A_282, %broadcast_in_dim3A_284, %add3A_279 : vector<16xi1>, vector<16xi32>
      %add3A_286 = arith.constant 1 : i32
      %add3A_287 = vector.broadcast %add3A_286 : i32 to vector<16xi32>
      %add3A_288 = arith.addi %select_n3A_271, %add3A_287 : vector<16xi32>
      %sub3A_289 = arith.constant 384 : i32
      %sub3A_290 = vector.broadcast %sub3A_289 : i32 to vector<16xi32>
      %sub3A_291 = arith.subi %add3A_288, %sub3A_290 : vector<16xi32>
      %add3A_292 = arith.constant 1 : i32
      %add3A_293 = vector.broadcast %add3A_292 : i32 to vector<16xi32>
      %add3A_294 = arith.addi %select_n3A_271, %add3A_293 : vector<16xi32>
      %select_n3A_295 = arith.select %eq3A_282, %sub3A_291, %add3A_294 : vector<16xi1>, vector<16xi32>
      %gather3A_296 = tpu.vector_load_idx %arg8[%iota3A, %select_n3A_285] : memref<16x384xf32, #tpu.memory_space<vmem>>[vector<16xi32>, vector<16xi32>], vector<16xf32>,
      %gather3A_297 = tpu.vector_load_idx %arg6[%select_n3A_295] : memref<57600xf32, #tpu.memory_space<vmem>>[vector<16xi32>], vector<16xf32>,
      %sub3A_298 = arith.subf %gather3A_296, %gather3A_297 : vector<16xf32>
      %mul3A_299 = arith.mulf %sub3A_298, %sub3A_298 : vector<16xf32>
      %add3A_300 = arith.addf %add3A_204, %mul3A_299 : vector<16xf32>
      %add3A_301 = arith.constant 1 : i32
      %add3A_302 = vector.broadcast %add3A_301 : i32 to vector<16xi32>
      %add3A_303 = arith.addi %select_n3A_285, %add3A_302 : vector<16xi32>
      %eq3A_304 = arith.constant 384 : i32
      %eq3A_305 = vector.broadcast %eq3A_304 : i32 to vector<16xi32>
      %eq3A_306 = arith.cmpi eq, %add3A_303, %eq3A_305 : vector<16xi32>
      %jit3A_307 = arith.constant 0 : i32
      %broadcast_in_dim3A_308 = vector.broadcast %jit3A_307 : i32 to vector<16xi32>
      %select_n3A_309 = arith.select %eq3A_306, %broadcast_in_dim3A_308, %add3A_303 : vector<16xi1>, vector<16xi32>
      %add3A_310 = arith.constant 1 : i32
      %add3A_311 = vector.broadcast %add3A_310 : i32 to vector<16xi32>
      %add3A_312 = arith.addi %select_n3A_295, %add3A_311 : vector<16xi32>
      %sub3A_313 = arith.constant 384 : i32
      %sub3A_314 = vector.broadcast %sub3A_313 : i32 to vector<16xi32>
      %sub3A_315 = arith.subi %add3A_312, %sub3A_314 : vector<16xi32>
      %add3A_316 = arith.constant 1 : i32
      %add3A_317 = vector.broadcast %add3A_316 : i32 to vector<16xi32>
      %add3A_318 = arith.addi %select_n3A_295, %add3A_317 : vector<16xi32>
      %select_n3A_319 = arith.select %eq3A_306, %sub3A_315, %add3A_318 : vector<16xi1>, vector<16xi32>
      %gather3A_320 = tpu.vector_load_idx %arg8[%iota3A, %select_n3A_309] : memref<16x384xf32, #tpu.memory_space<vmem>>[vector<16xi32>, vector<16xi32>], vector<16xf32>,
      %gather3A_321 = tpu.vector_load_idx %arg6[%select_n3A_319] : memref<57600xf32, #tpu.memory_space<vmem>>[vector<16xi32>], vector<16xf32>,
      %sub3A_322 = arith.subf %gather3A_320, %gather3A_321 : vector<16xf32>
      %mul3A_323 = arith.mulf %sub3A_322, %sub3A_322 : vector<16xf32>
      %add3A_324 = arith.addf %add3A_228, %mul3A_323 : vector<16xf32>
      %add3A_325 = arith.constant 1 : i32
      %add3A_326 = vector.broadcast %add3A_325 : i32 to vector<16xi32>
      %add3A_327 = arith.addi %select_n3A_309, %add3A_326 : vector<16xi32>
      %eq3A_328 = arith.constant 384 : i32
      %eq3A_329 = vector.broadcast %eq3A_328 : i32 to vector<16xi32>
      %eq3A_330 = arith.cmpi eq, %add3A_327, %eq3A_329 : vector<16xi32>
      %jit3A_331 = arith.constant 0 : i32
      %broadcast_in_dim3A_332 = vector.broadcast %jit3A_331 : i32 to vector<16xi32>
      %select_n3A_333 = arith.select %eq3A_330, %broadcast_in_dim3A_332, %add3A_327 : vector<16xi1>, vector<16xi32>
      %add3A_334 = arith.constant 1 : i32
      %add3A_335 = vector.broadcast %add3A_334 : i32 to vector<16xi32>
      %add3A_336 = arith.addi %select_n3A_319, %add3A_335 : vector<16xi32>
      %sub3A_337 = arith.constant 384 : i32
      %sub3A_338 = vector.broadcast %sub3A_337 : i32 to vector<16xi32>
      %sub3A_339 = arith.subi %add3A_336, %sub3A_338 : vector<16xi32>
      %add3A_340 = arith.constant 1 : i32
      %add3A_341 = vector.broadcast %add3A_340 : i32 to vector<16xi32>
      %add3A_342 = arith.addi %select_n3A_319, %add3A_341 : vector<16xi32>
      %select_n3A_343 = arith.select %eq3A_330, %sub3A_339, %add3A_342 : vector<16xi1>, vector<16xi32>
      %gather3A_344 = tpu.vector_load_idx %arg8[%iota3A, %select_n3A_333] : memref<16x384xf32, #tpu.memory_space<vmem>>[vector<16xi32>, vector<16xi32>], vector<16xf32>,
      %gather3A_345 = tpu.vector_load_idx %arg6[%select_n3A_343] : memref<57600xf32, #tpu.memory_space<vmem>>[vector<16xi32>], vector<16xf32>,
      %sub3A_346 = arith.subf %gather3A_344, %gather3A_345 : vector<16xf32>
      %mul3A_347 = arith.mulf %sub3A_346, %sub3A_346 : vector<16xf32>
      %add3A_348 = arith.addf %add3A_252, %mul3A_347 : vector<16xf32>
      %add3A_349 = arith.constant 1 : i32
      %add3A_350 = vector.broadcast %add3A_349 : i32 to vector<16xi32>
      %add3A_351 = arith.addi %select_n3A_333, %add3A_350 : vector<16xi32>
      %eq3A_352 = arith.constant 384 : i32
      %eq3A_353 = vector.broadcast %eq3A_352 : i32 to vector<16xi32>
      %eq3A_354 = arith.cmpi eq, %add3A_351, %eq3A_353 : vector<16xi32>
      %jit3A_355 = arith.constant 0 : i32
      %broadcast_in_dim3A_356 = vector.broadcast %jit3A_355 : i32 to vector<16xi32>
      %select_n3A_357 = arith.select %eq3A_354, %broadcast_in_dim3A_356, %add3A_351 : vector<16xi1>, vector<16xi32>
      %add3A_358 = arith.constant 1 : i32
      %add3A_359 = vector.broadcast %add3A_358 : i32 to vector<16xi32>
      %add3A_360 = arith.addi %select_n3A_343, %add3A_359 : vector<16xi32>
      %sub3A_361 = arith.constant 384 : i32
      %sub3A_362 = vector.broadcast %sub3A_361 : i32 to vector<16xi32>
      %sub3A_363 = arith.subi %add3A_360, %sub3A_362 : vector<16xi32>
      %add3A_364 = arith.constant 1 : i32
      %add3A_365 = vector.broadcast %add3A_364 : i32 to vector<16xi32>
      %add3A_366 = arith.addi %select_n3A_343, %add3A_365 : vector<16xi32>
      %select_n3A_367 = arith.select %eq3A_354, %sub3A_363, %add3A_366 : vector<16xi1>, vector<16xi32>
      %gather3A_368 = tpu.vector_load_idx %arg8[%iota3A, %select_n3A_357] : memref<16x384xf32, #tpu.memory_space<vmem>>[vector<16xi32>, vector<16xi32>], vector<16xf32>,
      %gather3A_369 = tpu.vector_load_idx %arg6[%select_n3A_367] : memref<57600xf32, #tpu.memory_space<vmem>>[vector<16xi32>], vector<16xf32>,
      %sub3A_370 = arith.subf %gather3A_368, %gather3A_369 : vector<16xf32>
      %mul3A_371 = arith.mulf %sub3A_370, %sub3A_370 : vector<16xf32>
      %add3A_372 = arith.addf %add3A_276, %mul3A_371 : vector<16xf32>
      %add3A_373 = arith.constant 1 : i32
      %add3A_374 = vector.broadcast %add3A_373 : i32 to vector<16xi32>
      %add3A_375 = arith.addi %select_n3A_357, %add3A_374 : vector<16xi32>
      %eq3A_376 = arith.constant 384 : i32
      %eq3A_377 = vector.broadcast %eq3A_376 : i32 to vector<16xi32>
      %eq3A_378 = arith.cmpi eq, %add3A_375, %eq3A_377 : vector<16xi32>
      %jit3A_379 = arith.constant 0 : i32
      %broadcast_in_dim3A_380 = vector.broadcast %jit3A_379 : i32 to vector<16xi32>
      %select_n3A_381 = arith.select %eq3A_378, %broadcast_in_dim3A_380, %add3A_375 : vector<16xi1>, vector<16xi32>
      %add3A_382 = arith.constant 1 : i32
      %add3A_383 = vector.broadcast %add3A_382 : i32 to vector<16xi32>
      %add3A_384 = arith.addi %select_n3A_367, %add3A_383 : vector<16xi32>
      %sub3A_385 = arith.constant 384 : i32
      %sub3A_386 = vector.broadcast %sub3A_385 : i32 to vector<16xi32>
      %sub3A_387 = arith.subi %add3A_384, %sub3A_386 : vector<16xi32>
      %add3A_388 = arith.constant 1 : i32
      %add3A_389 = vector.broadcast %add3A_388 : i32 to vector<16xi32>
      %add3A_390 = arith.addi %select_n3A_367, %add3A_389 : vector<16xi32>
      %select_n3A_391 = arith.select %eq3A_378, %sub3A_387, %add3A_390 : vector<16xi1>, vector<16xi32>
      %gather3A_392 = tpu.vector_load_idx %arg8[%iota3A, %select_n3A_381] : memref<16x384xf32, #tpu.memory_space<vmem>>[vector<16xi32>, vector<16xi32>], vector<16xf32>,
      %gather3A_393 = tpu.vector_load_idx %arg6[%select_n3A_391] : memref<57600xf32, #tpu.memory_space<vmem>>[vector<16xi32>], vector<16xf32>,
      %sub3A_394 = arith.subf %gather3A_392, %gather3A_393 : vector<16xf32>
      %mul3A_395 = arith.mulf %sub3A_394, %sub3A_394 : vector<16xf32>
      %add3A_396 = arith.addf %add3A_300, %mul3A_395 : vector<16xf32>
      %add3A_397 = arith.constant 1 : i32
      %add3A_398 = vector.broadcast %add3A_397 : i32 to vector<16xi32>
      %add3A_399 = arith.addi %select_n3A_381, %add3A_398 : vector<16xi32>
      %eq3A_400 = arith.constant 384 : i32
      %eq3A_401 = vector.broadcast %eq3A_400 : i32 to vector<16xi32>
      %eq3A_402 = arith.cmpi eq, %add3A_399, %eq3A_401 : vector<16xi32>
      %jit3A_403 = arith.constant 0 : i32
      %broadcast_in_dim3A_404 = vector.broadcast %jit3A_403 : i32 to vector<16xi32>
      %select_n3A_405 = arith.select %eq3A_402, %broadcast_in_dim3A_404, %add3A_399 : vector<16xi1>, vector<16xi32>
      %add3A_406 = arith.constant 1 : i32
      %add3A_407 = vector.broadcast %add3A_406 : i32 to vector<16xi32>
      %add3A_408 = arith.addi %select_n3A_391, %add3A_407 : vector<16xi32>
      %sub3A_409 = arith.constant 384 : i32
      %sub3A_410 = vector.broadcast %sub3A_409 : i32 to vector<16xi32>
      %sub3A_411 = arith.subi %add3A_408, %sub3A_410 : vector<16xi32>
      %add3A_412 = arith.constant 1 : i32
      %add3A_413 = vector.broadcast %add3A_412 : i32 to vector<16xi32>
      %add3A_414 = arith.addi %select_n3A_391, %add3A_413 : vector<16xi32>
      %select_n3A_415 = arith.select %eq3A_402, %sub3A_411, %add3A_414 : vector<16xi1>, vector<16xi32>
      %gather3A_416 = tpu.vector_load_idx %arg8[%iota3A, %select_n3A_405] : memref<16x384xf32, #tpu.memory_space<vmem>>[vector<16xi32>, vector<16xi32>], vector<16xf32>,
      %gather3A_417 = tpu.vector_load_idx %arg6[%select_n3A_415] : memref<57600xf32, #tpu.memory_space<vmem>>[vector<16xi32>], vector<16xf32>,
      %sub3A_418 = arith.subf %gather3A_416, %gather3A_417 : vector<16xf32>
      %mul3A_419 = arith.mulf %sub3A_418, %sub3A_418 : vector<16xf32>
      %add3A_420 = arith.addf %add3A_324, %mul3A_419 : vector<16xf32>
      %add3A_421 = arith.constant 1 : i32
      %add3A_422 = vector.broadcast %add3A_421 : i32 to vector<16xi32>
      %add3A_423 = arith.addi %select_n3A_405, %add3A_422 : vector<16xi32>
      %eq3A_424 = arith.constant 384 : i32
      %eq3A_425 = vector.broadcast %eq3A_424 : i32 to vector<16xi32>
      %eq3A_426 = arith.cmpi eq, %add3A_423, %eq3A_425 : vector<16xi32>
      %jit3A_427 = arith.constant 0 : i32
      %broadcast_in_dim3A_428 = vector.broadcast %jit3A_427 : i32 to vector<16xi32>
      %select_n3A_429 = arith.select %eq3A_426, %broadcast_in_dim3A_428, %add3A_423 : vector<16xi1>, vector<16xi32>
      %add3A_430 = arith.constant 1 : i32
      %add3A_431 = vector.broadcast %add3A_430 : i32 to vector<16xi32>
      %add3A_432 = arith.addi %select_n3A_415, %add3A_431 : vector<16xi32>
      %sub3A_433 = arith.constant 384 : i32
      %sub3A_434 = vector.broadcast %sub3A_433 : i32 to vector<16xi32>
      %sub3A_435 = arith.subi %add3A_432, %sub3A_434 : vector<16xi32>
      %add3A_436 = arith.constant 1 : i32
      %add3A_437 = vector.broadcast %add3A_436 : i32 to vector<16xi32>
      %add3A_438 = arith.addi %select_n3A_415, %add3A_437 : vector<16xi32>
      %select_n3A_439 = arith.select %eq3A_426, %sub3A_435, %add3A_438 : vector<16xi1>, vector<16xi32>
      %gather3A_440 = tpu.vector_load_idx %arg8[%iota3A, %select_n3A_429] : memref<16x384xf32, #tpu.memory_space<vmem>>[vector<16xi32>, vector<16xi32>], vector<16xf32>,
      %gather3A_441 = tpu.vector_load_idx %arg6[%select_n3A_439] : memref<57600xf32, #tpu.memory_space<vmem>>[vector<16xi32>], vector<16xf32>,
      %sub3A_442 = arith.subf %gather3A_440, %gather3A_441 : vector<16xf32>
      %mul3A_443 = arith.mulf %sub3A_442, %sub3A_442 : vector<16xf32>
      %add3A_444 = arith.addf %add3A_348, %mul3A_443 : vector<16xf32>
      %add3A_445 = arith.constant 1 : i32
      %add3A_446 = vector.broadcast %add3A_445 : i32 to vector<16xi32>
      %add3A_447 = arith.addi %select_n3A_429, %add3A_446 : vector<16xi32>
      %eq3A_448 = arith.constant 384 : i32
      %eq3A_449 = vector.broadcast %eq3A_448 : i32 to vector<16xi32>
      %eq3A_450 = arith.cmpi eq, %add3A_447, %eq3A_449 : vector<16xi32>
      %jit3A_451 = arith.constant 0 : i32
      %broadcast_in_dim3A_452 = vector.broadcast %jit3A_451 : i32 to vector<16xi32>
      %select_n3A_453 = arith.select %eq3A_450, %broadcast_in_dim3A_452, %add3A_447 : vector<16xi1>, vector<16xi32>
      %add3A_454 = arith.constant 1 : i32
      %add3A_455 = vector.broadcast %add3A_454 : i32 to vector<16xi32>
      %add3A_456 = arith.addi %select_n3A_439, %add3A_455 : vector<16xi32>
      %sub3A_457 = arith.constant 384 : i32
      %sub3A_458 = vector.broadcast %sub3A_457 : i32 to vector<16xi32>
      %sub3A_459 = arith.subi %add3A_456, %sub3A_458 : vector<16xi32>
      %add3A_460 = arith.constant 1 : i32
      %add3A_461 = vector.broadcast %add3A_460 : i32 to vector<16xi32>
      %add3A_462 = arith.addi %select_n3A_439, %add3A_461 : vector<16xi32>
      %select_n3A_463 = arith.select %eq3A_450, %sub3A_459, %add3A_462 : vector<16xi1>, vector<16xi32>
      %add3A_464 = arith.addf %add3A_372, %add3A_396 : vector<16xf32>
      %add3A_465 = arith.addf %add3A_420, %add3A_444 : vector<16xf32>
      %add3A_466 = arith.addf %add3A_464, %add3A_465 : vector<16xf32>
      %mul3A_467 = arith.constant 16 : i32
      %mul3A_468 = arith.muli %mul3A_62, %mul3A_467 : i32
      %swap3A = arith.constant 0 : i32
      %swap3A_469 = arith.index_cast %swap3A : i32 to index
      %swap3A_470 = arith.index_cast %mul3A_468 : i32 to index
      %swap3A_471 = tpu.vector_load %arg10[%swap3A_469, %swap3A_470] {strides = array<i32>} : memref<1x512xf32, #tpu.memory_space<vmem>>, vector<16xf32>,
      tpu.vector_store %arg10[%swap3A_469, %swap3A_470], %add3A_466 {strides = array<i32>} : memref<1x512xf32, #tpu.memory_space<vmem>>, vector<16xf32>,
      %add3A_472 = arith.constant 2 : i32
      %add3A_473 = arith.addi %mul3A_62, %add3A_472 : i32
      %min3A = arith.constant 31 : i32
      %min3A_474 = arith.minsi %add3A_473, %min3A : i32
      %mul3A_475 = arith.constant 16 : i32
      %mul3A_476 = arith.muli %min3A_474, %mul3A_475 : i32
      %add3A_477 = arith.addi %mul3A_32, %mul3A_476 : i32
      %dma_start3A_478 = tpu.memref_slice %arg2[%add3A_477, %mul3A_34] : memref<16384x768xf32, #tpu.memory_space<hbm>> -> memref<16x384xf32, #tpu.memory_space<hbm>>
      %dma_start3A_479 = tpu.memref_slice %arg2[%add3A_477, %mul3A_34] : memref<16384x768xf32, #tpu.memory_space<hbm>> -> memref<16x384xf32, #tpu.memory_space<hbm>>
      tpu.enqueue_dma source(%dma_start3A_479 : memref<16x384xf32, #tpu.memory_space<hbm>>) target(%arg8 : memref<16x384xf32, #tpu.memory_space<vmem>>) target_semaphore(%arg11 : memref<!tpu.dma_semaphore, #tpu.memory_space<semaphore_mem>>)
      %mul3A_480 = arith.constant 2 : i32
      %mul3A_481 = arith.muli %mul3A_480, %scan3A_59 : i32
      %add3A_482 = arith.constant 1 : i32
      %add3A_483 = arith.addi %mul3A_481, %add3A_482 : i32
      %add3A_484 = arith.constant 0 : i32
      %add3A_485 = arith.addi %mul3A_32, %add3A_484 : i32
      %dma_wait3A_486 = tpu.memref_slice %arg2[%add3A_485, %mul3A_34] : memref<16384x768xf32, #tpu.memory_space<hbm>> -> memref<16x384xf32, #tpu.memory_space<hbm>>
      %dma_wait3A_487 = tpu.memref_slice %arg2[%add3A_485, %mul3A_34] : memref<16384x768xf32, #tpu.memory_space<hbm>> -> memref<16x384xf32, #tpu.memory_space<hbm>>
      tpu.wait_dma2 semaphore(%arg12 : memref<!tpu.dma_semaphore, #tpu.memory_space<semaphore_mem>>) src(%dma_wait3A_487 : memref<16x384xf32, #tpu.memory_space<hbm>>) dst(%arg9 : memref<16x384xf32, #tpu.memory_space<vmem>>)
      %mul3A_488 = arith.constant 16 : i32
      %mul3A_489 = arith.muli %add3A_483, %mul3A_488 : i32
      %get3A_490 = arith.index_cast %mul3A_489 : i32 to index
      %get3A_491 = tpu.vector_load %arg7[%get3A_490] {strides = array<i32>} : memref<512xi32, #tpu.memory_space<vmem>>, vector<16xi32>,
      %mul3A_492 = arith.constant 384 : i32
      %mul3A_493 = vector.broadcast %mul3A_492 : i32 to vector<16xi32>
      %mul3A_494 = arith.muli %get3A_491, %mul3A_493 : vector<16xi32>
      %add3A_495 = arith.addi %mul3A_494, %iota3A : vector<16xi32>
      %broadcast_in_dim3A_496 = arith.constant 0.000000e+00 : f32
      %broadcast_in_dim3A_497 = vector.broadcast %broadcast_in_dim3A_496 : f32 to vector<16xf32>
      %scan3A_498 = arith.constant 0 : i32
      %scan3A_499 = arith.constant 23 : i32
      %scan3A_500 = arith.addi %scan3A_498, %scan3A_499 : i32
      %scan3A_501 = arith.constant 1 : i32
      %scan3A_502:6 = scf.for %scan3A_907 = %scan3A_498 to %scan3A_500 step %scan3A_501 iter_args(%scan3A_908 = %iota3A, %scan3A_909 = %add3A_495, %scan3A_910 = %broadcast_in_dim3A_497, %scan3A_911 = %broadcast_in_dim3A_497, %scan3A_912 = %broadcast_in_dim3A_497, %scan3A_913 = %broadcast_in_dim3A_497) -> (vector<16xi32>, vector<16xi32>, vector<16xf32>, vector<16xf32>, vector<16xf32>, vector<16xf32>)  : i32 {
        %gather3A_914 = tpu.vector_load_idx %arg9[%iota3A, %scan3A_908] : memref<16x384xf32, #tpu.memory_space<vmem>>[vector<16xi32>, vector<16xi32>], vector<16xf32>,
        %gather3A_915 = tpu.vector_load_idx %arg6[%scan3A_909] : memref<57600xf32, #tpu.memory_space<vmem>>[vector<16xi32>], vector<16xf32>,
        %sub3A_916 = arith.subf %gather3A_914, %gather3A_915 : vector<16xf32>
        %mul3A_917 = arith.mulf %sub3A_916, %sub3A_916 : vector<16xf32>
        %add3A_918 = arith.addf %scan3A_910, %mul3A_917 : vector<16xf32>
        %add3A_919 = arith.constant 1 : i32
        %add3A_920 = vector.broadcast %add3A_919 : i32 to vector<16xi32>
        %add3A_921 = arith.addi %scan3A_908, %add3A_920 : vector<16xi32>
        %add3A_922 = arith.constant 1 : i32
        %add3A_923 = vector.broadcast %add3A_922 : i32 to vector<16xi32>
        %add3A_924 = arith.addi %scan3A_909, %add3A_923 : vector<16xi32>
        %gather3A_925 = tpu.vector_load_idx %arg9[%iota3A, %add3A_921] : memref<16x384xf32, #tpu.memory_space<vmem>>[vector<16xi32>, vector<16xi32>], vector<16xf32>,
        %gather3A_926 = tpu.vector_load_idx %arg6[%add3A_924] : memref<57600xf32, #tpu.memory_space<vmem>>[vector<16xi32>], vector<16xf32>,
        %sub3A_927 = arith.subf %gather3A_925, %gather3A_926 : vector<16xf32>
        %mul3A_928 = arith.mulf %sub3A_927, %sub3A_927 : vector<16xf32>
        %add3A_929 = arith.addf %scan3A_911, %mul3A_928 : vector<16xf32>
        %add3A_930 = arith.constant 1 : i32
        %add3A_931 = vector.broadcast %add3A_930 : i32 to vector<16xi32>
        %add3A_932 = arith.addi %add3A_921, %add3A_931 : vector<16xi32>
        %add3A_933 = arith.constant 1 : i32
        %add3A_934 = vector.broadcast %add3A_933 : i32 to vector<16xi32>
        %add3A_935 = arith.addi %add3A_924, %add3A_934 : vector<16xi32>
        %gather3A_936 = tpu.vector_load_idx %arg9[%iota3A, %add3A_932] : memref<16x384xf32, #tpu.memory_space<vmem>>[vector<16xi32>, vector<16xi32>], vector<16xf32>,
        %gather3A_937 = tpu.vector_load_idx %arg6[%add3A_935] : memref<57600xf32, #tpu.memory_space<vmem>>[vector<16xi32>], vector<16xf32>,
        %sub3A_938 = arith.subf %gather3A_936, %gather3A_937 : vector<16xf32>
        %mul3A_939 = arith.mulf %sub3A_938, %sub3A_938 : vector<16xf32>
        %add3A_940 = arith.addf %scan3A_912, %mul3A_939 : vector<16xf32>
        %add3A_941 = arith.constant 1 : i32
        %add3A_942 = vector.broadcast %add3A_941 : i32 to vector<16xi32>
        %add3A_943 = arith.addi %add3A_932, %add3A_942 : vector<16xi32>
        %add3A_944 = arith.constant 1 : i32
        %add3A_945 = vector.broadcast %add3A_944 : i32 to vector<16xi32>
        %add3A_946 = arith.addi %add3A_935, %add3A_945 : vector<16xi32>
        %gather3A_947 = tpu.vector_load_idx %arg9[%iota3A, %add3A_943] : memref<16x384xf32, #tpu.memory_space<vmem>>[vector<16xi32>, vector<16xi32>], vector<16xf32>,
        %gather3A_948 = tpu.vector_load_idx %arg6[%add3A_946] : memref<57600xf32, #tpu.memory_space<vmem>>[vector<16xi32>], vector<16xf32>,
        %sub3A_949 = arith.subf %gather3A_947, %gather3A_948 : vector<16xf32>
        %mul3A_950 = arith.mulf %sub3A_949, %sub3A_949 : vector<16xf32>
        %add3A_951 = arith.addf %scan3A_913, %mul3A_950 : vector<16xf32>
        %add3A_952 = arith.constant 1 : i32
        %add3A_953 = vector.broadcast %add3A_952 : i32 to vector<16xi32>
        %add3A_954 = arith.addi %add3A_943, %add3A_953 : vector<16xi32>
        %add3A_955 = arith.constant 1 : i32
        %add3A_956 = vector.broadcast %add3A_955 : i32 to vector<16xi32>
        %add3A_957 = arith.addi %add3A_946, %add3A_956 : vector<16xi32>
        %gather3A_958 = tpu.vector_load_idx %arg9[%iota3A, %add3A_954] : memref<16x384xf32, #tpu.memory_space<vmem>>[vector<16xi32>, vector<16xi32>], vector<16xf32>,
        %gather3A_959 = tpu.vector_load_idx %arg6[%add3A_957] : memref<57600xf32, #tpu.memory_space<vmem>>[vector<16xi32>], vector<16xf32>,
        %sub3A_960 = arith.subf %gather3A_958, %gather3A_959 : vector<16xf32>
        %mul3A_961 = arith.mulf %sub3A_960, %sub3A_960 : vector<16xf32>
        %add3A_962 = arith.addf %add3A_918, %mul3A_961 : vector<16xf32>
        %add3A_963 = arith.constant 1 : i32
        %add3A_964 = vector.broadcast %add3A_963 : i32 to vector<16xi32>
        %add3A_965 = arith.addi %add3A_954, %add3A_964 : vector<16xi32>
        %add3A_966 = arith.constant 1 : i32
        %add3A_967 = vector.broadcast %add3A_966 : i32 to vector<16xi32>
        %add3A_968 = arith.addi %add3A_957, %add3A_967 : vector<16xi32>
        %gather3A_969 = tpu.vector_load_idx %arg9[%iota3A, %add3A_965] : memref<16x384xf32, #tpu.memory_space<vmem>>[vector<16xi32>, vector<16xi32>], vector<16xf32>,
        %gather3A_970 = tpu.vector_load_idx %arg6[%add3A_968] : memref<57600xf32, #tpu.memory_space<vmem>>[vector<16xi32>], vector<16xf32>,
        %sub3A_971 = arith.subf %gather3A_969, %gather3A_970 : vector<16xf32>
        %mul3A_972 = arith.mulf %sub3A_971, %sub3A_971 : vector<16xf32>
        %add3A_973 = arith.addf %add3A_929, %mul3A_972 : vector<16xf32>
        %add3A_974 = arith.constant 1 : i32
        %add3A_975 = vector.broadcast %add3A_974 : i32 to vector<16xi32>
        %add3A_976 = arith.addi %add3A_965, %add3A_975 : vector<16xi32>
        %add3A_977 = arith.constant 1 : i32
        %add3A_978 = vector.broadcast %add3A_977 : i32 to vector<16xi32>
        %add3A_979 = arith.addi %add3A_968, %add3A_978 : vector<16xi32>
        %gather3A_980 = tpu.vector_load_idx %arg9[%iota3A, %add3A_976] : memref<16x384xf32, #tpu.memory_space<vmem>>[vector<16xi32>, vector<16xi32>], vector<16xf32>,
        %gather3A_981 = tpu.vector_load_idx %arg6[%add3A_979] : memref<57600xf32, #tpu.memory_space<vmem>>[vector<16xi32>], vector<16xf32>,
        %sub3A_982 = arith.subf %gather3A_980, %gather3A_981 : vector<16xf32>
        %mul3A_983 = arith.mulf %sub3A_982, %sub3A_982 : vector<16xf32>
        %add3A_984 = arith.addf %add3A_940, %mul3A_983 : vector<16xf32>
        %add3A_985 = arith.constant 1 : i32
        %add3A_986 = vector.broadcast %add3A_985 : i32 to vector<16xi32>
        %add3A_987 = arith.addi %add3A_976, %add3A_986 : vector<16xi32>
        %add3A_988 = arith.constant 1 : i32
        %add3A_989 = vector.broadcast %add3A_988 : i32 to vector<16xi32>
        %add3A_990 = arith.addi %add3A_979, %add3A_989 : vector<16xi32>
        %gather3A_991 = tpu.vector_load_idx %arg9[%iota3A, %add3A_987] : memref<16x384xf32, #tpu.memory_space<vmem>>[vector<16xi32>, vector<16xi32>], vector<16xf32>,
        %gather3A_992 = tpu.vector_load_idx %arg6[%add3A_990] : memref<57600xf32, #tpu.memory_space<vmem>>[vector<16xi32>], vector<16xf32>,
        %sub3A_993 = arith.subf %gather3A_991, %gather3A_992 : vector<16xf32>
        %mul3A_994 = arith.mulf %sub3A_993, %sub3A_993 : vector<16xf32>
        %add3A_995 = arith.addf %add3A_951, %mul3A_994 : vector<16xf32>
        %add3A_996 = arith.constant 1 : i32
        %add3A_997 = vector.broadcast %add3A_996 : i32 to vector<16xi32>
        %add3A_998 = arith.addi %add3A_987, %add3A_997 : vector<16xi32>
        %add3A_999 = arith.constant 1 : i32
        %add3A_1000 = vector.broadcast %add3A_999 : i32 to vector<16xi32>
        %add3A_1001 = arith.addi %add3A_990, %add3A_1000 : vector<16xi32>
        %gather3A_1002 = tpu.vector_load_idx %arg9[%iota3A, %add3A_998] : memref<16x384xf32, #tpu.memory_space<vmem>>[vector<16xi32>, vector<16xi32>], vector<16xf32>,
        %gather3A_1003 = tpu.vector_load_idx %arg6[%add3A_1001] : memref<57600xf32, #tpu.memory_space<vmem>>[vector<16xi32>], vector<16xf32>,
        %sub3A_1004 = arith.subf %gather3A_1002, %gather3A_1003 : vector<16xf32>
        %mul3A_1005 = arith.mulf %sub3A_1004, %sub3A_1004 : vector<16xf32>
        %add3A_1006 = arith.addf %add3A_962, %mul3A_1005 : vector<16xf32>
        %add3A_1007 = arith.constant 1 : i32
        %add3A_1008 = vector.broadcast %add3A_1007 : i32 to vector<16xi32>
        %add3A_1009 = arith.addi %add3A_998, %add3A_1008 : vector<16xi32>
        %add3A_1010 = arith.constant 1 : i32
        %add3A_1011 = vector.broadcast %add3A_1010 : i32 to vector<16xi32>
        %add3A_1012 = arith.addi %add3A_1001, %add3A_1011 : vector<16xi32>
        %gather3A_1013 = tpu.vector_load_idx %arg9[%iota3A, %add3A_1009] : memref<16x384xf32, #tpu.memory_space<vmem>>[vector<16xi32>, vector<16xi32>], vector<16xf32>,
        %gather3A_1014 = tpu.vector_load_idx %arg6[%add3A_1012] : memref<57600xf32, #tpu.memory_space<vmem>>[vector<16xi32>], vector<16xf32>,
        %sub3A_1015 = arith.subf %gather3A_1013, %gather3A_1014 : vector<16xf32>
        %mul3A_1016 = arith.mulf %sub3A_1015, %sub3A_1015 : vector<16xf32>
        %add3A_1017 = arith.addf %add3A_973, %mul3A_1016 : vector<16xf32>
        %add3A_1018 = arith.constant 1 : i32
        %add3A_1019 = vector.broadcast %add3A_1018 : i32 to vector<16xi32>
        %add3A_1020 = arith.addi %add3A_1009, %add3A_1019 : vector<16xi32>
        %add3A_1021 = arith.constant 1 : i32
        %add3A_1022 = vector.broadcast %add3A_1021 : i32 to vector<16xi32>
        %add3A_1023 = arith.addi %add3A_1012, %add3A_1022 : vector<16xi32>
        %gather3A_1024 = tpu.vector_load_idx %arg9[%iota3A, %add3A_1020] : memref<16x384xf32, #tpu.memory_space<vmem>>[vector<16xi32>, vector<16xi32>], vector<16xf32>,
        %gather3A_1025 = tpu.vector_load_idx %arg6[%add3A_1023] : memref<57600xf32, #tpu.memory_space<vmem>>[vector<16xi32>], vector<16xf32>,
        %sub3A_1026 = arith.subf %gather3A_1024, %gather3A_1025 : vector<16xf32>
        %mul3A_1027 = arith.mulf %sub3A_1026, %sub3A_1026 : vector<16xf32>
        %add3A_1028 = arith.addf %add3A_984, %mul3A_1027 : vector<16xf32>
        %add3A_1029 = arith.constant 1 : i32
        %add3A_1030 = vector.broadcast %add3A_1029 : i32 to vector<16xi32>
        %add3A_1031 = arith.addi %add3A_1020, %add3A_1030 : vector<16xi32>
        %add3A_1032 = arith.constant 1 : i32
        %add3A_1033 = vector.broadcast %add3A_1032 : i32 to vector<16xi32>
        %add3A_1034 = arith.addi %add3A_1023, %add3A_1033 : vector<16xi32>
        %gather3A_1035 = tpu.vector_load_idx %arg9[%iota3A, %add3A_1031] : memref<16x384xf32, #tpu.memory_space<vmem>>[vector<16xi32>, vector<16xi32>], vector<16xf32>,
        %gather3A_1036 = tpu.vector_load_idx %arg6[%add3A_1034] : memref<57600xf32, #tpu.memory_space<vmem>>[vector<16xi32>], vector<16xf32>,
        %sub3A_1037 = arith.subf %gather3A_1035, %gather3A_1036 : vector<16xf32>
        %mul3A_1038 = arith.mulf %sub3A_1037, %sub3A_1037 : vector<16xf32>
        %add3A_1039 = arith.addf %add3A_995, %mul3A_1038 : vector<16xf32>
        %add3A_1040 = arith.constant 1 : i32
        %add3A_1041 = vector.broadcast %add3A_1040 : i32 to vector<16xi32>
        %add3A_1042 = arith.addi %add3A_1031, %add3A_1041 : vector<16xi32>
        %add3A_1043 = arith.constant 1 : i32
        %add3A_1044 = vector.broadcast %add3A_1043 : i32 to vector<16xi32>
        %add3A_1045 = arith.addi %add3A_1034, %add3A_1044 : vector<16xi32>
        %gather3A_1046 = tpu.vector_load_idx %arg9[%iota3A, %add3A_1042] : memref<16x384xf32, #tpu.memory_space<vmem>>[vector<16xi32>, vector<16xi32>], vector<16xf32>,
        %gather3A_1047 = tpu.vector_load_idx %arg6[%add3A_1045] : memref<57600xf32, #tpu.memory_space<vmem>>[vector<16xi32>], vector<16xf32>,
        %sub3A_1048 = arith.subf %gather3A_1046, %gather3A_1047 : vector<16xf32>
        %mul3A_1049 = arith.mulf %sub3A_1048, %sub3A_1048 : vector<16xf32>
        %add3A_1050 = arith.addf %add3A_1006, %mul3A_1049 : vector<16xf32>
        %add3A_1051 = arith.constant 1 : i32
        %add3A_1052 = vector.broadcast %add3A_1051 : i32 to vector<16xi32>
        %add3A_1053 = arith.addi %add3A_1042, %add3A_1052 : vector<16xi32>
        %add3A_1054 = arith.constant 1 : i32
        %add3A_1055 = vector.broadcast %add3A_1054 : i32 to vector<16xi32>
        %add3A_1056 = arith.addi %add3A_1045, %add3A_1055 : vector<16xi32>
        %gather3A_1057 = tpu.vector_load_idx %arg9[%iota3A, %add3A_1053] : memref<16x384xf32, #tpu.memory_space<vmem>>[vector<16xi32>, vector<16xi32>], vector<16xf32>,
        %gather3A_1058 = tpu.vector_load_idx %arg6[%add3A_1056] : memref<57600xf32, #tpu.memory_space<vmem>>[vector<16xi32>], vector<16xf32>,
        %sub3A_1059 = arith.subf %gather3A_1057, %gather3A_1058 : vector<16xf32>
        %mul3A_1060 = arith.mulf %sub3A_1059, %sub3A_1059 : vector<16xf32>
        %add3A_1061 = arith.addf %add3A_1017, %mul3A_1060 : vector<16xf32>
        %add3A_1062 = arith.constant 1 : i32
        %add3A_1063 = vector.broadcast %add3A_1062 : i32 to vector<16xi32>
        %add3A_1064 = arith.addi %add3A_1053, %add3A_1063 : vector<16xi32>
        %add3A_1065 = arith.constant 1 : i32
        %add3A_1066 = vector.broadcast %add3A_1065 : i32 to vector<16xi32>
        %add3A_1067 = arith.addi %add3A_1056, %add3A_1066 : vector<16xi32>
        %gather3A_1068 = tpu.vector_load_idx %arg9[%iota3A, %add3A_1064] : memref<16x384xf32, #tpu.memory_space<vmem>>[vector<16xi32>, vector<16xi32>], vector<16xf32>,
        %gather3A_1069 = tpu.vector_load_idx %arg6[%add3A_1067] : memref<57600xf32, #tpu.memory_space<vmem>>[vector<16xi32>], vector<16xf32>,
        %sub3A_1070 = arith.subf %gather3A_1068, %gather3A_1069 : vector<16xf32>
        %mul3A_1071 = arith.mulf %sub3A_1070, %sub3A_1070 : vector<16xf32>
        %add3A_1072 = arith.addf %add3A_1028, %mul3A_1071 : vector<16xf32>
        %add3A_1073 = arith.constant 1 : i32
        %add3A_1074 = vector.broadcast %add3A_1073 : i32 to vector<16xi32>
        %add3A_1075 = arith.addi %add3A_1064, %add3A_1074 : vector<16xi32>
        %add3A_1076 = arith.constant 1 : i32
        %add3A_1077 = vector.broadcast %add3A_1076 : i32 to vector<16xi32>
        %add3A_1078 = arith.addi %add3A_1067, %add3A_1077 : vector<16xi32>
        %gather3A_1079 = tpu.vector_load_idx %arg9[%iota3A, %add3A_1075] : memref<16x384xf32, #tpu.memory_space<vmem>>[vector<16xi32>, vector<16xi32>], vector<16xf32>,
        %gather3A_1080 = tpu.vector_load_idx %arg6[%add3A_1078] : memref<57600xf32, #tpu.memory_space<vmem>>[vector<16xi32>], vector<16xf32>,
        %sub3A_1081 = arith.subf %gather3A_1079, %gather3A_1080 : vector<16xf32>
        %mul3A_1082 = arith.mulf %sub3A_1081, %sub3A_1081 : vector<16xf32>
        %add3A_1083 = arith.addf %add3A_1039, %mul3A_1082 : vector<16xf32>
        %add3A_1084 = arith.constant 1 : i32
        %add3A_1085 = vector.broadcast %add3A_1084 : i32 to vector<16xi32>
        %add3A_1086 = arith.addi %add3A_1075, %add3A_1085 : vector<16xi32>
        %add3A_1087 = arith.constant 1 : i32
        %add3A_1088 = vector.broadcast %add3A_1087 : i32 to vector<16xi32>
        %add3A_1089 = arith.addi %add3A_1078, %add3A_1088 : vector<16xi32>
        scf.yield %add3A_1086, %add3A_1089, %add3A_1050, %add3A_1061, %add3A_1072, %add3A_1083 : vector<16xi32>, vector<16xi32>, vector<16xf32>, vector<16xf32>, vector<16xf32>, vector<16xf32>
      }
      %scan3A_503 = arith.constant 23 : i32
      %gather3A_504 = tpu.vector_load_idx %arg9[%iota3A, %scan3A_502#0] : memref<16x384xf32, #tpu.memory_space<vmem>>[vector<16xi32>, vector<16xi32>], vector<16xf32>,
      %gather3A_505 = tpu.vector_load_idx %arg6[%scan3A_502#1] : memref<57600xf32, #tpu.memory_space<vmem>>[vector<16xi32>], vector<16xf32>,
      %sub3A_506 = arith.subf %gather3A_504, %gather3A_505 : vector<16xf32>
      %mul3A_507 = arith.mulf %sub3A_506, %sub3A_506 : vector<16xf32>
      %add3A_508 = arith.addf %scan3A_502#2, %mul3A_507 : vector<16xf32>
      %add3A_509 = arith.constant 1 : i32
      %add3A_510 = vector.broadcast %add3A_509 : i32 to vector<16xi32>
      %add3A_511 = arith.addi %scan3A_502#0, %add3A_510 : vector<16xi32>
      %eq3A_512 = arith.constant 384 : i32
      %eq3A_513 = vector.broadcast %eq3A_512 : i32 to vector<16xi32>
      %eq3A_514 = arith.cmpi eq, %add3A_511, %eq3A_513 : vector<16xi32>
      %jit3A_515 = arith.constant 0 : i32
      %broadcast_in_dim3A_516 = vector.broadcast %jit3A_515 : i32 to vector<16xi32>
      %select_n3A_517 = arith.select %eq3A_514, %broadcast_in_dim3A_516, %add3A_511 : vector<16xi1>, vector<16xi32>
      %add3A_518 = arith.constant 1 : i32
      %add3A_519 = vector.broadcast %add3A_518 : i32 to vector<16xi32>
      %add3A_520 = arith.addi %scan3A_502#1, %add3A_519 : vector<16xi32>
      %sub3A_521 = arith.constant 384 : i32
      %sub3A_522 = vector.broadcast %sub3A_521 : i32 to vector<16xi32>
      %sub3A_523 = arith.subi %add3A_520, %sub3A_522 : vector<16xi32>
      %add3A_524 = arith.constant 1 : i32
      %add3A_525 = vector.broadcast %add3A_524 : i32 to vector<16xi32>
      %add3A_526 = arith.addi %scan3A_502#1, %add3A_525 : vector<16xi32>
      %select_n3A_527 = arith.select %eq3A_514, %sub3A_523, %add3A_526 : vector<16xi1>, vector<16xi32>
      %gather3A_528 = tpu.vector_load_idx %arg9[%iota3A, %select_n3A_517] : memref<16x384xf32, #tpu.memory_space<vmem>>[vector<16xi32>, vector<16xi32>], vector<16xf32>,
      %gather3A_529 = tpu.vector_load_idx %arg6[%select_n3A_527] : memref<57600xf32, #tpu.memory_space<vmem>>[vector<16xi32>], vector<16xf32>,
      %sub3A_530 = arith.subf %gather3A_528, %gather3A_529 : vector<16xf32>
      %mul3A_531 = arith.mulf %sub3A_530, %sub3A_530 : vector<16xf32>
      %add3A_532 = arith.addf %scan3A_502#3, %mul3A_531 : vector<16xf32>
      %add3A_533 = arith.constant 1 : i32
      %add3A_534 = vector.broadcast %add3A_533 : i32 to vector<16xi32>
      %add3A_535 = arith.addi %select_n3A_517, %add3A_534 : vector<16xi32>
      %eq3A_536 = arith.constant 384 : i32
      %eq3A_537 = vector.broadcast %eq3A_536 : i32 to vector<16xi32>
      %eq3A_538 = arith.cmpi eq, %add3A_535, %eq3A_537 : vector<16xi32>
      %jit3A_539 = arith.constant 0 : i32
      %broadcast_in_dim3A_540 = vector.broadcast %jit3A_539 : i32 to vector<16xi32>
      %select_n3A_541 = arith.select %eq3A_538, %broadcast_in_dim3A_540, %add3A_535 : vector<16xi1>, vector<16xi32>
      %add3A_542 = arith.constant 1 : i32
      %add3A_543 = vector.broadcast %add3A_542 : i32 to vector<16xi32>
      %add3A_544 = arith.addi %select_n3A_527, %add3A_543 : vector<16xi32>
      %sub3A_545 = arith.constant 384 : i32
      %sub3A_546 = vector.broadcast %sub3A_545 : i32 to vector<16xi32>
      %sub3A_547 = arith.subi %add3A_544, %sub3A_546 : vector<16xi32>
      %add3A_548 = arith.constant 1 : i32
      %add3A_549 = vector.broadcast %add3A_548 : i32 to vector<16xi32>
      %add3A_550 = arith.addi %select_n3A_527, %add3A_549 : vector<16xi32>
      %select_n3A_551 = arith.select %eq3A_538, %sub3A_547, %add3A_550 : vector<16xi1>, vector<16xi32>
      %gather3A_552 = tpu.vector_load_idx %arg9[%iota3A, %select_n3A_541] : memref<16x384xf32, #tpu.memory_space<vmem>>[vector<16xi32>, vector<16xi32>], vector<16xf32>,
      %gather3A_553 = tpu.vector_load_idx %arg6[%select_n3A_551] : memref<57600xf32, #tpu.memory_space<vmem>>[vector<16xi32>], vector<16xf32>,
      %sub3A_554 = arith.subf %gather3A_552, %gather3A_553 : vector<16xf32>
      %mul3A_555 = arith.mulf %sub3A_554, %sub3A_554 : vector<16xf32>
      %add3A_556 = arith.addf %scan3A_502#4, %mul3A_555 : vector<16xf32>
      %add3A_557 = arith.constant 1 : i32
      %add3A_558 = vector.broadcast %add3A_557 : i32 to vector<16xi32>
      %add3A_559 = arith.addi %select_n3A_541, %add3A_558 : vector<16xi32>
      %eq3A_560 = arith.constant 384 : i32
      %eq3A_561 = vector.broadcast %eq3A_560 : i32 to vector<16xi32>
      %eq3A_562 = arith.cmpi eq, %add3A_559, %eq3A_561 : vector<16xi32>
      %jit3A_563 = arith.constant 0 : i32
      %broadcast_in_dim3A_564 = vector.broadcast %jit3A_563 : i32 to vector<16xi32>
      %select_n3A_565 = arith.select %eq3A_562, %broadcast_in_dim3A_564, %add3A_559 : vector<16xi1>, vector<16xi32>
      %add3A_566 = arith.constant 1 : i32
      %add3A_567 = vector.broadcast %add3A_566 : i32 to vector<16xi32>
      %add3A_568 = arith.addi %select_n3A_551, %add3A_567 : vector<16xi32>
      %sub3A_569 = arith.constant 384 : i32
      %sub3A_570 = vector.broadcast %sub3A_569 : i32 to vector<16xi32>
      %sub3A_571 = arith.subi %add3A_568, %sub3A_570 : vector<16xi32>
      %add3A_572 = arith.constant 1 : i32
      %add3A_573 = vector.broadcast %add3A_572 : i32 to vector<16xi32>
      %add3A_574 = arith.addi %select_n3A_551, %add3A_573 : vector<16xi32>
      %select_n3A_575 = arith.select %eq3A_562, %sub3A_571, %add3A_574 : vector<16xi1>, vector<16xi32>
      %gather3A_576 = tpu.vector_load_idx %arg9[%iota3A, %select_n3A_565] : memref<16x384xf32, #tpu.memory_space<vmem>>[vector<16xi32>, vector<16xi32>], vector<16xf32>,
      %gather3A_577 = tpu.vector_load_idx %arg6[%select_n3A_575] : memref<57600xf32, #tpu.memory_space<vmem>>[vector<16xi32>], vector<16xf32>,
      %sub3A_578 = arith.subf %gather3A_576, %gather3A_577 : vector<16xf32>
      %mul3A_579 = arith.mulf %sub3A_578, %sub3A_578 : vector<16xf32>
      %add3A_580 = arith.addf %scan3A_502#5, %mul3A_579 : vector<16xf32>
      %add3A_581 = arith.constant 1 : i32
      %add3A_582 = vector.broadcast %add3A_581 : i32 to vector<16xi32>
      %add3A_583 = arith.addi %select_n3A_565, %add3A_582 : vector<16xi32>
      %eq3A_584 = arith.constant 384 : i32
      %eq3A_585 = vector.broadcast %eq3A_584 : i32 to vector<16xi32>
      %eq3A_586 = arith.cmpi eq, %add3A_583, %eq3A_585 : vector<16xi32>
      %jit3A_587 = arith.constant 0 : i32
      %broadcast_in_dim3A_588 = vector.broadcast %jit3A_587 : i32 to vector<16xi32>
      %select_n3A_589 = arith.select %eq3A_586, %broadcast_in_dim3A_588, %add3A_583 : vector<16xi1>, vector<16xi32>
      %add3A_590 = arith.constant 1 : i32
      %add3A_591 = vector.broadcast %add3A_590 : i32 to vector<16xi32>
      %add3A_592 = arith.addi %select_n3A_575, %add3A_591 : vector<16xi32>
      %sub3A_593 = arith.constant 384 : i32
      %sub3A_594 = vector.broadcast %sub3A_593 : i32 to vector<16xi32>
      %sub3A_595 = arith.subi %add3A_592, %sub3A_594 : vector<16xi32>
      %add3A_596 = arith.constant 1 : i32
      %add3A_597 = vector.broadcast %add3A_596 : i32 to vector<16xi32>
      %add3A_598 = arith.addi %select_n3A_575, %add3A_597 : vector<16xi32>
      %select_n3A_599 = arith.select %eq3A_586, %sub3A_595, %add3A_598 : vector<16xi1>, vector<16xi32>
      %gather3A_600 = tpu.vector_load_idx %arg9[%iota3A, %select_n3A_589] : memref<16x384xf32, #tpu.memory_space<vmem>>[vector<16xi32>, vector<16xi32>], vector<16xf32>,
      %gather3A_601 = tpu.vector_load_idx %arg6[%select_n3A_599] : memref<57600xf32, #tpu.memory_space<vmem>>[vector<16xi32>], vector<16xf32>,
      %sub3A_602 = arith.subf %gather3A_600, %gather3A_601 : vector<16xf32>
      %mul3A_603 = arith.mulf %sub3A_602, %sub3A_602 : vector<16xf32>
      %add3A_604 = arith.addf %add3A_508, %mul3A_603 : vector<16xf32>
      %add3A_605 = arith.constant 1 : i32
      %add3A_606 = vector.broadcast %add3A_605 : i32 to vector<16xi32>
      %add3A_607 = arith.addi %select_n3A_589, %add3A_606 : vector<16xi32>
      %eq3A_608 = arith.constant 384 : i32
      %eq3A_609 = vector.broadcast %eq3A_608 : i32 to vector<16xi32>
      %eq3A_610 = arith.cmpi eq, %add3A_607, %eq3A_609 : vector<16xi32>
      %jit3A_611 = arith.constant 0 : i32
      %broadcast_in_dim3A_612 = vector.broadcast %jit3A_611 : i32 to vector<16xi32>
      %select_n3A_613 = arith.select %eq3A_610, %broadcast_in_dim3A_612, %add3A_607 : vector<16xi1>, vector<16xi32>
      %add3A_614 = arith.constant 1 : i32
      %add3A_615 = vector.broadcast %add3A_614 : i32 to vector<16xi32>
      %add3A_616 = arith.addi %select_n3A_599, %add3A_615 : vector<16xi32>
      %sub3A_617 = arith.constant 384 : i32
      %sub3A_618 = vector.broadcast %sub3A_617 : i32 to vector<16xi32>
      %sub3A_619 = arith.subi %add3A_616, %sub3A_618 : vector<16xi32>
      %add3A_620 = arith.constant 1 : i32
      %add3A_621 = vector.broadcast %add3A_620 : i32 to vector<16xi32>
      %add3A_622 = arith.addi %select_n3A_599, %add3A_621 : vector<16xi32>
      %select_n3A_623 = arith.select %eq3A_610, %sub3A_619, %add3A_622 : vector<16xi1>, vector<16xi32>
      %gather3A_624 = tpu.vector_load_idx %arg9[%iota3A, %select_n3A_613] : memref<16x384xf32, #tpu.memory_space<vmem>>[vector<16xi32>, vector<16xi32>], vector<16xf32>,
      %gather3A_625 = tpu.vector_load_idx %arg6[%select_n3A_623] : memref<57600xf32, #tpu.memory_space<vmem>>[vector<16xi32>], vector<16xf32>,
      %sub3A_626 = arith.subf %gather3A_624, %gather3A_625 : vector<16xf32>
      %mul3A_627 = arith.mulf %sub3A_626, %sub3A_626 : vector<16xf32>
      %add3A_628 = arith.addf %add3A_532, %mul3A_627 : vector<16xf32>
      %add3A_629 = arith.constant 1 : i32
      %add3A_630 = vector.broadcast %add3A_629 : i32 to vector<16xi32>
      %add3A_631 = arith.addi %select_n3A_613, %add3A_630 : vector<16xi32>
      %eq3A_632 = arith.constant 384 : i32
      %eq3A_633 = vector.broadcast %eq3A_632 : i32 to vector<16xi32>
      %eq3A_634 = arith.cmpi eq, %add3A_631, %eq3A_633 : vector<16xi32>
      %jit3A_635 = arith.constant 0 : i32
      %broadcast_in_dim3A_636 = vector.broadcast %jit3A_635 : i32 to vector<16xi32>
      %select_n3A_637 = arith.select %eq3A_634, %broadcast_in_dim3A_636, %add3A_631 : vector<16xi1>, vector<16xi32>
      %add3A_638 = arith.constant 1 : i32
      %add3A_639 = vector.broadcast %add3A_638 : i32 to vector<16xi32>
      %add3A_640 = arith.addi %select_n3A_623, %add3A_639 : vector<16xi32>
      %sub3A_641 = arith.constant 384 : i32
      %sub3A_642 = vector.broadcast %sub3A_641 : i32 to vector<16xi32>
      %sub3A_643 = arith.subi %add3A_640, %sub3A_642 : vector<16xi32>
      %add3A_644 = arith.constant 1 : i32
      %add3A_645 = vector.broadcast %add3A_644 : i32 to vector<16xi32>
      %add3A_646 = arith.addi %select_n3A_623, %add3A_645 : vector<16xi32>
      %select_n3A_647 = arith.select %eq3A_634, %sub3A_643, %add3A_646 : vector<16xi1>, vector<16xi32>
      %gather3A_648 = tpu.vector_load_idx %arg9[%iota3A, %select_n3A_637] : memref<16x384xf32, #tpu.memory_space<vmem>>[vector<16xi32>, vector<16xi32>], vector<16xf32>,
      %gather3A_649 = tpu.vector_load_idx %arg6[%select_n3A_647] : memref<57600xf32, #tpu.memory_space<vmem>>[vector<16xi32>], vector<16xf32>,
      %sub3A_650 = arith.subf %gather3A_648, %gather3A_649 : vector<16xf32>
      %mul3A_651 = arith.mulf %sub3A_650, %sub3A_650 : vector<16xf32>
      %add3A_652 = arith.addf %add3A_556, %mul3A_651 : vector<16xf32>
      %add3A_653 = arith.constant 1 : i32
      %add3A_654 = vector.broadcast %add3A_653 : i32 to vector<16xi32>
      %add3A_655 = arith.addi %select_n3A_637, %add3A_654 : vector<16xi32>
      %eq3A_656 = arith.constant 384 : i32
      %eq3A_657 = vector.broadcast %eq3A_656 : i32 to vector<16xi32>
      %eq3A_658 = arith.cmpi eq, %add3A_655, %eq3A_657 : vector<16xi32>
      %jit3A_659 = arith.constant 0 : i32
      %broadcast_in_dim3A_660 = vector.broadcast %jit3A_659 : i32 to vector<16xi32>
      %select_n3A_661 = arith.select %eq3A_658, %broadcast_in_dim3A_660, %add3A_655 : vector<16xi1>, vector<16xi32>
      %add3A_662 = arith.constant 1 : i32
      %add3A_663 = vector.broadcast %add3A_662 : i32 to vector<16xi32>
      %add3A_664 = arith.addi %select_n3A_647, %add3A_663 : vector<16xi32>
      %sub3A_665 = arith.constant 384 : i32
      %sub3A_666 = vector.broadcast %sub3A_665 : i32 to vector<16xi32>
      %sub3A_667 = arith.subi %add3A_664, %sub3A_666 : vector<16xi32>
      %add3A_668 = arith.constant 1 : i32
      %add3A_669 = vector.broadcast %add3A_668 : i32 to vector<16xi32>
      %add3A_670 = arith.addi %select_n3A_647, %add3A_669 : vector<16xi32>
      %select_n3A_671 = arith.select %eq3A_658, %sub3A_667, %add3A_670 : vector<16xi1>, vector<16xi32>
      %gather3A_672 = tpu.vector_load_idx %arg9[%iota3A, %select_n3A_661] : memref<16x384xf32, #tpu.memory_space<vmem>>[vector<16xi32>, vector<16xi32>], vector<16xf32>,
      %gather3A_673 = tpu.vector_load_idx %arg6[%select_n3A_671] : memref<57600xf32, #tpu.memory_space<vmem>>[vector<16xi32>], vector<16xf32>,
      %sub3A_674 = arith.subf %gather3A_672, %gather3A_673 : vector<16xf32>
      %mul3A_675 = arith.mulf %sub3A_674, %sub3A_674 : vector<16xf32>
      %add3A_676 = arith.addf %add3A_580, %mul3A_675 : vector<16xf32>
      %add3A_677 = arith.constant 1 : i32
      %add3A_678 = vector.broadcast %add3A_677 : i32 to vector<16xi32>
      %add3A_679 = arith.addi %select_n3A_661, %add3A_678 : vector<16xi32>
      %eq3A_680 = arith.constant 384 : i32
      %eq3A_681 = vector.broadcast %eq3A_680 : i32 to vector<16xi32>
      %eq3A_682 = arith.cmpi eq, %add3A_679, %eq3A_681 : vector<16xi32>
      %jit3A_683 = arith.constant 0 : i32
      %broadcast_in_dim3A_684 = vector.broadcast %jit3A_683 : i32 to vector<16xi32>
      %select_n3A_685 = arith.select %eq3A_682, %broadcast_in_dim3A_684, %add3A_679 : vector<16xi1>, vector<16xi32>
      %add3A_686 = arith.constant 1 : i32
      %add3A_687 = vector.broadcast %add3A_686 : i32 to vector<16xi32>
      %add3A_688 = arith.addi %select_n3A_671, %add3A_687 : vector<16xi32>
      %sub3A_689 = arith.constant 384 : i32
      %sub3A_690 = vector.broadcast %sub3A_689 : i32 to vector<16xi32>
      %sub3A_691 = arith.subi %add3A_688, %sub3A_690 : vector<16xi32>
      %add3A_692 = arith.constant 1 : i32
      %add3A_693 = vector.broadcast %add3A_692 : i32 to vector<16xi32>
      %add3A_694 = arith.addi %select_n3A_671, %add3A_693 : vector<16xi32>
      %select_n3A_695 = arith.select %eq3A_682, %sub3A_691, %add3A_694 : vector<16xi1>, vector<16xi32>
      %gather3A_696 = tpu.vector_load_idx %arg9[%iota3A, %select_n3A_685] : memref<16x384xf32, #tpu.memory_space<vmem>>[vector<16xi32>, vector<16xi32>], vector<16xf32>,
      %gather3A_697 = tpu.vector_load_idx %arg6[%select_n3A_695] : memref<57600xf32, #tpu.memory_space<vmem>>[vector<16xi32>], vector<16xf32>,
      %sub3A_698 = arith.subf %gather3A_696, %gather3A_697 : vector<16xf32>
      %mul3A_699 = arith.mulf %sub3A_698, %sub3A_698 : vector<16xf32>
      %add3A_700 = arith.addf %add3A_604, %mul3A_699 : vector<16xf32>
      %add3A_701 = arith.constant 1 : i32
      %add3A_702 = vector.broadcast %add3A_701 : i32 to vector<16xi32>
      %add3A_703 = arith.addi %select_n3A_685, %add3A_702 : vector<16xi32>
      %eq3A_704 = arith.constant 384 : i32
      %eq3A_705 = vector.broadcast %eq3A_704 : i32 to vector<16xi32>
      %eq3A_706 = arith.cmpi eq, %add3A_703, %eq3A_705 : vector<16xi32>
      %jit3A_707 = arith.constant 0 : i32
      %broadcast_in_dim3A_708 = vector.broadcast %jit3A_707 : i32 to vector<16xi32>
      %select_n3A_709 = arith.select %eq3A_706, %broadcast_in_dim3A_708, %add3A_703 : vector<16xi1>, vector<16xi32>
      %add3A_710 = arith.constant 1 : i32
      %add3A_711 = vector.broadcast %add3A_710 : i32 to vector<16xi32>
      %add3A_712 = arith.addi %select_n3A_695, %add3A_711 : vector<16xi32>
      %sub3A_713 = arith.constant 384 : i32
      %sub3A_714 = vector.broadcast %sub3A_713 : i32 to vector<16xi32>
      %sub3A_715 = arith.subi %add3A_712, %sub3A_714 : vector<16xi32>
      %add3A_716 = arith.constant 1 : i32
      %add3A_717 = vector.broadcast %add3A_716 : i32 to vector<16xi32>
      %add3A_718 = arith.addi %select_n3A_695, %add3A_717 : vector<16xi32>
      %select_n3A_719 = arith.select %eq3A_706, %sub3A_715, %add3A_718 : vector<16xi1>, vector<16xi32>
      %gather3A_720 = tpu.vector_load_idx %arg9[%iota3A, %select_n3A_709] : memref<16x384xf32, #tpu.memory_space<vmem>>[vector<16xi32>, vector<16xi32>], vector<16xf32>,
      %gather3A_721 = tpu.vector_load_idx %arg6[%select_n3A_719] : memref<57600xf32, #tpu.memory_space<vmem>>[vector<16xi32>], vector<16xf32>,
      %sub3A_722 = arith.subf %gather3A_720, %gather3A_721 : vector<16xf32>
      %mul3A_723 = arith.mulf %sub3A_722, %sub3A_722 : vector<16xf32>
      %add3A_724 = arith.addf %add3A_628, %mul3A_723 : vector<16xf32>
      %add3A_725 = arith.constant 1 : i32
      %add3A_726 = vector.broadcast %add3A_725 : i32 to vector<16xi32>
      %add3A_727 = arith.addi %select_n3A_709, %add3A_726 : vector<16xi32>
      %eq3A_728 = arith.constant 384 : i32
      %eq3A_729 = vector.broadcast %eq3A_728 : i32 to vector<16xi32>
      %eq3A_730 = arith.cmpi eq, %add3A_727, %eq3A_729 : vector<16xi32>
      %jit3A_731 = arith.constant 0 : i32
      %broadcast_in_dim3A_732 = vector.broadcast %jit3A_731 : i32 to vector<16xi32>
      %select_n3A_733 = arith.select %eq3A_730, %broadcast_in_dim3A_732, %add3A_727 : vector<16xi1>, vector<16xi32>
      %add3A_734 = arith.constant 1 : i32
      %add3A_735 = vector.broadcast %add3A_734 : i32 to vector<16xi32>
      %add3A_736 = arith.addi %select_n3A_719, %add3A_735 : vector<16xi32>
      %sub3A_737 = arith.constant 384 : i32
      %sub3A_738 = vector.broadcast %sub3A_737 : i32 to vector<16xi32>
      %sub3A_739 = arith.subi %add3A_736, %sub3A_738 : vector<16xi32>
      %add3A_740 = arith.constant 1 : i32
      %add3A_741 = vector.broadcast %add3A_740 : i32 to vector<16xi32>
      %add3A_742 = arith.addi %select_n3A_719, %add3A_741 : vector<16xi32>
      %select_n3A_743 = arith.select %eq3A_730, %sub3A_739, %add3A_742 : vector<16xi1>, vector<16xi32>
      %gather3A_744 = tpu.vector_load_idx %arg9[%iota3A, %select_n3A_733] : memref<16x384xf32, #tpu.memory_space<vmem>>[vector<16xi32>, vector<16xi32>], vector<16xf32>,
      %gather3A_745 = tpu.vector_load_idx %arg6[%select_n3A_743] : memref<57600xf32, #tpu.memory_space<vmem>>[vector<16xi32>], vector<16xf32>,
      %sub3A_746 = arith.subf %gather3A_744, %gather3A_745 : vector<16xf32>
      %mul3A_747 = arith.mulf %sub3A_746, %sub3A_746 : vector<16xf32>
      %add3A_748 = arith.addf %add3A_652, %mul3A_747 : vector<16xf32>
      %add3A_749 = arith.constant 1 : i32
      %add3A_750 = vector.broadcast %add3A_749 : i32 to vector<16xi32>
      %add3A_751 = arith.addi %select_n3A_733, %add3A_750 : vector<16xi32>
      %eq3A_752 = arith.constant 384 : i32
      %eq3A_753 = vector.broadcast %eq3A_752 : i32 to vector<16xi32>
      %eq3A_754 = arith.cmpi eq, %add3A_751, %eq3A_753 : vector<16xi32>
      %jit3A_755 = arith.constant 0 : i32
      %broadcast_in_dim3A_756 = vector.broadcast %jit3A_755 : i32 to vector<16xi32>
      %select_n3A_757 = arith.select %eq3A_754, %broadcast_in_dim3A_756, %add3A_751 : vector<16xi1>, vector<16xi32>
      %add3A_758 = arith.constant 1 : i32
      %add3A_759 = vector.broadcast %add3A_758 : i32 to vector<16xi32>
      %add3A_760 = arith.addi %select_n3A_743, %add3A_759 : vector<16xi32>
      %sub3A_761 = arith.constant 384 : i32
      %sub3A_762 = vector.broadcast %sub3A_761 : i32 to vector<16xi32>
      %sub3A_763 = arith.subi %add3A_760, %sub3A_762 : vector<16xi32>
      %add3A_764 = arith.constant 1 : i32
      %add3A_765 = vector.broadcast %add3A_764 : i32 to vector<16xi32>
      %add3A_766 = arith.addi %select_n3A_743, %add3A_765 : vector<16xi32>
      %select_n3A_767 = arith.select %eq3A_754, %sub3A_763, %add3A_766 : vector<16xi1>, vector<16xi32>
      %gather3A_768 = tpu.vector_load_idx %arg9[%iota3A, %select_n3A_757] : memref<16x384xf32, #tpu.memory_space<vmem>>[vector<16xi32>, vector<16xi32>], vector<16xf32>,
      %gather3A_769 = tpu.vector_load_idx %arg6[%select_n3A_767] : memref<57600xf32, #tpu.memory_space<vmem>>[vector<16xi32>], vector<16xf32>,
      %sub3A_770 = arith.subf %gather3A_768, %gather3A_769 : vector<16xf32>
      %mul3A_771 = arith.mulf %sub3A_770, %sub3A_770 : vector<16xf32>
      %add3A_772 = arith.addf %add3A_676, %mul3A_771 : vector<16xf32>
      %add3A_773 = arith.constant 1 : i32
      %add3A_774 = vector.broadcast %add3A_773 : i32 to vector<16xi32>
      %add3A_775 = arith.addi %select_n3A_757, %add3A_774 : vector<16xi32>
      %eq3A_776 = arith.constant 384 : i32
      %eq3A_777 = vector.broadcast %eq3A_776 : i32 to vector<16xi32>
      %eq3A_778 = arith.cmpi eq, %add3A_775, %eq3A_777 : vector<16xi32>
      %jit3A_779 = arith.constant 0 : i32
      %broadcast_in_dim3A_780 = vector.broadcast %jit3A_779 : i32 to vector<16xi32>
      %select_n3A_781 = arith.select %eq3A_778, %broadcast_in_dim3A_780, %add3A_775 : vector<16xi1>, vector<16xi32>
      %add3A_782 = arith.constant 1 : i32
      %add3A_783 = vector.broadcast %add3A_782 : i32 to vector<16xi32>
      %add3A_784 = arith.addi %select_n3A_767, %add3A_783 : vector<16xi32>
      %sub3A_785 = arith.constant 384 : i32
      %sub3A_786 = vector.broadcast %sub3A_785 : i32 to vector<16xi32>
      %sub3A_787 = arith.subi %add3A_784, %sub3A_786 : vector<16xi32>
      %add3A_788 = arith.constant 1 : i32
      %add3A_789 = vector.broadcast %add3A_788 : i32 to vector<16xi32>
      %add3A_790 = arith.addi %select_n3A_767, %add3A_789 : vector<16xi32>
      %select_n3A_791 = arith.select %eq3A_778, %sub3A_787, %add3A_790 : vector<16xi1>, vector<16xi32>
      %gather3A_792 = tpu.vector_load_idx %arg9[%iota3A, %select_n3A_781] : memref<16x384xf32, #tpu.memory_space<vmem>>[vector<16xi32>, vector<16xi32>], vector<16xf32>,
      %gather3A_793 = tpu.vector_load_idx %arg6[%select_n3A_791] : memref<57600xf32, #tpu.memory_space<vmem>>[vector<16xi32>], vector<16xf32>,
      %sub3A_794 = arith.subf %gather3A_792, %gather3A_793 : vector<16xf32>
      %mul3A_795 = arith.mulf %sub3A_794, %sub3A_794 : vector<16xf32>
      %add3A_796 = arith.addf %add3A_700, %mul3A_795 : vector<16xf32>
      %add3A_797 = arith.constant 1 : i32
      %add3A_798 = vector.broadcast %add3A_797 : i32 to vector<16xi32>
      %add3A_799 = arith.addi %select_n3A_781, %add3A_798 : vector<16xi32>
      %eq3A_800 = arith.constant 384 : i32
      %eq3A_801 = vector.broadcast %eq3A_800 : i32 to vector<16xi32>
      %eq3A_802 = arith.cmpi eq, %add3A_799, %eq3A_801 : vector<16xi32>
      %jit3A_803 = arith.constant 0 : i32
      %broadcast_in_dim3A_804 = vector.broadcast %jit3A_803 : i32 to vector<16xi32>
      %select_n3A_805 = arith.select %eq3A_802, %broadcast_in_dim3A_804, %add3A_799 : vector<16xi1>, vector<16xi32>
      %add3A_806 = arith.constant 1 : i32
      %add3A_807 = vector.broadcast %add3A_806 : i32 to vector<16xi32>
      %add3A_808 = arith.addi %select_n3A_791, %add3A_807 : vector<16xi32>
      %sub3A_809 = arith.constant 384 : i32
      %sub3A_810 = vector.broadcast %sub3A_809 : i32 to vector<16xi32>
      %sub3A_811 = arith.subi %add3A_808, %sub3A_810 : vector<16xi32>
      %add3A_812 = arith.constant 1 : i32
      %add3A_813 = vector.broadcast %add3A_812 : i32 to vector<16xi32>
      %add3A_814 = arith.addi %select_n3A_791, %add3A_813 : vector<16xi32>
      %select_n3A_815 = arith.select %eq3A_802, %sub3A_811, %add3A_814 : vector<16xi1>, vector<16xi32>
      %gather3A_816 = tpu.vector_load_idx %arg9[%iota3A, %select_n3A_805] : memref<16x384xf32, #tpu.memory_space<vmem>>[vector<16xi32>, vector<16xi32>], vector<16xf32>,
      %gather3A_817 = tpu.vector_load_idx %arg6[%select_n3A_815] : memref<57600xf32, #tpu.memory_space<vmem>>[vector<16xi32>], vector<16xf32>,
      %sub3A_818 = arith.subf %gather3A_816, %gather3A_817 : vector<16xf32>
      %mul3A_819 = arith.mulf %sub3A_818, %sub3A_818 : vector<16xf32>
      %add3A_820 = arith.addf %add3A_724, %mul3A_819 : vector<16xf32>
      %add3A_821 = arith.constant 1 : i32
      %add3A_822 = vector.broadcast %add3A_821 : i32 to vector<16xi32>
      %add3A_823 = arith.addi %select_n3A_805, %add3A_822 : vector<16xi32>
      %eq3A_824 = arith.constant 384 : i32
      %eq3A_825 = vector.broadcast %eq3A_824 : i32 to vector<16xi32>
      %eq3A_826 = arith.cmpi eq, %add3A_823, %eq3A_825 : vector<16xi32>
      %jit3A_827 = arith.constant 0 : i32
      %broadcast_in_dim3A_828 = vector.broadcast %jit3A_827 : i32 to vector<16xi32>
      %select_n3A_829 = arith.select %eq3A_826, %broadcast_in_dim3A_828, %add3A_823 : vector<16xi1>, vector<16xi32>
      %add3A_830 = arith.constant 1 : i32
      %add3A_831 = vector.broadcast %add3A_830 : i32 to vector<16xi32>
      %add3A_832 = arith.addi %select_n3A_815, %add3A_831 : vector<16xi32>
      %sub3A_833 = arith.constant 384 : i32
      %sub3A_834 = vector.broadcast %sub3A_833 : i32 to vector<16xi32>
      %sub3A_835 = arith.subi %add3A_832, %sub3A_834 : vector<16xi32>
      %add3A_836 = arith.constant 1 : i32
      %add3A_837 = vector.broadcast %add3A_836 : i32 to vector<16xi32>
      %add3A_838 = arith.addi %select_n3A_815, %add3A_837 : vector<16xi32>
      %select_n3A_839 = arith.select %eq3A_826, %sub3A_835, %add3A_838 : vector<16xi1>, vector<16xi32>
      %gather3A_840 = tpu.vector_load_idx %arg9[%iota3A, %select_n3A_829] : memref<16x384xf32, #tpu.memory_space<vmem>>[vector<16xi32>, vector<16xi32>], vector<16xf32>,
      %gather3A_841 = tpu.vector_load_idx %arg6[%select_n3A_839] : memref<57600xf32, #tpu.memory_space<vmem>>[vector<16xi32>], vector<16xf32>,
      %sub3A_842 = arith.subf %gather3A_840, %gather3A_841 : vector<16xf32>
      %mul3A_843 = arith.mulf %sub3A_842, %sub3A_842 : vector<16xf32>
      %add3A_844 = arith.addf %add3A_748, %mul3A_843 : vector<16xf32>
      %add3A_845 = arith.constant 1 : i32
      %add3A_846 = vector.broadcast %add3A_845 : i32 to vector<16xi32>
      %add3A_847 = arith.addi %select_n3A_829, %add3A_846 : vector<16xi32>
      %eq3A_848 = arith.constant 384 : i32
      %eq3A_849 = vector.broadcast %eq3A_848 : i32 to vector<16xi32>
      %eq3A_850 = arith.cmpi eq, %add3A_847, %eq3A_849 : vector<16xi32>
      %jit3A_851 = arith.constant 0 : i32
      %broadcast_in_dim3A_852 = vector.broadcast %jit3A_851 : i32 to vector<16xi32>
      %select_n3A_853 = arith.select %eq3A_850, %broadcast_in_dim3A_852, %add3A_847 : vector<16xi1>, vector<16xi32>
      %add3A_854 = arith.constant 1 : i32
      %add3A_855 = vector.broadcast %add3A_854 : i32 to vector<16xi32>
      %add3A_856 = arith.addi %select_n3A_839, %add3A_855 : vector<16xi32>
      %sub3A_857 = arith.constant 384 : i32
      %sub3A_858 = vector.broadcast %sub3A_857 : i32 to vector<16xi32>
      %sub3A_859 = arith.subi %add3A_856, %sub3A_858 : vector<16xi32>
      %add3A_860 = arith.constant 1 : i32
      %add3A_861 = vector.broadcast %add3A_860 : i32 to vector<16xi32>
      %add3A_862 = arith.addi %select_n3A_839, %add3A_861 : vector<16xi32>
      %select_n3A_863 = arith.select %eq3A_850, %sub3A_859, %add3A_862 : vector<16xi1>, vector<16xi32>
      %gather3A_864 = tpu.vector_load_idx %arg9[%iota3A, %select_n3A_853] : memref<16x384xf32, #tpu.memory_space<vmem>>[vector<16xi32>, vector<16xi32>], vector<16xf32>,
      %gather3A_865 = tpu.vector_load_idx %arg6[%select_n3A_863] : memref<57600xf32, #tpu.memory_space<vmem>>[vector<16xi32>], vector<16xf32>,
      %sub3A_866 = arith.subf %gather3A_864, %gather3A_865 : vector<16xf32>
      %mul3A_867 = arith.mulf %sub3A_866, %sub3A_866 : vector<16xf32>
      %add3A_868 = arith.addf %add3A_772, %mul3A_867 : vector<16xf32>
      %add3A_869 = arith.constant 1 : i32
      %add3A_870 = vector.broadcast %add3A_869 : i32 to vector<16xi32>
      %add3A_871 = arith.addi %select_n3A_853, %add3A_870 : vector<16xi32>
      %eq3A_872 = arith.constant 384 : i32
      %eq3A_873 = vector.broadcast %eq3A_872 : i32 to vector<16xi32>
      %eq3A_874 = arith.cmpi eq, %add3A_871, %eq3A_873 : vector<16xi32>
      %jit3A_875 = arith.constant 0 : i32
      %broadcast_in_dim3A_876 = vector.broadcast %jit3A_875 : i32 to vector<16xi32>
      %select_n3A_877 = arith.select %eq3A_874, %broadcast_in_dim3A_876, %add3A_871 : vector<16xi1>, vector<16xi32>
      %add3A_878 = arith.constant 1 : i32
      %add3A_879 = vector.broadcast %add3A_878 : i32 to vector<16xi32>
      %add3A_880 = arith.addi %select_n3A_863, %add3A_879 : vector<16xi32>
      %sub3A_881 = arith.constant 384 : i32
      %sub3A_882 = vector.broadcast %sub3A_881 : i32 to vector<16xi32>
      %sub3A_883 = arith.subi %add3A_880, %sub3A_882 : vector<16xi32>
      %add3A_884 = arith.constant 1 : i32
      %add3A_885 = vector.broadcast %add3A_884 : i32 to vector<16xi32>
      %add3A_886 = arith.addi %select_n3A_863, %add3A_885 : vector<16xi32>
      %select_n3A_887 = arith.select %eq3A_874, %sub3A_883, %add3A_886 : vector<16xi1>, vector<16xi32>
      %add3A_888 = arith.addf %add3A_796, %add3A_820 : vector<16xf32>
      %add3A_889 = arith.addf %add3A_844, %add3A_868 : vector<16xf32>
      %add3A_890 = arith.addf %add3A_888, %add3A_889 : vector<16xf32>
      %mul3A_891 = arith.constant 16 : i32
      %mul3A_892 = arith.muli %add3A_483, %mul3A_891 : i32
      %swap3A_893 = arith.constant 0 : i32
      %swap3A_894 = arith.index_cast %swap3A_893 : i32 to index
      %swap3A_895 = arith.index_cast %mul3A_892 : i32 to index
      %swap3A_896 = tpu.vector_load %arg10[%swap3A_894, %swap3A_895] {strides = array<i32>} : memref<1x512xf32, #tpu.memory_space<vmem>>, vector<16xf32>,
      tpu.vector_store %arg10[%swap3A_894, %swap3A_895], %add3A_890 {strides = array<i32>} : memref<1x512xf32, #tpu.memory_space<vmem>>, vector<16xf32>,
      %add3A_897 = arith.constant 2 : i32
      %add3A_898 = arith.addi %add3A_483, %add3A_897 : i32
      %min3A_899 = arith.constant 31 : i32
      %min3A_900 = arith.minsi %add3A_898, %min3A_899 : i32
      %mul3A_901 = arith.constant 16 : i32
      %mul3A_902 = arith.muli %min3A_900, %mul3A_901 : i32
      %add3A_903 = arith.addi %mul3A_32, %mul3A_902 : i32
      %dma_start3A_904 = tpu.memref_slice %arg2[%add3A_903, %mul3A_34] : memref<16384x768xf32, #tpu.memory_space<hbm>> -> memref<16x384xf32, #tpu.memory_space<hbm>>
      %dma_start3A_905 = tpu.memref_slice %arg2[%add3A_903, %mul3A_34] : memref<16384x768xf32, #tpu.memory_space<hbm>> -> memref<16x384xf32, #tpu.memory_space<hbm>>
      tpu.enqueue_dma source(%dma_start3A_905 : memref<16x384xf32, #tpu.memory_space<hbm>>) target(%arg9 : memref<16x384xf32, #tpu.memory_space<vmem>>) target_semaphore(%arg12 : memref<!tpu.dma_semaphore, #tpu.memory_space<semaphore_mem>>)
      %scan3A_906 = arith.constant 0 : i32
      scf.yield %scan3A_906 : i32
    }
    %scan3A_51 = arith.constant 16 : i32
    %add3A_52 = arith.constant 0 : i32
    %add3A_53 = arith.addi %mul3A_32, %add3A_52 : i32
    %dma_wait3A = tpu.memref_slice %arg2[%add3A_53, %mul3A_34] : memref<16384x768xf32, #tpu.memory_space<hbm>> -> memref<16x384xf32, #tpu.memory_space<hbm>>
    %dma_wait3A_54 = tpu.memref_slice %arg2[%add3A_53, %mul3A_34] : memref<16384x768xf32, #tpu.memory_space<hbm>> -> memref<16x384xf32, #tpu.memory_space<hbm>>
    tpu.wait_dma2 semaphore(%arg11 : memref<!tpu.dma_semaphore, #tpu.memory_space<semaphore_mem>>) src(%dma_wait3A_54 : memref<16x384xf32, #tpu.memory_space<hbm>>) dst(%arg8 : memref<16x384xf32, #tpu.memory_space<vmem>>)
    %add3A_55 = arith.constant 0 : i32
    %add3A_56 = arith.addi %mul3A_32, %add3A_55 : i32
    %dma_wait3A_57 = tpu.memref_slice %arg2[%add3A_56, %mul3A_34] : memref<16384x768xf32, #tpu.memory_space<hbm>> -> memref<16x384xf32, #tpu.memory_space<hbm>>
    %dma_wait3A_58 = tpu.memref_slice %arg2[%add3A_56, %mul3A_34] : memref<16384x768xf32, #tpu.memory_space<hbm>> -> memref<16x384xf32, #tpu.memory_space<hbm>>
    tpu.wait_dma2 semaphore(%arg12 : memref<!tpu.dma_semaphore, #tpu.memory_space<semaphore_mem>>) src(%dma_wait3A_58 : memref<16x384xf32, #tpu.memory_space<hbm>>) dst(%arg9 : memref<16x384xf32, #tpu.memory_space<vmem>>)
    "tpu.region"() ({
      %run_scoped3A = tpu.sem_alloc : memref<!tpu.dma_semaphore, #tpu.memory_space<semaphore_mem>>
      %dma_start3A_59 = tpu.memref_slice %arg5[%select_n3A_30, %mul3A_32] : memref<2x8192xf32, #tpu.memory_space<hbm>> -> memref<1x512xf32, #tpu.memory_space<hbm>>
      %dma_start3A_60 = tpu.memref_slice %arg5[%select_n3A_30, %mul3A_32] : memref<2x8192xf32, #tpu.memory_space<hbm>> -> memref<1x512xf32, #tpu.memory_space<hbm>>
      tpu.enqueue_dma source(%arg10 : memref<1x512xf32, #tpu.memory_space<vmem>>) target(%dma_start3A_60 : memref<1x512xf32, #tpu.memory_space<hbm>>) target_semaphore(%run_scoped3A : memref<!tpu.dma_semaphore, #tpu.memory_space<semaphore_mem>>)
      %dma_wait3A_61 = tpu.memref_slice %arg5[%select_n3A_30, %mul3A_32] : memref<2x8192xf32, #tpu.memory_space<hbm>> -> memref<1x512xf32, #tpu.memory_space<hbm>>
      %dma_wait3A_62 = tpu.memref_slice %arg5[%select_n3A_30, %mul3A_32] : memref<2x8192xf32, #tpu.memory_space<hbm>> -> memref<1x512xf32, #tpu.memory_space<hbm>>
      tpu.wait_dma2 semaphore(%run_scoped3A : memref<!tpu.dma_semaphore, #tpu.memory_space<semaphore_mem>>) src(%arg10 : memref<1x512xf32, #tpu.memory_space<vmem>>) dst(%dma_wait3A_62 : memref<1x512xf32, #tpu.memory_space<hbm>>)
      tpu.yield
    }) : () -> ()
    return
  }
}

module attributes {stable_mosaic.version = 14 : i64} {
  func.func @_tc_body(%arg0: i32, %arg1: memref<16x512xi32, #tpu.memory_space<vmem>>, %arg2: memref<152x768xf32, #tpu.memory_space<vmem>>, %arg3: memref<152x128xf32, #tpu.memory_space<vmem>>, %arg4: memref<512x768xf32, #tpu.memory_space<vmem>>, %arg5: memref<1x2xf32, #tpu.memory_space<smem>>, %arg6: memref<2xf32, #tpu.memory_space<smem>>) attributes {dimension_semantics = [#tpu.dimension_semantics<arbitrary>], iteration_bounds = array<i64: 16>, scalar_prefetch = 0 : i64, scratch_operands = 1 : i64, tpu.core_type = #tpu.core_type<tc>, window_params = [{pipeline_mode = #tpu.pipeline_mode<synchronous>, transform_indices = @transform_0, window_bounds = array<i64: 16, 512>}, {pipeline_mode = #tpu.pipeline_mode<synchronous>, transform_indices = @transform_1, window_bounds = array<i64: 152, 768>}, {pipeline_mode = #tpu.pipeline_mode<synchronous>, transform_indices = @transform_2, window_bounds = array<i64: 152, 128>}, {transform_indices = @transform_3, window_bounds = array<i64: 512, 768>}, {transform_indices = @transform_4, window_bounds = array<i64: 1, 2>}]} {
    %eq3A = arith.constant 0 : i32
    %eq3A_0 = arith.cmpi eq, %arg0, %eq3A : i32
    %convert_element_type3A = arith.extui %eq3A_0 : i1 to i32
    %cond3A = arith.constant 0 : i32
    %cond3A_1 = arith.cmpi ne, %convert_element_type3A, %cond3A : i32
    scf.if %cond3A_1 {
      %swap3A_88 = arith.constant 0.000000e+00 : f32
      %swap3A_89 = arith.constant 0 : index
      %swap3A_90 = memref.load %arg6[%swap3A_89] : memref<2xf32, #tpu.memory_space<smem>>
      memref.store %swap3A_88, %arg6[%swap3A_89] : memref<2xf32, #tpu.memory_space<smem>>
      %swap3A_91 = arith.constant 0.000000e+00 : f32
      %swap3A_92 = arith.constant 1 : index
      %swap3A_93 = memref.load %arg6[%swap3A_92] : memref<2xf32, #tpu.memory_space<smem>>
      memref.store %swap3A_91, %arg6[%swap3A_92] : memref<2xf32, #tpu.memory_space<smem>>
    } else {
    }
    %get3A = arith.index_cast %arg0 : i32 to index
    %get3A_2 = arith.constant 0 : index
    %get3A_3 = vector.load %arg1[%get3A, %get3A_2] : memref<16x512xi32, #tpu.memory_space<vmem>>, vector<1x512xi32>
    %iota3A = tpu.iota {dimensions = array<i32: 0>} : vector<152x512xi32>
    %eq3A_4 = vector.broadcast %get3A_3 : vector<1x512xi32> to vector<152x512xi32>
    %eq3A_5 = arith.cmpi eq, %iota3A, %eq3A_4 : vector<152x512xi32>
    %convert_element_type3A_6 = arith.extui %eq3A_5 : vector<152x512xi1> to vector<152x512xi32>
    %convert_element_type3A_7 = arith.sitofp %convert_element_type3A_6 : vector<152x512xi32> to vector<152x512xf32>
    %get3A_8 = arith.constant 0 : index
    %get3A_9 = arith.constant 0 : index
    %get3A_10 = vector.load %arg2[%get3A_8, %get3A_9] : memref<152x768xf32, #tpu.memory_space<vmem>>, vector<152x768xf32>
    %dot_general3A = arith.constant dense<0.000000e+00> : vector<512x768xf32>
    %dot_general3A_11 = tpu.matmul %convert_element_type3A_7, %get3A_10, %dot_general3A {dimension_numbers = #tpu.dot_dimension_numbers<[0], [0], [1], [1], [0, 1, 1, 1], [], []>, transpose_lhs_hint = false} : vector<152x512xf32>, vector<152x768xf32>, vector<512x768xf32> -> vector<512x768xf32>
    %get3A_12 = arith.constant 0 : index
    %get3A_13 = arith.constant 0 : index
    %get3A_14 = vector.load %arg4[%get3A_12, %get3A_13] : memref<512x768xf32, #tpu.memory_space<vmem>>, vector<512x768xf32>
    %sub3A = arith.subf %get3A_14, %dot_general3A_11 : vector<512x768xf32>
    %mul3A = arith.mulf %sub3A, %sub3A : vector<512x768xf32>
    %slice3A = vector.extract_strided_slice %mul3A {offsets = [0, 0], sizes = [512, 384], strides = [1, 1]} : vector<512x768xf32> to vector<512x384xf32>
    %reduce_sum3A = arith.constant dense<0.000000e+00> : vector<512xf32>
    %reduce_sum3A_15 = vector.multi_reduction <add>, %slice3A, %reduce_sum3A [1] : vector<512x384xf32> to vector<512xf32>
    %broadcast_in_dim3A = vector.shape_cast %reduce_sum3A_15 : vector<512xf32> to vector<512x1xf32>
    %slice3A_16 = vector.extract_strided_slice %mul3A {offsets = [0, 384], sizes = [512, 384], strides = [1, 1]} : vector<512x768xf32> to vector<512x384xf32>
    %reduce_sum3A_17 = arith.constant dense<0.000000e+00> : vector<512xf32>
    %reduce_sum3A_18 = vector.multi_reduction <add>, %slice3A_16, %reduce_sum3A_17 [1] : vector<512x384xf32> to vector<512xf32>
    %broadcast_in_dim3A_19 = vector.shape_cast %reduce_sum3A_18 : vector<512xf32> to vector<512x1xf32>
    %sqrt3A = math.sqrt %broadcast_in_dim3A : vector<512x1xf32>
    %sqrt3A_20 = math.sqrt %broadcast_in_dim3A_19 : vector<512x1xf32>
    %get3A_21 = arith.constant 0 : index
    %get3A_22 = arith.constant 0 : index
    %get3A_23 = vector.load %arg3[%get3A_21, %get3A_22] : memref<152x128xf32, #tpu.memory_space<vmem>>, vector<152x128xf32>
    %dot_general3A_24 = arith.constant dense<0.000000e+00> : vector<512x128xf32>
    %dot_general3A_25 = tpu.matmul %convert_element_type3A_7, %get3A_23, %dot_general3A_24 {dimension_numbers = #tpu.dot_dimension_numbers<[0], [0], [1], [1], [0, 1, 1, 1], [], []>, transpose_lhs_hint = false} : vector<152x512xf32>, vector<152x128xf32>, vector<512x128xf32> -> vector<512x128xf32>
    %slice3A_26 = vector.extract_strided_slice %dot_general3A_25 {offsets = [0, 0], sizes = [512, 1], strides = [1, 1]} : vector<512x128xf32> to vector<512x1xf32>
    %max3A = arith.constant 0.000000e+00 : f32
    %max3A_27 = vector.broadcast %max3A : f32 to vector<512x1xf32>
    %max3A_28 = arith.maximumf %slice3A_26, %max3A_27 : vector<512x1xf32>
    %abs3A = math.absf %slice3A_26 : vector<512x1xf32>
    %neg3A = arith.constant 0.000000e+00 : f32
    %neg3A_29 = vector.broadcast %neg3A : f32 to vector<512x1xf32>
    %neg3A_30 = arith.subf %neg3A_29, %abs3A : vector<512x1xf32>
    %exp3A = math.exp %neg3A_30 : vector<512x1xf32>
    %log1p3A = math.log1p %exp3A : vector<512x1xf32>
    %add3A = arith.addf %max3A_28, %log1p3A : vector<512x1xf32>
    %slice3A_31 = vector.extract_strided_slice %dot_general3A_25 {offsets = [0, 1], sizes = [512, 1], strides = [1, 1]} : vector<512x128xf32> to vector<512x1xf32>
    %max3A_32 = arith.constant 0.000000e+00 : f32
    %max3A_33 = vector.broadcast %max3A_32 : f32 to vector<512x1xf32>
    %max3A_34 = arith.maximumf %slice3A_31, %max3A_33 : vector<512x1xf32>
    %abs3A_35 = math.absf %slice3A_31 : vector<512x1xf32>
    %neg3A_36 = arith.constant 0.000000e+00 : f32
    %neg3A_37 = vector.broadcast %neg3A_36 : f32 to vector<512x1xf32>
    %neg3A_38 = arith.subf %neg3A_37, %abs3A_35 : vector<512x1xf32>
    %exp3A_39 = math.exp %neg3A_38 : vector<512x1xf32>
    %log1p3A_40 = math.log1p %exp3A_39 : vector<512x1xf32>
    %add3A_41 = arith.addf %max3A_34, %log1p3A_40 : vector<512x1xf32>
    %slice3A_42 = vector.extract_strided_slice %dot_general3A_25 {offsets = [0, 2], sizes = [512, 1], strides = [1, 1]} : vector<512x128xf32> to vector<512x1xf32>
    %max3A_43 = arith.constant 0.000000e+00 : f32
    %max3A_44 = vector.broadcast %max3A_43 : f32 to vector<512x1xf32>
    %max3A_45 = arith.maximumf %slice3A_42, %max3A_44 : vector<512x1xf32>
    %abs3A_46 = math.absf %slice3A_42 : vector<512x1xf32>
    %neg3A_47 = arith.constant 0.000000e+00 : f32
    %neg3A_48 = vector.broadcast %neg3A_47 : f32 to vector<512x1xf32>
    %neg3A_49 = arith.subf %neg3A_48, %abs3A_46 : vector<512x1xf32>
    %exp3A_50 = math.exp %neg3A_49 : vector<512x1xf32>
    %log1p3A_51 = math.log1p %exp3A_50 : vector<512x1xf32>
    %add3A_52 = arith.addf %max3A_45, %log1p3A_51 : vector<512x1xf32>
    %mul3A_53 = arith.mulf %sqrt3A, %add3A : vector<512x1xf32>
    %mul3A_54 = arith.mulf %sqrt3A_20, %add3A_41 : vector<512x1xf32>
    %add3A_55 = arith.addf %mul3A_53, %mul3A_54 : vector<512x1xf32>
    %get3A_56 = arith.constant 0 : index
    %get3A_57 = memref.load %arg6[%get3A_56] : memref<2xf32, #tpu.memory_space<smem>>
    %sub3A_58 = arith.subf %add3A_55, %add3A_52 : vector<512x1xf32>
    %max3A_59 = arith.constant 0.000000e+00 : f32
    %max3A_60 = vector.broadcast %max3A_59 : f32 to vector<512x1xf32>
    %max3A_61 = arith.maximumf %sub3A_58, %max3A_60 : vector<512x1xf32>
    %reduce_sum3A_62 = vector.shape_cast %max3A_61 : vector<512x1xf32> to vector<1x512x1xf32>
    %reduce_sum3A_63 = arith.constant dense<0.000000e+00> : vector<1xf32>
    %reduce_sum3A_64 = vector.multi_reduction <add>, %reduce_sum3A_62, %reduce_sum3A_63 [1, 2] : vector<1x512x1xf32> to vector<1xf32>
    %reduce_sum3A_65 = vector.shape_cast %reduce_sum3A_64 : vector<1xf32> to vector<1x1x1xf32>
    %reduce_sum3A_66 = vector.extract %reduce_sum3A_65[0, 0, 0] : f32 from vector<1x1x1xf32>
    %add3A_67 = arith.addf %get3A_57, %reduce_sum3A_66 : f32
    %swap3A = arith.constant 0 : index
    %swap3A_68 = memref.load %arg6[%swap3A] : memref<2xf32, #tpu.memory_space<smem>>
    memref.store %add3A_67, %arg6[%swap3A] : memref<2xf32, #tpu.memory_space<smem>>
    %get3A_69 = arith.constant 1 : index
    %get3A_70 = memref.load %arg6[%get3A_69] : memref<2xf32, #tpu.memory_space<smem>>
    %sub3A_71 = arith.subf %add3A_52, %add3A_55 : vector<512x1xf32>
    %max3A_72 = arith.constant 0.000000e+00 : f32
    %max3A_73 = vector.broadcast %max3A_72 : f32 to vector<512x1xf32>
    %max3A_74 = arith.maximumf %sub3A_71, %max3A_73 : vector<512x1xf32>
    %reduce_sum3A_75 = vector.shape_cast %max3A_74 : vector<512x1xf32> to vector<1x512x1xf32>
    %reduce_sum3A_76 = arith.constant dense<0.000000e+00> : vector<1xf32>
    %reduce_sum3A_77 = vector.multi_reduction <add>, %reduce_sum3A_75, %reduce_sum3A_76 [1, 2] : vector<1x512x1xf32> to vector<1xf32>
    %reduce_sum3A_78 = vector.shape_cast %reduce_sum3A_77 : vector<1xf32> to vector<1x1x1xf32>
    %reduce_sum3A_79 = vector.extract %reduce_sum3A_78[0, 0, 0] : f32 from vector<1x1x1xf32>
    %add3A_80 = arith.addf %get3A_70, %reduce_sum3A_79 : f32
    %swap3A_81 = arith.constant 1 : index
    %swap3A_82 = memref.load %arg6[%swap3A_81] : memref<2xf32, #tpu.memory_space<smem>>
    memref.store %add3A_80, %arg6[%swap3A_81] : memref<2xf32, #tpu.memory_space<smem>>
    %eq3A_83 = arith.constant 15 : i32
    %eq3A_84 = arith.cmpi eq, %arg0, %eq3A_83 : i32
    %convert_element_type3A_85 = arith.extui %eq3A_84 : i1 to i32
    %cond3A_86 = arith.constant 0 : i32
    %cond3A_87 = arith.cmpi ne, %convert_element_type3A_85, %cond3A_86 : i32
    scf.if %cond3A_87 {
      %get3A_88 = arith.constant 0 : index
      %get3A_89 = memref.load %arg6[%get3A_88] : memref<2xf32, #tpu.memory_space<smem>>
      %swap3A_90 = arith.constant 0 : index
      %swap3A_91 = arith.constant 0 : index
      %swap3A_92 = memref.load %arg5[%swap3A_90, %swap3A_91] : memref<1x2xf32, #tpu.memory_space<smem>>
      memref.store %get3A_89, %arg5[%swap3A_90, %swap3A_91] : memref<1x2xf32, #tpu.memory_space<smem>>
      %get3A_93 = arith.constant 1 : index
      %get3A_94 = memref.load %arg6[%get3A_93] : memref<2xf32, #tpu.memory_space<smem>>
      %swap3A_95 = arith.constant 0 : index
      %swap3A_96 = arith.constant 1 : index
      %swap3A_97 = memref.load %arg5[%swap3A_95, %swap3A_96] : memref<1x2xf32, #tpu.memory_space<smem>>
      memref.store %get3A_94, %arg5[%swap3A_95, %swap3A_96] : memref<1x2xf32, #tpu.memory_space<smem>>
    } else {
    }
    return
  }
  func.func @transform_0(%arg0: i32) -> (i32, i32) {
    %c0_i32 = arith.constant 0 : i32
    %c0_i32_0 = arith.constant 0 : i32
    %c0_i32_1 = arith.constant 0 : i32
    return %c0_i32, %c0_i32_0 : i32, i32
  }
  func.func @transform_1(%arg0: i32) -> (i32, i32) {
    %c0_i32 = arith.constant 0 : i32
    %c0_i32_0 = arith.constant 0 : i32
    %c0_i32_1 = arith.constant 0 : i32
    return %c0_i32, %c0_i32_0 : i32, i32
  }
  func.func @transform_2(%arg0: i32) -> (i32, i32) {
    %c0_i32 = arith.constant 0 : i32
    %c0_i32_0 = arith.constant 0 : i32
    %c0_i32_1 = arith.constant 0 : i32
    return %c0_i32, %c0_i32_0 : i32, i32
  }
  func.func @transform_3(%arg0: i32) -> (i32, i32) {
    %add3A = arith.constant 16 : i32
    %add3A_0 = arith.addi %arg0, %add3A : i32
    %c0_i32 = arith.constant 0 : i32
    %c0_i32_1 = arith.constant 0 : i32
    return %add3A_0, %c0_i32 : i32, i32
  }
  func.func @transform_4(%arg0: i32) -> (i32, i32) {
    %c0_i32 = arith.constant 0 : i32
    %c0_i32_0 = arith.constant 0 : i32
    %c0_i32_1 = arith.constant 0 : i32
    return %c0_i32, %c0_i32_0 : i32, i32
  }
}

module attributes {stable_mosaic.version = 14 : i64} {
  func.func @_epi_body(%arg0: i32, %arg1: memref<1x1xf32, #tpu.memory_space<smem>>, %arg2: memref<1x2xf32, #tpu.memory_space<smem>>, %arg3: memref<2x4096xi32, #tpu.memory_space<vmem>>, %arg4: memref<152x8xf32, #tpu.memory_space<vmem>>, %arg5: memref<1x152xf32, #tpu.memory_space<vmem>>, %arg6: memref<2x4096xf32, #tpu.memory_space<vmem>>, %arg7: memref<1x1xf32, #tpu.memory_space<smem>>, %arg8: memref<1x152xf32, #tpu.memory_space<vmem>>, %arg9: memref<2xf32, #tpu.memory_space<smem>>) attributes {dimension_semantics = [#tpu.dimension_semantics<arbitrary>], iteration_bounds = array<i64: 2>, scalar_prefetch = 0 : i64, scratch_operands = 1 : i64, tpu.core_type = #tpu.core_type<tc>, window_params = [{transform_indices = @transform_0, window_bounds = array<i64: 1, 1>}, {transform_indices = @transform_1, window_bounds = array<i64: 1, 2>}, {pipeline_mode = #tpu.pipeline_mode<synchronous>, transform_indices = @transform_2, window_bounds = array<i64: 2, 4096>}, {pipeline_mode = #tpu.pipeline_mode<synchronous>, transform_indices = @transform_3, window_bounds = array<i64: 152, 8>}, {pipeline_mode = #tpu.pipeline_mode<synchronous>, transform_indices = @transform_4, window_bounds = array<i64: 1, 152>}, {transform_indices = @transform_5, window_bounds = array<i64: 2, 4096>}, {transform_indices = @transform_6, window_bounds = array<i64: 1, 1>}, {pipeline_mode = #tpu.pipeline_mode<synchronous>, transform_indices = @transform_7, window_bounds = array<i64: 1, 152>}]} {
    %eq3A = arith.constant 0 : i32
    %eq3A_0 = arith.cmpi eq, %arg0, %eq3A : i32
    %convert_element_type3A = arith.extui %eq3A_0 : i1 to i32
    %cond3A = arith.constant 0 : i32
    %cond3A_1 = arith.cmpi ne, %convert_element_type3A, %cond3A : i32
    scf.if %cond3A_1 {
      %swap3A_76 = arith.constant 0.000000e+00 : f32
      %swap3A_77 = arith.constant 0 : index
      %swap3A_78 = memref.load %arg9[%swap3A_77] : memref<2xf32, #tpu.memory_space<smem>>
      memref.store %swap3A_76, %arg9[%swap3A_77] : memref<2xf32, #tpu.memory_space<smem>>
      %swap3A_79 = arith.constant 0.000000e+00 : f32
      %swap3A_80 = arith.constant 1 : index
      %swap3A_81 = memref.load %arg9[%swap3A_80] : memref<2xf32, #tpu.memory_space<smem>>
      memref.store %swap3A_79, %arg9[%swap3A_80] : memref<2xf32, #tpu.memory_space<smem>>
      %get3A_82 = arith.constant 0 : index
      %get3A_83 = arith.constant 0 : index
      %get3A_84 = vector.load %arg5[%get3A_82, %get3A_83] : memref<1x152xf32, #tpu.memory_space<vmem>>, vector<1x152xf32>
      %max3A_85 = arith.constant 0.000000e+00 : f32
      %max3A_86 = vector.broadcast %max3A_85 : f32 to vector<1x152xf32>
      %max3A_87 = arith.maximumf %get3A_84, %max3A_86 : vector<1x152xf32>
      %abs3A_88 = math.absf %get3A_84 : vector<1x152xf32>
      %neg3A_89 = arith.constant 0.000000e+00 : f32
      %neg3A_90 = vector.broadcast %neg3A_89 : f32 to vector<1x152xf32>
      %neg3A_91 = arith.subf %neg3A_90, %abs3A_88 : vector<1x152xf32>
      %exp3A_92 = math.exp %neg3A_91 : vector<1x152xf32>
      %log1p3A_93 = math.log1p %exp3A_92 : vector<1x152xf32>
      %add3A_94 = arith.addf %max3A_87, %log1p3A_93 : vector<1x152xf32>
      %swap3A_95 = arith.constant 0 : index
      %swap3A_96 = arith.constant 0 : index
      %swap3A_97 = vector.load %arg8[%swap3A_95, %swap3A_96] : memref<1x152xf32, #tpu.memory_space<vmem>>, vector<1x152xf32>
      tpu.vector_store %arg8[%swap3A_95, %swap3A_96], %add3A_94 {strides = array<i32>} : memref<1x152xf32, #tpu.memory_space<vmem>>, vector<1x152xf32>,
    } else {
    }
    %get3A = arith.index_cast %arg0 : i32 to index
    %get3A_2 = arith.constant 0 : index
    %get3A_3 = vector.load %arg3[%get3A, %get3A_2] : memref<2x4096xi32, #tpu.memory_space<vmem>>, vector<1x4096xi32>
    %iota3A = tpu.iota {dimensions = array<i32: 0>} : vector<152x4096xi32>
    %eq3A_4 = vector.broadcast %get3A_3 : vector<1x4096xi32> to vector<152x4096xi32>
    %eq3A_5 = arith.cmpi eq, %iota3A, %eq3A_4 : vector<152x4096xi32>
    %convert_element_type3A_6 = arith.extui %eq3A_5 : vector<152x4096xi1> to vector<152x4096xi32>
    %convert_element_type3A_7 = arith.sitofp %convert_element_type3A_6 : vector<152x4096xi32> to vector<152x4096xf32>
    %get3A_8 = arith.constant 0 : index
    %get3A_9 = arith.constant 0 : index
    %get3A_10 = vector.load %arg4[%get3A_8, %get3A_9] : memref<152x8xf32, #tpu.memory_space<vmem>>, vector<152x8xf32>
    %dot_general3A = arith.constant dense<0.000000e+00> : vector<8x4096xf32>
    %dot_general3A_11 = tpu.matmul %get3A_10, %convert_element_type3A_7, %dot_general3A {dimension_numbers = #tpu.dot_dimension_numbers<[0], [0], [1], [1], [0, 1, 1, 1], [], []>, transpose_lhs_hint = false} : vector<152x8xf32>, vector<152x4096xf32>, vector<8x4096xf32> -> vector<8x4096xf32>
    %slice3A = vector.extract_strided_slice %dot_general3A_11 {offsets = [0, 0], sizes = [1, 4096], strides = [1, 1]} : vector<8x4096xf32> to vector<1x4096xf32>
    %max3A = arith.constant 0.000000e+00 : f32
    %max3A_12 = vector.broadcast %max3A : f32 to vector<1x4096xf32>
    %max3A_13 = arith.maximumf %slice3A, %max3A_12 : vector<1x4096xf32>
    %abs3A = math.absf %slice3A : vector<1x4096xf32>
    %neg3A = arith.constant 0.000000e+00 : f32
    %neg3A_14 = vector.broadcast %neg3A : f32 to vector<1x4096xf32>
    %neg3A_15 = arith.subf %neg3A_14, %abs3A : vector<1x4096xf32>
    %exp3A = math.exp %neg3A_15 : vector<1x4096xf32>
    %log1p3A = math.log1p %exp3A : vector<1x4096xf32>
    %add3A = arith.addf %max3A_13, %log1p3A : vector<1x4096xf32>
    %slice3A_16 = vector.extract_strided_slice %dot_general3A_11 {offsets = [1, 0], sizes = [1, 4096], strides = [1, 1]} : vector<8x4096xf32> to vector<1x4096xf32>
    %max3A_17 = arith.constant 0.000000e+00 : f32
    %max3A_18 = vector.broadcast %max3A_17 : f32 to vector<1x4096xf32>
    %max3A_19 = arith.maximumf %slice3A_16, %max3A_18 : vector<1x4096xf32>
    %abs3A_20 = math.absf %slice3A_16 : vector<1x4096xf32>
    %neg3A_21 = arith.constant 0.000000e+00 : f32
    %neg3A_22 = vector.broadcast %neg3A_21 : f32 to vector<1x4096xf32>
    %neg3A_23 = arith.subf %neg3A_22, %abs3A_20 : vector<1x4096xf32>
    %exp3A_24 = math.exp %neg3A_23 : vector<1x4096xf32>
    %log1p3A_25 = math.log1p %exp3A_24 : vector<1x4096xf32>
    %add3A_26 = arith.addf %max3A_19, %log1p3A_25 : vector<1x4096xf32>
    %slice3A_27 = vector.extract_strided_slice %dot_general3A_11 {offsets = [2, 0], sizes = [1, 4096], strides = [1, 1]} : vector<8x4096xf32> to vector<1x4096xf32>
    %max3A_28 = arith.constant 0.000000e+00 : f32
    %max3A_29 = vector.broadcast %max3A_28 : f32 to vector<1x4096xf32>
    %max3A_30 = arith.maximumf %slice3A_27, %max3A_29 : vector<1x4096xf32>
    %abs3A_31 = math.absf %slice3A_27 : vector<1x4096xf32>
    %neg3A_32 = arith.constant 0.000000e+00 : f32
    %neg3A_33 = vector.broadcast %neg3A_32 : f32 to vector<1x4096xf32>
    %neg3A_34 = arith.subf %neg3A_33, %abs3A_31 : vector<1x4096xf32>
    %exp3A_35 = math.exp %neg3A_34 : vector<1x4096xf32>
    %log1p3A_36 = math.log1p %exp3A_35 : vector<1x4096xf32>
    %add3A_37 = arith.addf %max3A_30, %log1p3A_36 : vector<1x4096xf32>
    %get3A_38 = arith.constant 0 : index
    %get3A_39 = arith.constant 0 : index
    %get3A_40 = vector.load %arg6[%get3A_38, %get3A_39] : memref<2x4096xf32, #tpu.memory_space<vmem>>, vector<2x4096xf32>
    %slice3A_41 = vector.extract_strided_slice %get3A_40 {offsets = [0, 0], sizes = [1, 4096], strides = [1, 1]} : vector<2x4096xf32> to vector<1x4096xf32>
    %sqrt3A = math.sqrt %slice3A_41 : vector<1x4096xf32>
    %slice3A_42 = vector.extract_strided_slice %get3A_40 {offsets = [1, 0], sizes = [1, 4096], strides = [1, 1]} : vector<2x4096xf32> to vector<1x4096xf32>
    %sqrt3A_43 = math.sqrt %slice3A_42 : vector<1x4096xf32>
    %mul3A = arith.mulf %sqrt3A, %add3A : vector<1x4096xf32>
    %mul3A_44 = arith.mulf %sqrt3A_43, %add3A_26 : vector<1x4096xf32>
    %add3A_45 = arith.addf %mul3A, %mul3A_44 : vector<1x4096xf32>
    %get3A_46 = arith.constant 0 : index
    %get3A_47 = memref.load %arg9[%get3A_46] : memref<2xf32, #tpu.memory_space<smem>>
    %sub3A = arith.subf %add3A_45, %add3A_37 : vector<1x4096xf32>
    %max3A_48 = arith.constant 0.000000e+00 : f32
    %max3A_49 = vector.broadcast %max3A_48 : f32 to vector<1x4096xf32>
    %max3A_50 = arith.maximumf %sub3A, %max3A_49 : vector<1x4096xf32>
    %reduce_sum3A = vector.shape_cast %max3A_50 : vector<1x4096xf32> to vector<1x1x4096xf32>
    %reduce_sum3A_51 = arith.constant dense<0.000000e+00> : vector<1xf32>
    %reduce_sum3A_52 = vector.multi_reduction <add>, %reduce_sum3A, %reduce_sum3A_51 [1, 2] : vector<1x1x4096xf32> to vector<1xf32>
    %reduce_sum3A_53 = vector.shape_cast %reduce_sum3A_52 : vector<1xf32> to vector<1x1x1xf32>
    %reduce_sum3A_54 = vector.extract %reduce_sum3A_53[0, 0, 0] : f32 from vector<1x1x1xf32>
    %add3A_55 = arith.addf %get3A_47, %reduce_sum3A_54 : f32
    %swap3A = arith.constant 0 : index
    %swap3A_56 = memref.load %arg9[%swap3A] : memref<2xf32, #tpu.memory_space<smem>>
    memref.store %add3A_55, %arg9[%swap3A] : memref<2xf32, #tpu.memory_space<smem>>
    %get3A_57 = arith.constant 1 : index
    %get3A_58 = memref.load %arg9[%get3A_57] : memref<2xf32, #tpu.memory_space<smem>>
    %sub3A_59 = arith.subf %add3A_37, %add3A_45 : vector<1x4096xf32>
    %max3A_60 = arith.constant 0.000000e+00 : f32
    %max3A_61 = vector.broadcast %max3A_60 : f32 to vector<1x4096xf32>
    %max3A_62 = arith.maximumf %sub3A_59, %max3A_61 : vector<1x4096xf32>
    %reduce_sum3A_63 = vector.shape_cast %max3A_62 : vector<1x4096xf32> to vector<1x1x4096xf32>
    %reduce_sum3A_64 = arith.constant dense<0.000000e+00> : vector<1xf32>
    %reduce_sum3A_65 = vector.multi_reduction <add>, %reduce_sum3A_63, %reduce_sum3A_64 [1, 2] : vector<1x1x4096xf32> to vector<1xf32>
    %reduce_sum3A_66 = vector.shape_cast %reduce_sum3A_65 : vector<1xf32> to vector<1x1x1xf32>
    %reduce_sum3A_67 = vector.extract %reduce_sum3A_66[0, 0, 0] : f32 from vector<1x1x1xf32>
    %add3A_68 = arith.addf %get3A_58, %reduce_sum3A_67 : f32
    %swap3A_69 = arith.constant 1 : index
    %swap3A_70 = memref.load %arg9[%swap3A_69] : memref<2xf32, #tpu.memory_space<smem>>
    memref.store %add3A_68, %arg9[%swap3A_69] : memref<2xf32, #tpu.memory_space<smem>>
    %eq3A_71 = arith.constant 1 : i32
    %eq3A_72 = arith.cmpi eq, %arg0, %eq3A_71 : i32
    %convert_element_type3A_73 = arith.extui %eq3A_72 : i1 to i32
    %cond3A_74 = arith.constant 0 : i32
    %cond3A_75 = arith.cmpi ne, %convert_element_type3A_73, %cond3A_74 : i32
    scf.if %cond3A_75 {
      %get3A_76 = arith.constant 0 : index
      %get3A_77 = memref.load %arg9[%get3A_76] : memref<2xf32, #tpu.memory_space<smem>>
      %get3A_78 = arith.constant 0 : index
      %get3A_79 = arith.constant 0 : index
      %get3A_80 = memref.load %arg2[%get3A_78, %get3A_79] : memref<1x2xf32, #tpu.memory_space<smem>>
      %add3A_81 = arith.addf %get3A_77, %get3A_80 : f32
      %get3A_82 = arith.constant 1 : index
      %get3A_83 = memref.load %arg9[%get3A_82] : memref<2xf32, #tpu.memory_space<smem>>
      %get3A_84 = arith.constant 0 : index
      %get3A_85 = arith.constant 1 : index
      %get3A_86 = memref.load %arg2[%get3A_84, %get3A_85] : memref<1x2xf32, #tpu.memory_space<smem>>
      %add3A_87 = arith.addf %get3A_83, %get3A_86 : f32
      %get3A_88 = arith.constant 0 : index
      %get3A_89 = arith.constant 0 : index
      %get3A_90 = memref.load %arg1[%get3A_88, %get3A_89] : memref<1x1xf32, #tpu.memory_space<smem>>
      %mul3A_91 = arith.mulf %get3A_90, %add3A_81 : f32
      %add3A_92 = arith.addf %mul3A_91, %add3A_87 : f32
      %div3A = arith.constant 1.638400e+04 : f32
      %div3A_93 = arith.divf %add3A_92, %div3A : f32
      %swap3A_94 = arith.constant 0 : index
      %swap3A_95 = arith.constant 0 : index
      %swap3A_96 = memref.load %arg7[%swap3A_94, %swap3A_95] : memref<1x1xf32, #tpu.memory_space<smem>>
      memref.store %div3A_93, %arg7[%swap3A_94, %swap3A_95] : memref<1x1xf32, #tpu.memory_space<smem>>
    } else {
    }
    return
  }
  func.func @transform_0(%arg0: i32) -> (i32, i32) {
    %c0_i32 = arith.constant 0 : i32
    %c0_i32_0 = arith.constant 0 : i32
    %c0_i32_1 = arith.constant 0 : i32
    return %c0_i32, %c0_i32_0 : i32, i32
  }
  func.func @transform_1(%arg0: i32) -> (i32, i32) {
    %c0_i32 = arith.constant 0 : i32
    %c0_i32_0 = arith.constant 0 : i32
    %c0_i32_1 = arith.constant 0 : i32
    return %c0_i32, %c0_i32_0 : i32, i32
  }
  func.func @transform_2(%arg0: i32) -> (i32, i32) {
    %c0_i32 = arith.constant 0 : i32
    %c0_i32_0 = arith.constant 0 : i32
    %c0_i32_1 = arith.constant 0 : i32
    return %c0_i32, %c0_i32_0 : i32, i32
  }
  func.func @transform_3(%arg0: i32) -> (i32, i32) {
    %c0_i32 = arith.constant 0 : i32
    %c0_i32_0 = arith.constant 0 : i32
    %c0_i32_1 = arith.constant 0 : i32
    return %c0_i32, %c0_i32_0 : i32, i32
  }
  func.func @transform_4(%arg0: i32) -> (i32, i32) {
    %c0_i32 = arith.constant 0 : i32
    %c0_i32_0 = arith.constant 0 : i32
    %c0_i32_1 = arith.constant 0 : i32
    return %c0_i32, %c0_i32_0 : i32, i32
  }
  func.func @transform_5(%arg0: i32) -> (i32, i32) {
    %c0_i32 = arith.constant 0 : i32
    %c0_i32_0 = arith.constant 0 : i32
    return %c0_i32, %arg0 : i32, i32
  }
  func.func @transform_6(%arg0: i32) -> (i32, i32) {
    %c0_i32 = arith.constant 0 : i32
    %c0_i32_0 = arith.constant 0 : i32
    %c0_i32_1 = arith.constant 0 : i32
    return %c0_i32, %c0_i32_0 : i32, i32
  }
  func.func @transform_7(%arg0: i32) -> (i32, i32) {
    %c0_i32 = arith.constant 0 : i32
    %c0_i32_0 = arith.constant 0 : i32
    %c0_i32_1 = arith.constant 0 : i32
    return %c0_i32, %c0_i32_0 : i32, i32
  }
}

</mosaic_0001>

<sc_bundles>
// kernel: kernel.5.cloned.1.call-start
scs
__scs_entry_jumppad:
0x0: {  	(pc) =	sbr.rel $0x88, $3  }
0x1: {  	(tag) =	ssettag $0x0;
	lr =	simm.s32 $0x1  }
0x2: {  	[smem:$0x3F9B] =	sst lr;
	_ =	strace $0xD0000000  }
0x3: {  	_ = 	snop  }
0x4: {  	_ = 	snop  }
0x5: {  	_ = 	snop  }
0x6: {  	_ = 	snop  }
0x7: {  	_ = 	snop  }
__scs_overlays_trampoline_lowered:
0x8: {  	[smem:$0x3FAA] =	sst s0  }
0x9: {  	[smem:$0x3FAB] =	sst s1  }
0xa: {  	[smem:$0x3FAC] =	sst s2  }
0xb: {  	[smem:$0x3FAD] =	sst s3  }
0xc: {  	[smem:$0x3FAE] =	sst s4  }
0xd: {  	[smem:$0x3FAF] =	sst s5  }
0xe: {  	[smem:$0x3FB0] =	sst s6  }
0xf: {  	[smem:$0x3FB1] =	sst s7  }
0x10: {  	[smem:$0x3FB2] =	sst s8  }
0x11: {  	[smem:$0x3FB3] =	sst s9;
	s0 =	simm.s32 @!p0 $0x0  }
0x12: {  	s1 =	sld [smem:$0x3F99];
	s0 =	simm.s32 @p0 $0x1  }
0x13: {  	[smem:$0x3FB4] =	sst s0;
	s0 =	simm.s32 @!p1 $0x0  }
0x14: {  	s2 =	sld [smem:$0x3F98];
	s0 =	simm.s32 @p1 $0x1  }
0x15: {  	[smem:$0x3FB5] =	sst s0;
	s0 =	simm.s32 @!p2 $0x0  }
0x16: {  	s3 =	sld [smem:$0x3FDB];
	s0 =	simm.s32 @p2 $0x1  }
0x17: {  	s4 =	simm.s32 $0x1BF5;
	[smem:$0x3FB7] =	sst s0  }
0x18: {  	s0 =	sld [smem:$0x3F9A];
	_ =	swait.ge [sflag:s4], $0x0  }
0x19: {  	s7 =	sld [smem:$0x3F9B]  }
0x1a: {  	s8 =	sadd.s32 $0xFFFFE003, lr  }
0x1b: {  	s9 =	sadd.s32 $0xFFFFFEF7, lr;
	s5 =	simm.s32 $0xFFFFFFFF;
	p2 =	slt.u32 s8, $0xFFFFF086  }
0x1c: {  	p1 =	slt.u32 s9, $0xF7A;
	s5 =	simm.s32 @!p2 $0x0  }
0x1d: {  	s5 =	simm.s32 @p1 $0x1;
	p0 =	seq.s32 s7, s2  }
0x1e: {  	s7 =	smul.u32 @!p0 $0xF7A, s2;
	p2 =	seq.s32 @!p0 s5, $0x0  }
0x1f: {  	s9 =	smul.u32 $0xF7A, s1;
	s8 =	simm.s32 @!p0 $0x1BF5;
	p2 =	por !p2, p0  }
0x20: {  	[sflag:s8] =	ssyncset.s32 @!p0 $0xFFFFF086;
	s6 =	sadd.s32 @!p0 s3, s7;
	s7 =	simm.s32 @!p0 $0x108  }
0x21: {  	s3 =	sadd.s32 s3, s9;
	s6 =	sadd.s32 @!p0 $0x88, s6;
	s7 =	simm.s32 @p2 $0x1082  }
0x22: {  	[simem:s7], [sflag:s8] =	dma.local @!p0 [hbm:s6], $0xF7A  }
0x23: {  	s9 =	sor.u32 $0xD0000000, s2;
	s6 =	simm.s32 $0x108;
	_ =	swait.ge @!p0 [sflag:s8], $0x0  }
0x24: {  	s3 =	sadd.s32 $0x88, s3;
	s6 =	simm.s32 @!p1 $0x1082;
	[sflag:s4] =	ssyncset.s32 $0xFFFFF086  }
0x25: {  	[simem:s6], [sflag:s4] =	dma.local [hbm:s3], $0xF7A  }
0x26: {  	[smem:$0x3F9B] =	sst s1;
	(tag) =	ssettag s2;
	_ =	strace s9  }
0x27: {  	s1 =	sld [smem:$0x3FAB]  }
0x28: {  	s2 =	sld [smem:$0x3FAC]  }
0x29: {  	s4 =	sld [smem:$0x3FAE]  }
0x2a: {  	p0 =	seq.s32 s5, $0x0;
	s5 =	sld [smem:$0x3FAF]  }
0x2b: {  	s6 =	sld [smem:$0x3FB0]  }
0x2c: {  	s7 =	sld [smem:$0x3FB1]  }
0x2d: {  	s3 =	simm.s32 $0x108;
	s8 =	sld [smem:$0x3FB2]  }
0x2e: {  	s3 =	simm.s32 @!p0 $0x1082;
	s9 =	sld [smem:$0x3FB3]  }
0x2f: {  	lr =	sadd.s32 s0, s3;
	s0 =	sld [smem:$0x3FAA]  }
0x30: {  	s3 =	sld [smem:$0x3FAD]  }
0x31: {  	[smem:$0x3FB6] =	sst s10  }
0x32: {  	s10 =	sld [smem:$0x3FB4];
	_ =	sdelay $0x3  }
0x33: {  	p0 =	seq.s32 s10, $0x1;
	s10 =	sld [smem:$0x3FB6];
	_ =	sdelay $0x3  }
0x34: {  	[smem:$0x3FB6] =	sst s10  }
0x35: {  	s10 =	sld [smem:$0x3FB5];
	_ =	sdelay $0x3  }
0x36: {  	p1 =	seq.s32 s10, $0x1;
	s10 =	sld [smem:$0x3FB6];
	_ =	sdelay $0x3  }
0x37: {  	[smem:$0x3FB6] =	sst s10  }
0x38: {  	s10 =	sld [smem:$0x3FB7]  }
0x39: {  	_ = 	snop;
	(pc) =	sbr.ind lr, $3  }
0x3a: {  	_ = 	snop  }
0x3b: {  	_ = 	snop  }
0x3c: {  	p2 =	seq.s32 s10, $0x1;
	s10 =	sld [smem:$0x3FB6]  }
0x3d: {  	_ =	shalt  }
0x3e: {  	_ =	shalt  }
0x3f: {  	_ =	shalt  }
0x40: {  	_ =	shalt  }
0x41: {  	_ =	shalt  }
0x42: {  	_ =	shalt  }
0x43: {  	_ =	shalt  }
0x44: {  	_ =	shalt  }
0x45: {  	_ =	shalt  }
0x46: {  	_ =	shalt  }
0x47: {  	_ =	shalt  }
0x48: {  	_ =	shalt  }
0x49: {  	_ =	shalt  }
0x4a: {  	_ =	shalt  }
0x4b: {  	_ =	shalt  }
0x4c: {  	_ =	shalt  }
0x4d: {  	_ =	shalt  }
0x4e: {  	_ =	shalt  }
0x4f: {  	_ =	shalt  }
0x50: {  	_ =	shalt  }
0x51: {  	_ =	shalt  }
0x52: {  	_ =	shalt  }
0x53: {  	_ =	shalt  }
0x54: {  	_ =	shalt  }
0x55: {  	_ =	shalt  }
0x56: {  	_ =	shalt  }
0x57: {  	_ =	shalt  }
0x58: {  	_ =	shalt  }
0x59: {  	_ =	shalt  }
0x5a: {  	_ =	shalt  }
0x5b: {  	_ =	shalt  }
0x5c: {  	_ =	shalt  }
0x5d: {  	_ =	shalt  }
0x5e: {  	_ =	shalt  }
0x5f: {  	_ =	shalt  }
0x60: {  	_ =	shalt  }
0x61: {  	_ =	shalt  }
0x62: {  	_ =	shalt  }
0x63: {  	_ =	shalt  }
0x64: {  	_ =	shalt  }
0x65: {  	_ =	shalt  }
0x66: {  	_ =	shalt  }
0x67: {  	_ =	shalt  }
0x68: {  	_ =	shalt  }
0x69: {  	_ =	shalt  }
0x6a: {  	_ =	shalt  }
0x6b: {  	_ =	shalt  }
0x6c: {  	_ =	shalt  }
0x6d: {  	_ =	shalt  }
0x6e: {  	_ =	shalt  }
0x6f: {  	_ =	shalt  }
0x70: {  	_ =	shalt  }
0x71: {  	_ =	shalt  }
0x72: {  	_ =	shalt  }
0x73: {  	_ =	shalt  }
0x74: {  	_ =	shalt  }
0x75: {  	_ =	shalt  }
0x76: {  	_ =	shalt  }
0x77: {  	_ =	shalt  }
0x78: {  	_ =	shalt  }
0x79: {  	_ =	shalt  }
0x7a: {  	_ =	shalt  }
0x7b: {  	_ =	shalt  }
0x7c: {  	_ =	shalt  }
0x7d: {  	_ =	shalt  }
0x7e: {  	_ =	shalt  }
0x7f: {  	_ =	shalt  }
0x80: {  	_ =	shalt  }
0x81: {  	_ =	shalt  }
0x82: {  	_ =	shalt  }
0x83: {  	_ =	shalt  }
0x84: {  	_ =	shalt  }
0x85: {  	_ =	shalt  }
0x86: {  	_ =	shalt  }
0x87: {  	_ =	shalt  }
.Lfunc_end0:
.L_simem_size_0:
called_computation_lowered:
.L_overlay_start_0:
0x88: {  	s2 =	sld [smem:$0x3FD9]  }
0x89: {  	s3 =	sld [smem:$0x3FFE];
	_ =	sdelay $0x1  }
0x8a: {  	s1 =	srdreg.scid  }
0x8b: {  	s0 =	sand.u32 $0x1, s1  }
0x8c: {  	s17 =	sshll.u32 s0, $0xA;
	s2 =	sadd.s32 s3, s2  }
0x8d: {  	s2 =	sadd.s32 s2, s17  }
0x8e: {  	[smem:$0x3FC2] =	sst s2  }
0x8f: {  	_ = 	snop  }
0x90: {  	s2 =	sld [smem:$0x3FC9]  }
0x91: {  	s18 =	sld [smem:$0x3FC7];
	(tm) =	ssettm $0x1  }
0x92: {  	s4 =	sld [smem:$0x3FFB];
	_ =	sdelay $0x3  }
0x93: {  	_ =	strace s4  }
0x94: {  	s4 =	sld [smem:$0x3FFC];
	_ =	sdelay $0x3  }
0x95: {  	_ =	strace s4  }
0x96: {  	s4 =	sld [smem:$0x3FFD];
	_ =	sdelay $0x3  }
0x97: {  	_ =	strace s4  }
0x98: {  	_ =	strace $0x8FFFFFFF  }
0x99: {  	s19 =	sld [smem:$0x3FDB];
	_ =	sdelay $0x1  }
0x9a: {  	s5 =	simm.s32 $_scs_section_size  }
0x9b: {  	s6 =	simm.s32 $_size__tile_overlayer_lowered;
	s7 =	simm.s32 $_tile_overlayer_lowered  }
0x9c: {  	s22 =	simm.s32 $0x1BFF;
	s21 =	sshll.u32 s7, $0x1;
	s4 =	sadd.s32 s5, s19  }
0x9d: {  	s8 =	simm.s32 $0x0;
	s20 =	sshll.u32 s6, $0x1;
	s6 =	sadd.s32 s21, s4  }
0x9e: {  	[timem:s8], [sflag:s22] =	dma.local [hbm:s6], s20  }
0x9f: {  	_ =	swait.ge [sflag:s22], s20  }
0xa0: {  	s5 =	ssub.s32 $0x0, s20;
	[sflag:s22] =	ssyncset.done $0x0  }
0xa1: {  	[sflag:s22] =	ssyncadd.s32 s5;
	_ =	sdelay $0x1  }
0xa2: {  	s23 =	simm.s32 $0x1B8B  }
0xa3: {  	_ =	swait.ge [sflag:s23], $0x1  }
0xa4: {  	[sflag:s23] =	ssyncset.done $0x0  }
0xa5: {  	s25 =	simm.s32 $0x1B8E;
	s24 =	sld [smem:$0x3FFE];
	[sflag:s23] =	ssyncadd.s32 $0xFFFFFFFF  }
0xa6: {  	s26 =	simm.s32 $execute0_lowered;
	[smem:$0x3FD2] =	sst s25  }
0xa7: {  	s6 =	sshll.u32 s26, $0x1;
	_ =	strace $0x80000046;
	[dreg:$0x1] =	wrdreg $0xFFFFFFFF  }
0xa8: {  	s28 =	simm.s32 $_size_execute0_lowered;
	s4 =	sadd.s32 s4, s6;
	[dreg:$0x0] =	wrdreg $0x0  }
0xa9: {  	s6 =	sshll.u32 s28, $0x1;
	[dreg:$0x2] =	wrdreg s4  }
0xaa: {  	[dreg:$0x3] =	wrdreg s6  }
0xab: {  	[dreg:$0x4] =	wrdreg $0xC0  }
0xac: {  	_ =	task [dreg:s8], $0x5FFFF  }
0xad: {  	[dreg:$0x1] =	wrdreg $0xFFFFFFFF  }
0xae: {  	[dreg:$0x0] =	wrdreg $0x60  }
0xaf: {  	[dreg:$0x2] =	wrdreg s2  }
0xb0: {  	[dreg:$0x3] =	wrdreg s24  }
0xb1: {  	[dreg:$0x4] =	wrdreg s18  }
0xb2: {  	[dreg:$0x5] =	wrdreg $0x9  }
0xb3: {  	_ =	task.clear_ibuf [dreg:s8], $0x6FFFF;
	_ =	strace $0x90000046  }
0xb4: {  	s29 =	simm.s32 $0x9;
	_ =	strace $0x80000048  }
0xb5: {  	_ =	swait.ge [sflag:s29], $0x1  }
0xb6: {  	[sflag:s29] =	ssyncadd.s32 $0xFFFFFFFF  }
0xb7: {  	_ =	strace $0x90000048  }
0xb8: {  	_ =	sfence  }
0xb9: {  	s30 =	sld [smem:$0x0];
	_ =	sdelay $0x2  }
0xba: {  	s31 =	sshll.u32 s1, $0xD;
	s1 =	sshrl.u32 s1, $0x2  }
0xbb: {  	s3 =	sand.u32 $0x4000, s31;
	s1 =	sadd.s32 s1, s30  }
0xbc: {  	s0 =	sor.u32 s3, s0;
	s1 =	sshll.u32 s1, $0x11  }
0xbd: {  	s0 =	sor.u32 s1, s0  }
0xbe: {  	s0 =	sadd.s32 $0x8F2B, s0  }
0xbf: {  	[sflag:s0] =	ssyncadd.remote.s32 $0x1  }
0xc0: {  	_ =	sfence.sel $0xFFFF  }
0xc1: {  	[dreg:$0x0] =	wrdreg $0xFFFFFFFF;
	(pc) =	sbr.abs _section_cstart, $3  }
0xc2: {  	[dreg:$0x1] =	wrdreg $0xFFFFFFFF  }
0xc3: {  	_ =	task.clear_ibuf [dreg:s8], $0x2FFFF;
	_ =	strace $0x9FFFFFFF  }
0xc4: {  	(tm) =	ssettm $0x7FFFFFFF  }
0xc5: {  	_ =	shalt  }
tec
execute0_lowered:
.L_overlay_start_1:
0x0: {  	(tag) =	ssettag $0x1  }
0x1: {  	s7 =	rddreg [dreg:$0x1]  }
0x2: {  	s0 =	srdreg.scid;
	s8 =	rddreg [dreg:$0x2]  }
0x3: {  	s3 =	simm.s32 $0x1;
	s2 =	rddreg [dreg:$0x3];
	s16 =	simm.s32 $0xC00  }
0x4: {  	v0 =	vimm.s32 $0xF80;
	vm0 =	vcmask $0x300;
	s17 =	simm.s32 $0x1800;
	s18 =	simm.s32 $0xE300;
	s19 =	simm.s32 $0xFB00  }
0x5: {  	vm14 =	vcmask $0x704;
	s20 =	simm.s32 $0x2;
	s6 =	sand.u32 $0x1, s0;
	s0 =	stileid.u32;
	v0 =	vsel vm0, $0x0, v0  }
0x6: {  	vm15 =	vcmask $0xB08;
	s21 =	simm.s32 $0x80;
	s22 =	simm.s32 $0x100;
	s1 =	sor.u32 s6, s0;
	v0 =	vsel vm14, $0x80, v0  }
0x7: {  	vm4 =	vcmask $0xF0C;
	s23 =	simm.s32 $0x11300;
	p1 =	seq.s32 s6, $0x1;
	p0 =	seq.s32 s1, $0x0;
	v0 =	vsel vm15, $0x100, v0  }
0x8: {  	vm5 =	vcmask $0x1310;
	s24 =	simm.s32 $0x0;
	s5 =	smul.u32 $0x1C20, s6;
	p0 =	por !p0, !p1;
	v0 =	vsel vm4, $0x180, v0  }
0x9: {  	vm6 =	vcmask $0x1714;
	s4 =	smul.u32 $0xC00, s6;
	s14 =	sshll.u32 s6, $0x7;
	p0 =	por !p0, !p0;
	v0 =	vsel vm5, $0x200, v0  }
0xa: {  	vm7 =	vcmask $0x1B18;
	s6 =	ssub.s32 $0x2, s6;
	s1 =	rddreg [dreg:$0x0];
	s3 =	simm.s32 @!p0 $0x0;
	v0 =	vsel vm6, $0x280, v0  }
0xb: {  	vm8 =	vcmask $0x1F1C;
	s31 =	sshrl.u32 s6, $0x1;
	s12 =	sadd.s32 s5, s7;
	s9 =	ssub.s32 s0, s3;
	v0 =	vsel vm7, $0x300, v0  }
0xc: {  	vm9 =	vcmask $0x2320;
	s5 =	simm.s32 $0x1;
	s11 =	sshll.u32 s9, $0x9;
	s9 =	sshll.u32 s9, $0xA;
	v0 =	vsel vm8, $0x380, v0  }
0xd: {  	vm10 =	vcmask $0x2724;
	s3 =	simm.s32 $0x0;
	s10 =	sshrl.u32 s11, $0x3;
	s9 =	sor.u32 s14, s9;
	v0 =	vsel vm9, $0xC00, v0  }
0xe: {  	vm11 =	vcmask $0x2B28;
	[smem:$0x7FF] =	sst s3;
	s13 =	smul.u32 $0x1800, s10;
	s9 =	sshrl.u32 s9, $0x3;
	v0 =	vsel vm10, $0xC80, v0  }
0xf: {  	vm12 =	vcmask $0x2F2C;
	_ =	strace $0x80000047;
	s14 =	ssub.s32 s6, s31;
	s15 =	sadd.s32 s9, s7;
	v0 =	vsel vm11, $0xD00, v0  }
0x10: {  	vm13 =	vcmask $0x3330;
	s7 =	sadd.s32 s8, s10;
	s8 =	sadd.s32 $0xE00, s12;
	s13 =	sor.u32 s4, s13;
	v0 =	vsel vm12, $0xD80, v0  }
0x11: {  	vm14 =	vcmask $0x3734;
	s10 =	sor.u32 $0x20, s11;
	s11 =	sor.u32 $0x30, s11;
	s13 =	sshrl.u32 s13, $0x3;
	v0 =	vsel vm13, $0xE00, v0  }
0x12: {  	vm15 =	vcmask $0x3B38;
	s12 =	sadd.s32 $0x4800, s15;
	s15 =	simm.s32 $0x3;
	s6 =	sadd.s32 s1, s13;
	v0 =	vsel vm14, $0xE80, v0  }
0x13: {  	v1 =	vimm.s32 $0x1;
	s13 =	smax.u32 s14, $0x1;
	s14 =	simm.s32 $0xE100;
	s9 =	sadd.s32 $0x600, s6;
	v0 =	vsel vm15, $0xF00, v0  }
.LBB2_1:
0x14: {  	[tilespmem:s14], [sflag:$0x3] =	stream.linear.gather [hbm4b:s7+s3], $0x200, $0x38;
	[tilespmem:$0x11500] =	vst v63  }
0x15: {  	_ =	swait.ge [sflag:s15], $0x200  }
0x16: {  	[sflag:s15] =	ssyncset.done $0x0  }
0x17: {  	[sflag:s15] =	ssyncadd.s32 $0xFFFFFE00  }
0x18: {  	[tilespmem:s3], [sflag:$0x3] =	stream.linear.gather [hbm4b:s8+s3], $0xE100, $0x38;
	[tilespmem:$0x11500] =	vst v63  }
0x19: {  	_ =	swait.ge [sflag:s15], $0xE100  }
0x1a: {  	[sflag:s15] =	ssyncset.done $0x0  }
0x1b: {  	[sflag:s15] =	ssyncadd.s32 $0xFFFF1F00  }
0x1c: {  	[tilespmem:s18], [sflag:$0x1] =	stream.strided.gather [hbm4b:s6+s16], $0x1800, s17, s16, $0x38;
	[tilespmem:$0x11500] =	vst v63  }
0x1d: {  	s25 =	simm.s32 $0x0  }
0x1e: {  	[tilespmem:s19], [sflag:$0x2] =	stream.strided.gather [hbm4b:s9+s16], $0x1800, s17, s16, $0x38;
	[tilespmem:$0x11500] =	vst v63  }
.LBB2_2:
0x1f: {  	_ =	swait.ge [sflag:s5], $0x1800  }
0x20: {  	[sflag:s5] =	ssyncset.done $0x0  }
0x21: {  	s26 =	sshll.u32 s25, $0x5;
	[sflag:s5] =	ssyncadd.s32 $0xFFFFE800  }
0x22: {  	v2 =	vld [tilespmem:s26+$0xE100];
	_ =	sdelay $0x4  }
0x23: {  	v4 =	vimm.f32 $0.0e+00;
	v3 =	vmul.u32 $0x180, v2;
	v2 =	vlaneseq.u32  }
0x24: {  	v10 =	vadd.s32 $0xC, v2;
	v11 =	vadd.s32 $0xD, v2;
	v12 =	vadd.s32 $0xE, v2  }
0x25: {  	v13 =	vadd.s32 $0xF, v2;
	v16 =	vadd.s32 $0x8, v2;
	v19 =	vadd.s32 $0x9, v2  }
0x26: {  	v22 =	vadd.s32 $0xA, v2;
	v24 =	vadd.s32 $0xB, v2;
	v32 =	vand.u32 $0x7F, v2  }
0x27: {  	v27 =	vadd.s32 $0x4, v2;
	v28 =	vadd.s32 $0x5, v2;
	v29 =	vshll.u32 v2, $0x3  }
0x28: {  	v30 =	vadd.s32 $0x6, v2;
	v31 =	vadd.s32 $0x7, v2;
	v33 =	vadd.s32 $0x1, v2  }
0x29: {  	v36 =	vadd.s32 $0x2, v2;
	v37 =	vadd.s32 $0x3, v2;
	v3 =	vor.u32 v2, v3  }
0x2a: {  	v38 =	vand.u32 $0x7F, v10;
	v39 =	vand.u32 $0x7F, v11;
	v40 =	vand.u32 $0x7F, v12  }
0x2b: {  	v41 =	vshll.u32 v10, $0x3;
	v42 =	vshll.u32 v11, $0x3;
	v43 =	vand.u32 $0x7F, v13  }
0x2c: {  	v44 =	vshll.u32 v12, $0x3;
	v45 =	vshll.u32 v13, $0x3;
	v5 =	vadd.s32 $0xC, v3  }
0x2d: {  	v46 =	vand.u32 $0x7F, v22;
	v47 =	vand.u32 $0x7F, v24;
	v6 =	vadd.s32 $0xD, v3  }
0x2e: {  	v48 =	vshll.u32 v19, $0x3;
	v49 =	vshll.u32 v22, $0x3;
	v7 =	vadd.s32 $0xE, v3  }
0x2f: {  	v50 =	vand.u32 $0x7F, v28;
	v51 =	vshll.u32 v24, $0x3;
	v8 =	vadd.s32 $0xF, v3  }
0x30: {  	v52 =	vshll.u32 v27, $0x3;
	v24 =	vand.u32 $0x7F, v30;
	v14 =	vadd.s32 $0x8, v3;
	v9 =	vld.idx.msk [tilespmem:v3+s3+$0x0], $0xffff  }
0x31: {  	v22 =	vand.u32 $0x7F, v31;
	v53 =	vshll.u32 v28, $0x3;
	v15 =	vadd.s32 $0x9, v3;
	v10 =	vld.idx.msk [tilespmem:v5+s3+$0x0], $0xffff  }
0x32: {  	v28 =	vshll.u32 v30, $0x3;
	v54 =	vshll.u32 v33, $0x3;
	v17 =	vadd.s32 $0xA, v3;
	v11 =	vld.idx.msk [tilespmem:v6+s3+$0x0], $0xffff  }
0x33: {  	v30 =	vand.u32 $0x7F, v37;
	v18 =	vadd.s32 $0xB, v3;
	v20 =	vadd.s32 $0x4, v3;
	v12 =	vld.idx.msk [tilespmem:v7+s3+$0x0], $0xffff  }
0x34: {  	v21 =	vadd.s32 $0x5, v3;
	v23 =	vadd.s32 $0x6, v3;
	v25 =	vadd.s32 $0x7, v3;
	v13 =	vld.idx.msk [tilespmem:v8+s3+$0x0], $0xffff  }
0x35: {  	v26 =	vadd.s32 $0x1, v3;
	v34 =	vadd.s32 $0x2, v3;
	v35 =	vadd.s32 $0x3, v3;
	v14 =	vld.idx.msk [tilespmem:v14+s3+$0x0], $0xffff  }
0x36: {  	v59 =	vand.u32 $0xFFFFFC00, v42;
	v5 =	vand.u32 $0x7F, v16;
	v7 =	vshll.u32 v16, $0x3;
	v16 =	vld.idx.msk [tilespmem:v15+s3+$0x0], $0xffff  }
0x37: {  	v60 =	vand.u32 $0xFFFFFC00, v44;
	v61 =	vand.u32 $0xFFFFFC00, v45;
	v6 =	vand.u32 $0x7F, v19;
	v19 =	vld.idx.msk [tilespmem:v17+s3+$0x0], $0xffff  }
0x38: {  	v44 =	vand.u32 $0xFFFFFC00, v54;
	v8 =	vand.u32 $0x7F, v27;
	v27 =	vshll.u32 v31, $0x3;
	v15 =	vld.idx.msk [tilespmem:v18+s3+$0x0], $0xffff  }
0x39: {  	v17 =	vand.u32 $0xFFFFFC00, v29;
	v31 =	vand.u32 $0x7F, v33;
	v29 =	vand.u32 $0x7F, v36;
	v20 =	vld.idx.msk [tilespmem:v20+s3+$0x0], $0xffff  }
0x3a: {  	v33 =	vshll.u32 v36, $0x3;
	v18 =	vand.u32 $0xFFFFFC00, v41;
	v21 =	vld.idx.msk [tilespmem:v21+s3+$0x0], $0xffff;
	v17 =	vor.u32 v32, v17  }
0x3b: {  	v18 =	vor.u32 v38, v18;
	v7 =	vand.u32 $0xFFFFFC00, v7;
	v58 =	vadd.s32 v0, v17;
	v17 =	vld.idx.msk [tilespmem:v23+s3+$0x0], $0xffff  }
0x3c: {  	v38 =	vadd.s32 v0, v18;
	v23 =	vor.u32 v39, v59;
	v18 =	vld.idx.msk [tilespmem:v25+s3+$0x0], $0xffff;
	v25 =	vor.u32 v40, v60  }
0x3d: {  	v5 =	vor.u32 v5, v7;
	v7 =	vand.u32 $0xFFFFFC00, v48;
	v39 =	vadd.s32 v0, v23;
	v23 =	vld.idx.msk [tilespmem:v26+s3+$0x0], $0xffff  }
0x3e: {  	v62 =	vadd.s32 v0, v25;
	v26 =	vor.u32 v43, v61;
	v25 =	vld.idx.msk [tilespmem:v34+s3+$0x0], $0xffff;
	v41 =	vadd.s32 v0, v5  }
0x3f: {  	v5 =	vor.u32 v6, v7;
	v6 =	vand.u32 $0xFFFFFC00, v49;
	v63 =	vadd.s32 v0, v26;
	v26 =	vld.idx.msk [tilespmem:v35+s3+$0x0], $0xffff  }
0x40: {  	v32 =	vshll.u32 v37, $0x3;
	v40 =	vadd.s32 v0, v5;
	v5 =	vor.u32 v46, v6;
	v34 =	vld.idx.msk [tilespmem:v58+s18+$0x0], $0xffff  }
0x41: {  	v7 =	vand.u32 $0xFFFFFC00, v52;
	v6 =	vand.u32 $0xFFFFFC00, v51;
	v42 =	vadd.s32 v0, v5;
	v35 =	vld.idx.msk [tilespmem:v38+s18+$0x0], $0xffff  }
0x42: {  	v5 =	vor.u32 v47, v6;
	v6 =	vor.u32 v8, v7;
	v7 =	vand.u32 $0xFFFFFC00, v53;
	v36 =	vld.idx.msk [tilespmem:v39+s18+$0x0], $0xffff  }
0x43: {  	v8 =	vimm.f32 $0.0e+00;
	v43 =	vadd.s32 v0, v6;
	v45 =	vor.u32 v50, v7;
	v37 =	vld.idx.msk [tilespmem:v62+s18+$0x0], $0xffff  }
0x44: {  	s28 =	simm.s32 $0x16;
	v6 =	vimm.f32 $0.0e+00;
	v39 =	vadd.s32 v0, v5;
	v5 =	vimm.f32 $0.0e+00;
	v38 =	vld.idx.msk [tilespmem:v63+s18+$0x0], $0xffff  }
.LBB2_3:
0x45: {  	v7 =	vmov v2  }
0x46: {  	p0 =	sne.s32 s28, $0x1;
	v31 =	vor.u32 v31, v44;
	v33 =	vand.u32 $0xFFFFFC00, v33;
	v44 =	vadd.s32 v0, v45;
	v41 =	vld.idx.msk [tilespmem:v41+s18+$0x0], $0xffff  }
0x47: {  	v32 =	vand.u32 $0xFFFFFC00, v32;
	v31 =	vadd.s32 v0, v31;
	v29 =	vor.u32 v29, v33;
	v33 =	vld.idx.msk [tilespmem:v40+s18+$0x0], $0xffff  }
0x48: {  	v28 =	vand.u32 $0xFFFFFC00, v28;
	v30 =	vor.u32 v30, v32;
	v29 =	vadd.s32 v0, v29;
	v32 =	vld.idx.msk [tilespmem:v42+s18+$0x0], $0xffff  }
0x49: {  	v27 =	vand.u32 $0xFFFFFC00, v27;
	v24 =	vor.u32 v24, v28;
	v30 =	vadd.s32 v0, v30;
	v28 =	vld.idx.msk [tilespmem:v39+s18+$0x0], $0xffff  }
0x4a: {  	v22 =	vor.u32 v22, v27;
	v24 =	vadd.s32 v0, v24;
	v39 =	vld.idx.msk [tilespmem:v43+s18+$0x0], $0xffff  }
0x4b: {  	v3 =	vadd.s32 $0x10, v3;
	v22 =	vadd.s32 v0, v22;
	v27 =	vld.idx.msk [tilespmem:v44+s18+$0x0], $0xffff  }
0x4c: {  	v9 =	vsub.f32 v34, v9;
	v2 =	vadd.s32 $0x10, v2;
	v40 =	vadd.s32 $0xC, v3;
	v31 =	vld.idx.msk [tilespmem:v31+s18+$0x0], $0xffff  }
0x4d: {  	v34 =	vadd.s32 $0xD, v3;
	v10 =	vsub.f32 v35, v10;
	v11 =	vsub.f32 v36, v11;
	v29 =	vld.idx.msk [tilespmem:v29+s18+$0x0], $0xffff  }
0x4e: {  	v35 =	vadd.s32 $0xE, v3;
	v12 =	vsub.f32 v37, v12;
	v13 =	vsub.f32 v38, v13;
	v30 =	vld.idx.msk [tilespmem:v30+s18+$0x0], $0xffff  }
0x4f: {  	v36 =	vadd.s32 $0xF, v3;
	v14 =	vsub.f32 v41, v14;
	v16 =	vsub.f32 v33, v16;
	v24 =	vld.idx.msk [tilespmem:v24+s18+$0x0], $0xffff  }
0x50: {  	v33 =	vadd.s32 $0x8, v3;
	v19 =	vsub.f32 v32, v19;
	v15 =	vsub.f32 v28, v15;
	v22 =	vld.idx.msk [tilespmem:v22+s18+$0x0], $0xffff  }
0x51: {  	v28 =	vadd.s32 $0x9, v3;
	v20 =	vsub.f32 v39, v20;
	v21 =	vsub.f32 v27, v21  }
0x52: {  	v9 =	vmul.f32 v9, v9;
	v10 =	vmul.f32 v10, v10;
	v23 =	vsub.f32 v31, v23  }
0x53: {  	v11 =	vmul.f32 v11, v11;
	v14 =	vmul.f32 v14, v14;
	v25 =	vsub.f32 v29, v25  }
0x54: {  	v16 =	vmul.f32 v16, v16;
	v20 =	vmul.f32 v20, v20;
	v26 =	vsub.f32 v30, v26  }
0x55: {  	v21 =	vmul.f32 v21, v21;
	v23 =	vmul.f32 v23, v23;
	v17 =	vsub.f32 v24, v17  }
0x56: {  	v24 =	vmul.f32 v25, v25;
	v25 =	vmul.f32 v26, v26;
	v18 =	vsub.f32 v22, v18  }
0x57: {  	v4 =	vadd.f32 v9, v4;
	v8 =	vadd.f32 v23, v8;
	v9 =	vmul.f32 v17, v17  }
0x58: {  	v6 =	vadd.f32 v24, v6;
	v5 =	vadd.f32 v25, v5;
	v17 =	vmul.f32 v18, v18  }
0x59: {  	v4 =	vadd.f32 v20, v4;
	v8 =	vadd.f32 v21, v8;
	v18 =	vmul.f32 v19, v19  }
0x5a: {  	v6 =	vadd.f32 v9, v6;
	v9 =	vmul.f32 v15, v15;
	v5 =	vadd.f32 v17, v5  }
0x5b: {  	v12 =	vmul.f32 v12, v12;
	v4 =	vadd.f32 v14, v4;
	v8 =	vadd.f32 v16, v8  }
0x5c: {  	v6 =	vadd.f32 v18, v6;
	v5 =	vadd.f32 v9, v5;
	v9 =	vmul.f32 v13, v13  }
0x5d: {  	v4 =	vadd.f32 v10, v4;
	v15 =	vadd.s32 $0xA, v3;
	v8 =	vadd.f32 v11, v8  }
0x5e: {  	v17 =	vadd.s32 $0xB, v3;
	v6 =	vadd.f32 v12, v6;
	v5 =	vadd.f32 v9, v5  }
0x5f: {  	v23 =	vadd.s32 $0x6, v3;
	v21 =	vadd.s32 $0x5, v3;
	v18 =	vadd.s32 $0x4, v3  }
0x60: {  	v25 =	vadd.s32 $0x7, v3;
	v10 =	vadd.s32 $0xC, v2;
	v11 =	vadd.s32 $0xD, v2  }
0x61: {  	v26 =	vadd.s32 $0x1, v3;
	v13 =	vadd.s32 $0xF, v2;
	v12 =	vadd.s32 $0xE, v2  }
0x62: {  	v37 =	vadd.s32 $0x2, v3;
	v38 =	vadd.s32 $0x3, v3;
	v14 =	vadd.s32 $0x8, v2  }
0x63: {  	v20 =	vadd.s32 $0xB, v2;
	v19 =	vadd.s32 $0xA, v2;
	v16 =	vadd.s32 $0x9, v2  }
0x64: {  	v32 =	vand.u32 $0x7F, v2;
	v27 =	vadd.s32 $0x5, v2;
	v22 =	vadd.s32 $0x4, v2  }
0x65: {  	v31 =	vadd.s32 $0x7, v2;
	v29 =	vshll.u32 v2, $0x3;
	v30 =	vadd.s32 $0x6, v2  }
0x66: {  	v42 =	vadd.s32 $0x3, v2;
	v41 =	vadd.s32 $0x2, v2;
	v39 =	vadd.s32 $0x1, v2  }
0x67: {  	v43 =	vand.u32 $0x7F, v10;
	v44 =	vand.u32 $0x7F, v11;
	v45 =	vand.u32 $0x7F, v12;
	v9 =	vld.idx.msk [tilespmem:v3+s3+$0x0], $0xffff  }
0x68: {  	v46 =	vshll.u32 v10, $0x3;
	v47 =	vand.u32 $0x7F, v13;
	v10 =	vld.idx.msk [tilespmem:v40+s3+$0x0], $0xffff;
	v40 =	vshll.u32 v11, $0x3  }
0x69: {  	v48 =	vand.u32 $0x7F, v14;
	v49 =	vshll.u32 v13, $0x3;
	v11 =	vld.idx.msk [tilespmem:v34+s3+$0x0], $0xffff;
	v34 =	vshll.u32 v12, $0x3  }
0x6a: {  	v52 =	vand.u32 $0x7F, v20;
	v51 =	vand.u32 $0x7F, v19;
	v50 =	vand.u32 $0x7F, v16;
	v12 =	vld.idx.msk [tilespmem:v35+s3+$0x0], $0xffff  }
0x6b: {  	v54 =	vshll.u32 v19, $0x3;
	v53 =	vshll.u32 v16, $0x3;
	v35 =	vshll.u32 v14, $0x3;
	v13 =	vld.idx.msk [tilespmem:v36+s3+$0x0], $0xffff  }
0x6c: {  	v56 =	vand.u32 $0x7F, v27;
	v55 =	vand.u32 $0x7F, v22;
	v36 =	vshll.u32 v20, $0x3;
	v14 =	vld.idx.msk [tilespmem:v33+s3+$0x0], $0xffff  }
0x6d: {  	v57 =	vshll.u32 v22, $0x3;
	v24 =	vand.u32 $0x7F, v30;
	v22 =	vand.u32 $0x7F, v31;
	v16 =	vld.idx.msk [tilespmem:v28+s3+$0x0], $0xffff  }
0x6e: {  	v58 =	vshll.u32 v27, $0x3;
	v27 =	vshll.u32 v31, $0x3;
	v28 =	vshll.u32 v30, $0x3;
	v19 =	vld.idx.msk [tilespmem:v15+s3+$0x0], $0xffff  }
0x6f: {  	v59 =	vand.u32 $0xFFFFFC00, v29;
	v29 =	vand.u32 $0x7F, v41;
	v31 =	vand.u32 $0x7F, v39;
	v15 =	vld.idx.msk [tilespmem:v17+s3+$0x0], $0xffff  }
0x70: {  	v60 =	vshll.u32 v39, $0x3;
	v33 =	vshll.u32 v41, $0x3;
	v30 =	vand.u32 $0x7F, v42;
	v20 =	vld.idx.msk [tilespmem:v18+s3+$0x0], $0xffff  }
0x71: {  	v17 =	vor.u32 v32, v59;
	v32 =	vshll.u32 v42, $0x3;
	v18 =	vand.u32 $0xFFFFFC00, v46;
	v21 =	vld.idx.msk [tilespmem:v21+s3+$0x0], $0xffff  }
0x72: {  	v40 =	vand.u32 $0xFFFFFC00, v40;
	v39 =	vadd.s32 v0, v17;
	v17 =	vld.idx.msk [tilespmem:v23+s3+$0x0], $0xffff;
	v23 =	vor.u32 v43, v18  }
0x73: {  	v34 =	vand.u32 $0xFFFFFC00, v34;
	v18 =	vld.idx.msk [tilespmem:v25+s3+$0x0], $0xffff;
	v42 =	vadd.s32 v0, v23;
	v25 =	vor.u32 v44, v40  }
0x74: {  	v23 =	vld.idx.msk [tilespmem:v26+s3+$0x0], $0xffff;
	v43 =	vadd.s32 v0, v25;
	v26 =	vor.u32 v45, v34;
	v34 =	vand.u32 $0xFFFFFC00, v49  }
0x75: {  	v35 =	vand.u32 $0xFFFFFC00, v35;
	v25 =	vld.idx.msk [tilespmem:v37+s3+$0x0], $0xffff;
	v37 =	vadd.s32 v0, v26;
	v34 =	vor.u32 v47, v34  }
0x76: {  	v35 =	vor.u32 v48, v35;
	v26 =	vld.idx.msk [tilespmem:v38+s3+$0x0], $0xffff;
	v38 =	vand.u32 $0xFFFFFC00, v53;
	v46 =	vadd.s32 v0, v34  }
.Ltmp0:
0x77: {  	v41 =	vadd.s32 v0, v35;
	v34 =	vld.idx.msk [tilespmem:v39+s18+$0x0], $0xffff;
	v35 =	vor.u32 v50, v38;
	v38 =	vand.u32 $0xFFFFFC00, v54;
	(pc) =	sbr.rel @p0 .LBB2_3-.Ltmp0, $4  }
0x78: {  	v36 =	vand.u32 $0xFFFFFC00, v36;
	v40 =	vadd.s32 v0, v35;
	v38 =	vor.u32 v51, v38;
	v35 =	vld.idx.msk [tilespmem:v42+s18+$0x0], $0xffff  }
0x79: {  	v39 =	vand.u32 $0xFFFFFC00, v57;
	v42 =	vadd.s32 v0, v38;
	v38 =	vor.u32 v52, v36;
	v36 =	vld.idx.msk [tilespmem:v43+s18+$0x0], $0xffff  }
0x7a: {  	v45 =	vand.u32 $0xFFFFFC00, v58;
	v43 =	vor.u32 v55, v39;
	v39 =	vadd.s32 v0, v38;
	v37 =	vld.idx.msk [tilespmem:v37+s18+$0x0], $0xffff  }
0x7b: {  	s28 =	sadd.s32 $0xFFFFFFFF, s28;
	v44 =	vand.u32 $0xFFFFFC00, v60;
	v45 =	vor.u32 v56, v45;
	v43 =	vadd.s32 v0, v43;
	v38 =	vld.idx.msk [tilespmem:v46+s18+$0x0], $0xffff  }
0x7c: {  	_ =	sdelay $0x1  }
0x7d: {  	v31 =	vor.u32 v31, v44;
	v33 =	vand.u32 $0xFFFFFC00, v33  }
0x7e: {  	v50 =	vadd.s32 v0, v45;
	v32 =	vand.u32 $0xFFFFFC00, v32;
	v28 =	vand.u32 $0xFFFFFC00, v28  }
0x7f: {  	v41 =	vld.idx.msk [tilespmem:v41+s18+$0x0], $0xffff;
	v27 =	vand.u32 $0xFFFFFC00, v27;
	v9 =	vsub.f32 v34, v9;
	v3 =	vadd.s32 $0x10, v3  }
0x80: {  	v51 =	vld.idx.msk [tilespmem:v40+s18+$0x0], $0xffff;
	v2 =	vadd.s32 $0x10, v2;
	v31 =	vadd.s32 v0, v31;
	v29 =	vor.u32 v29, v33  }
0x81: {  	v52 =	vld.idx.msk [tilespmem:v42+s18+$0x0], $0xffff;
	v7 =	vadd.s32 $0x11, v7;
	v30 =	vor.u32 v30, v32;
	v29 =	vadd.s32 v0, v29  }
0x82: {  	v24 =	vor.u32 v24, v28;
	v28 =	vld.idx.msk [tilespmem:v43+s18+$0x0], $0xffff;
	v22 =	vor.u32 v22, v27;
	v30 =	vadd.s32 v0, v30  }
0x83: {  	v53 =	vld.idx.msk [tilespmem:v39+s18+$0x0], $0xffff;
	v10 =	vsub.f32 v35, v10;
	vm0 =	veq.s32 v7, $0x180;
	v24 =	vadd.s32 v0, v24  }
0x84: {  	v22 =	vadd.s32 v0, v22;
	v11 =	vsub.f32 v36, v11;
	v9 =	vmul.f32 v9, v9;
	v27 =	vld.idx.msk [tilespmem:v50+s18+$0x0], $0xffff  }
0x85: {  	v7 =	vsel vm0, $0x0, v7;
	v12 =	vsub.f32 v37, v12;
	v10 =	vmul.f32 v10, v10;
	v31 =	vld.idx.msk [tilespmem:v31+s18+$0x0], $0xffff  }
0x86: {  	v13 =	vsub.f32 v38, v13;
	v4 =	vadd.f32 v9, v4;
	v9 =	vshll.u32 v2, $0x3;
	v29 =	vld.idx.msk [tilespmem:v29+s18+$0x0], $0xffff  }
0x87: {  	v2 =	vand.u32 $0x7F, v2;
	v14 =	vsub.f32 v41, v14;
	v20 =	vsub.f32 v28, v20;
	v30 =	vld.idx.msk [tilespmem:v30+s18+$0x0], $0xffff  }
0x88: {  	v11 =	vmul.f32 v11, v11;
	v16 =	vsub.f32 v51, v16;
	v19 =	vsub.f32 v52, v19;
	v24 =	vld.idx.msk [tilespmem:v24+s18+$0x0], $0xffff  }
0x89: {  	v15 =	vsub.f32 v53, v15;
	v9 =	vand.u32 $0xFFFFFC00, v9;
	v22 =	vld.idx.msk [tilespmem:v22+s18+$0x0], $0xffff;
	v20 =	vmul.f32 v20, v20  }
0x8a: {  	v2 =	vor.u32 v2, v9;
	v14 =	vmul.f32 v14, v14;
	v16 =	vmul.f32 v16, v16  }
0x8b: {  	v2 =	vadd.s32 v0, v2;
	v21 =	vsub.f32 v27, v21;
	v4 =	vadd.f32 v20, v4  }
0x8c: {  	v19 =	vmul.f32 v19, v19;
	v23 =	vsub.f32 v31, v23;
	v25 =	vsub.f32 v29, v25  }
0x8d: {  	v26 =	vsub.f32 v30, v26;
	v21 =	vmul.f32 v21, v21;
	v17 =	vsub.f32 v24, v17  }
0x8e: {  	v18 =	vsub.f32 v22, v18;
	v22 =	vsel vm0, $0xFFFFFE81, v1;
	v23 =	vmul.f32 v23, v23  }
0x8f: {  	v4 =	vadd.f32 v14, v4;
	v22 =	vadd.s32 v3, v22;
	v24 =	vmul.f32 v25, v25  }
0x90: {  	v25 =	vmul.f32 v26, v26;
	v26 =	vadd.s32 $0x1, v7;
	v8 =	vadd.f32 v23, v8  }
0x91: {  	v23 =	vshll.u32 v7, $0x3;
	v7 =	vand.u32 $0x7F, v7;
	vm14 =	veq.s32 v26, $0x180  }
0x92: {  	v23 =	vand.u32 $0xFFFFFC00, v23;
	v9 =	vsel vm14, $0x0, v26;
	v26 =	vsel vm14, $0xFFFFFE81, v1  }
0x93: {  	v7 =	vor.u32 v7, v23;
	v23 =	vadd.s32 $0x1, v9;
	v27 =	vshll.u32 v9, $0x3  }
0x94: {  	v9 =	vand.u32 $0x7F, v9;
	v26 =	vadd.s32 v22, v26;
	v27 =	vand.u32 $0xFFFFFC00, v27  }
0x95: {  	v2 =	vld.idx.msk [tilespmem:v2+s18+$0x0], $0xffff;
	v7 =	vadd.s32 v0, v7;
	vm15 =	veq.s32 v23, $0x180;
	v9 =	vor.u32 v9, v27  }
0x96: {  	v3 =	vld.idx.msk [tilespmem:v3+s3+$0x0], $0xffff;
	v17 =	vmul.f32 v17, v17;
	v23 =	vsel vm15, $0x0, v23;
	v9 =	vadd.s32 v0, v9  }
0x97: {  	v18 =	vmul.f32 v18, v18;
	v6 =	vadd.f32 v24, v6;
	v27 =	vshll.u32 v23, $0x3  }
0x98: {  	v20 =	vld.idx.msk [tilespmem:v22+s3+$0x0], $0xffff;
	v24 =	vsel vm15, $0xFFFFFE81, v1;
	v28 =	vand.u32 $0x7F, v23;
	v27 =	vand.u32 $0xFFFFFC00, v27  }
0x99: {  	v5 =	vadd.f32 v25, v5;
	v24 =	vadd.s32 v26, v24;
	v27 =	vor.u32 v28, v27;
	v14 =	vld.idx.msk [tilespmem:v26+s3+$0x0], $0xffff  }
0x9a: {  	v8 =	vadd.f32 v21, v8;
	v6 =	vadd.f32 v17, v6;
	v27 =	vadd.s32 v0, v27;
	v7 =	vld.idx.msk [tilespmem:v7+s18+$0x0], $0xffff  }
0x9b: {  	v15 =	vmul.f32 v15, v15;
	v5 =	vadd.f32 v18, v5;
	v2 =	vsub.f32 v2, v3;
	v9 =	vld.idx.msk [tilespmem:v9+s18+$0x0], $0xffff  }
0x9c: {  	v12 =	vmul.f32 v12, v12;
	v8 =	vadd.f32 v16, v8;
	v6 =	vadd.f32 v19, v6  }
0x9d: {  	v13 =	vmul.f32 v13, v13;
	v10 =	vadd.f32 v10, v4;
	v5 =	vadd.f32 v15, v5  }
0x9e: {  	v2 =	vmul.f32 v2, v2;
	v4 =	vadd.f32 v11, v8;
	v3 =	vadd.f32 v12, v6;
	v16 =	vld.idx.msk [tilespmem:v24+s3+$0x0], $0xffff  }
0x9f: {  	v8 =	vadd.s32 $0x1, v23;
	v5 =	vadd.f32 v13, v5;
	v15 =	vld.idx.msk [tilespmem:v27+s18+$0x0], $0xffff;
	v6 =	vsub.f32 v7, v20  }
0xa0: {  	vm4 =	veq.s32 v8, $0x180;
	v2 =	vadd.f32 v2, v10;
	v9 =	vsub.f32 v9, v14  }
0xa1: {  	v10 =	vsel vm4, $0x0, v8;
	v12 =	vsel vm4, $0xFFFFFE81, v1;
	v7 =	vmul.f32 v6, v6  }
0xa2: {  	v11 =	vand.u32 $0x7F, v10;
	v6 =	vmul.f32 v9, v9;
	v9 =	vshll.u32 v10, $0x3  }
0xa3: {  	v10 =	vadd.s32 $0x1, v10;
	v4 =	vadd.f32 v7, v4;
	v9 =	vand.u32 $0xFFFFFC00, v9  }
0xa4: {  	v8 =	vsub.f32 v15, v16;
	vm5 =	veq.s32 v10, $0x180;
	v9 =	vor.u32 v11, v9  }
0xa5: {  	v11 =	vadd.s32 v24, v12;
	v10 =	vsel vm5, $0x0, v10;
	v12 =	vsel vm5, $0xFFFFFE81, v1  }
0xa6: {  	v9 =	vadd.s32 v0, v9;
	v13 =	vshll.u32 v10, $0x3;
	v14 =	vadd.s32 $0x1, v10  }
0xa7: {  	v10 =	vand.u32 $0x7F, v10;
	v13 =	vand.u32 $0xFFFFFC00, v13;
	vm6 =	veq.s32 v14, $0x180  }
0xa8: {  	v12 =	vadd.s32 v11, v12;
	v10 =	vor.u32 v10, v13;
	v13 =	vsel vm6, $0x0, v14  }
0xa9: {  	v8 =	vmul.f32 v8, v8;
	v14 =	vsel vm6, $0xFFFFFE81, v1;
	v15 =	vshll.u32 v13, $0x3  }
0xaa: {  	v16 =	vadd.s32 $0x1, v13;
	v13 =	vand.u32 $0x7F, v13;
	v10 =	vadd.s32 v0, v10  }
0xab: {  	v14 =	vadd.s32 v12, v14;
	v15 =	vand.u32 $0xFFFFFC00, v15;
	vm7 =	veq.s32 v16, $0x180  }
0xac: {  	v13 =	vor.u32 v13, v15;
	v15 =	vsel vm7, $0x0, v16;
	v18 =	vsel vm7, $0xFFFFFE81, v1  }
0xad: {  	v16 =	vshll.u32 v15, $0x3;
	v17 =	vand.u32 $0x7F, v15;
	v15 =	vadd.s32 $0x1, v15  }
0xae: {  	v13 =	vadd.s32 v0, v13;
	v16 =	vand.u32 $0xFFFFFC00, v16;
	vm8 =	veq.s32 v15, $0x180  }
0xaf: {  	v16 =	vor.u32 v17, v16;
	v17 =	vadd.s32 v14, v18;
	v15 =	vsel vm8, $0x0, v15  }
0xb0: {  	v18 =	vsel vm8, $0xFFFFFE81, v1;
	v19 =	vshll.u32 v15, $0x3;
	v20 =	vadd.s32 $0x1, v15  }
0xb1: {  	v15 =	vand.u32 $0x7F, v15;
	v19 =	vand.u32 $0xFFFFFC00, v19;
	vm9 =	veq.s32 v20, $0x180  }
0xb2: {  	v16 =	vadd.s32 v0, v16;
	v15 =	vor.u32 v15, v19;
	v19 =	vsel vm9, $0x0, v20  }
0xb3: {  	v18 =	vadd.s32 v17, v18;
	v20 =	vsel vm9, $0xFFFFFE81, v1;
	v21 =	vshll.u32 v19, $0x3  }
0xb4: {  	v22 =	vadd.s32 $0x1, v19;
	v19 =	vand.u32 $0x7F, v19;
	v15 =	vadd.s32 v0, v15  }
0xb5: {  	v20 =	vadd.s32 v18, v20;
	v21 =	vand.u32 $0xFFFFFC00, v21;
	vm10 =	veq.s32 v22, $0x180  }
0xb6: {  	v19 =	vor.u32 v19, v21;
	v21 =	vsel vm10, $0x0, v22;
	v24 =	vsel vm10, $0xFFFFFE81, v1  }
0xb7: {  	v22 =	vshll.u32 v21, $0x3;
	v23 =	vand.u32 $0x7F, v21;
	v21 =	vadd.s32 $0x1, v21  }
0xb8: {  	v11 =	vld.idx.msk [tilespmem:v11+s3+$0x0], $0xffff;
	v19 =	vadd.s32 v0, v19;
	v22 =	vand.u32 $0xFFFFFC00, v22;
	vm11 =	veq.s32 v21, $0x180  }
0xb9: {  	v9 =	vld.idx.msk [tilespmem:v9+s18+$0x0], $0xffff;
	v22 =	vor.u32 v23, v22;
	v23 =	vadd.s32 v20, v24;
	v21 =	vsel vm11, $0x0, v21  }
0xba: {  	v12 =	vld.idx.msk [tilespmem:v12+s3+$0x0], $0xffff;
	v24 =	vsel vm11, $0xFFFFFE81, v1;
	v22 =	vadd.s32 v0, v22;
	v25 =	vshll.u32 v21, $0x3  }
0xbb: {  	v10 =	vld.idx.msk [tilespmem:v10+s18+$0x0], $0xffff;
	v26 =	vadd.s32 $0x1, v21;
	v21 =	vand.u32 $0x7F, v21;
	v25 =	vand.u32 $0xFFFFFC00, v25  }
0xbc: {  	v14 =	vld.idx.msk [tilespmem:v14+s3+$0x0], $0xffff;
	v24 =	vadd.s32 v23, v24;
	vm12 =	veq.s32 v26, $0x180;
	v21 =	vor.u32 v21, v25  }
0xbd: {  	v13 =	vld.idx.msk [tilespmem:v13+s18+$0x0], $0xffff;
	v25 =	vsel vm12, $0x0, v26;
	v26 =	vsel vm12, $0xFFFFFE81, v1;
	v21 =	vadd.s32 v0, v21  }
0xbe: {  	v17 =	vld.idx.msk [tilespmem:v17+s3+$0x0], $0xffff;
	v27 =	vadd.s32 $0x1, v25;
	v26 =	vadd.s32 v24, v26;
	v28 =	vshll.u32 v25, $0x3  }
0xbf: {  	v16 =	vld.idx.msk [tilespmem:v16+s18+$0x0], $0xffff;
	v25 =	vand.u32 $0x7F, v25;
	vm13 =	veq.s32 v27, $0x180;
	v28 =	vand.u32 $0xFFFFFC00, v28  }
0xc0: {  	v18 =	vld.idx.msk [tilespmem:v18+s3+$0x0], $0xffff;
	v27 =	vsel vm13, $0x0, v27;
	v29 =	vsel vm13, $0xFFFFFE81, v1;
	v25 =	vor.u32 v25, v28  }
0xc1: {  	v15 =	vld.idx.msk [tilespmem:v15+s18+$0x0], $0xffff;
	v30 =	vshll.u32 v27, $0x3;
	v31 =	vadd.s32 $0x1, v27;
	v27 =	vand.u32 $0x7F, v27  }
0xc2: {  	v20 =	vld.idx.msk [tilespmem:v20+s3+$0x0], $0xffff;
	v25 =	vadd.s32 v0, v25;
	v30 =	vand.u32 $0xFFFFFC00, v30;
	vm14 =	veq.s32 v31, $0x180  }
0xc3: {  	v19 =	vld.idx.msk [tilespmem:v19+s18+$0x0], $0xffff;
	v29 =	vadd.s32 v26, v29;
	v27 =	vor.u32 v27, v30;
	v28 =	vsel vm14, $0x0, v31  }
0xc4: {  	v23 =	vld.idx.msk [tilespmem:v23+s3+$0x0], $0xffff;
	v31 =	vsel vm14, $0xFFFFFE81, v1;
	v27 =	vadd.s32 v0, v27;
	v30 =	vadd.s32 $0x1, v28  }
0xc5: {  	v22 =	vld.idx.msk [tilespmem:v22+s18+$0x0], $0xffff;
	v54 =	vshll.u32 v28, $0x3;
	v28 =	vand.u32 $0x7F, v28;
	vm15 =	veq.s32 v30, $0x180  }
0xc6: {  	v24 =	vld.idx.msk [tilespmem:v24+s3+$0x0], $0xffff;
	v31 =	vadd.s32 v29, v31;
	v32 =	vand.u32 $0xFFFFFC00, v54;
	v30 =	vsel vm15, $0x0, v30  }
0xc7: {  	v7 =	vld.idx.msk [tilespmem:v26+s3+$0x0], $0xffff;
	v28 =	vor.u32 v28, v32;
	v26 =	vsel vm15, $0xFFFFFE81, v1;
	v55 =	vshll.u32 v30, $0x3  }
0xc8: {  	v21 =	vld.idx.msk [tilespmem:v21+s18+$0x0], $0xffff;
	v28 =	vadd.s32 v0, v28;
	v30 =	vand.u32 $0x7F, v30;
	v32 =	vand.u32 $0xFFFFFC00, v55  }
0xc9: {  	v5 =	vadd.f32 v8, v5;
	v25 =	vld.idx.msk [tilespmem:v25+s18+$0x0], $0xffff;
	v8 =	vadd.s32 v31, v26;
	v30 =	vor.u32 v30, v32  }
0xca: {  	v9 =	vsub.f32 v9, v11;
	v11 =	vld.idx.msk [tilespmem:v29+s3+$0x0], $0xffff;
	v30 =	vadd.s32 v0, v30  }
0xcb: {  	v3 =	vadd.f32 v6, v3;
	v10 =	vsub.f32 v10, v12;
	v6 =	vld.idx.msk [tilespmem:v27+s18+$0x0], $0xffff  }
0xcc: {  	v12 =	vsub.f32 v13, v14;
	v13 =	vsub.f32 v16, v17;
	v16 =	vld.idx.msk [tilespmem:v31+s3+$0x0], $0xffff  }
0xcd: {  	v9 =	vmul.f32 v9, v9;
	v10 =	vmul.f32 v10, v10;
	v15 =	vsub.f32 v15, v18;
	v14 =	vld.idx.msk [tilespmem:v28+s18+$0x0], $0xffff  }
0xce: {  	v12 =	vmul.f32 v12, v12;
	v13 =	vmul.f32 v13, v13;
	v17 =	vsub.f32 v19, v20;
	v8 =	vld.idx.msk [tilespmem:v8+s3+$0x0], $0xffff  }
0xcf: {  	v2 =	vadd.f32 v9, v2;
	v4 =	vadd.f32 v10, v4;
	v9 =	vmul.f32 v15, v15;
	v18 =	vld.idx.msk [tilespmem:v30+s18+$0x0], $0xffff  }
0xd0: {  	v3 =	vadd.f32 v12, v3;
	v5 =	vadd.f32 v13, v5;
	v10 =	vmul.f32 v17, v17  }
0xd1: {  	v2 =	vadd.f32 v9, v2;
	v9 =	vsub.f32 v22, v23  }
0xd2: {  	v4 =	vadd.f32 v10, v4;
	v10 =	vsub.f32 v21, v24  }
0xd3: {  	v9 =	vmul.f32 v9, v9;
	v7 =	vsub.f32 v25, v7;
	v6 =	vsub.f32 v6, v11  }
0xd4: {  	v10 =	vmul.f32 v10, v10;
	v11 =	vsub.f32 v14, v16;
	v8 =	vsub.f32 v18, v8  }
0xd5: {  	s28 =	sshll.u32 s25, $0x1;
	v3 =	vadd.f32 v9, v3;
	v7 =	vmul.f32 v7, v7;
	v6 =	vmul.f32 v6, v6  }
0xd6: {  	s29 =	smin.u32 s28, $0x1D;
	v5 =	vadd.f32 v10, v5;
	v9 =	vmul.f32 v11, v11;
	v8 =	vmul.f32 v8, v8  }
0xd7: {  	s29 =	sshll.u32 s29, $0x4;
	v2 =	vadd.f32 v7, v2;
	v4 =	vadd.f32 v6, v4  }
0xd8: {  	s29 =	sadd.s32 s29, s10;
	v3 =	vadd.f32 v9, v3;
	v5 =	vadd.f32 v8, v5  }
0xd9: {  	s29 =	sshrl.u32 s29, $0x3  }
0xda: {  	s29 =	smul.u32 $0x1800, s29;
	v2 =	vadd.f32 v4, v2;
	v3 =	vadd.f32 v5, v3;
	_ =	sdelay $0x1  }
0xdb: {  	s29 =	sor.u32 s4, s29;
	v2 =	vadd.f32 v3, v2  }
0xdc: {  	s29 =	sshrl.u32 s29, $0x3  }
0xdd: {  	s29 =	sadd.s32 s1, s29;
	[tilespmem:s26+$0x11300] =	vst v2  }
0xde: {  	[tilespmem:s18], [sflag:$0x1] =	stream.strided.gather [hbm4b:s29+s16], $0x1800, s17, s16, $0x38;
	[tilespmem:$0x11500] =	vst v63  }
0xdf: {  	_ =	swait.ge [sflag:s20], $0x1800  }
0xe0: {  	[sflag:s20] =	ssyncset.done $0x0  }
0xe1: {  	[sflag:s20] =	ssyncadd.s32 $0xFFFFE800  }
0xe2: {  	v2 =	vld [tilespmem:s26+$0xE110];
	_ =	sdelay $0x4  }
0xe3: {  	v4 =	vimm.f32 $0.0e+00;
	v3 =	vmul.u32 $0x180, v2;
	v2 =	vlaneseq.u32  }
0xe4: {  	v10 =	vadd.s32 $0xC, v2;
	v11 =	vadd.s32 $0xD, v2;
	v12 =	vadd.s32 $0xE, v2  }
0xe5: {  	v13 =	vadd.s32 $0xF, v2;
	v16 =	vadd.s32 $0x8, v2;
	v19 =	vadd.s32 $0x9, v2  }
0xe6: {  	v22 =	vadd.s32 $0xA, v2;
	v24 =	vadd.s32 $0xB, v2;
	v32 =	vand.u32 $0x7F, v2  }
0xe7: {  	v27 =	vadd.s32 $0x4, v2;
	v28 =	vadd.s32 $0x5, v2;
	v29 =	vshll.u32 v2, $0x3  }
0xe8: {  	v30 =	vadd.s32 $0x6, v2;
	v31 =	vadd.s32 $0x7, v2;
	v56 =	vadd.s32 $0x1, v2  }
0xe9: {  	v36 =	vadd.s32 $0x2, v2;
	v58 =	vadd.s32 $0x3, v2;
	v3 =	vor.u32 v2, v3  }
0xea: {  	v59 =	vand.u32 $0x7F, v10;
	v60 =	vand.u32 $0x7F, v11;
	v40 =	vand.u32 $0x7F, v12  }
0xeb: {  	v61 =	vshll.u32 v10, $0x3;
	v62 =	vshll.u32 v11, $0x3;
	v43 =	vand.u32 $0x7F, v13  }
0xec: {  	v63 =	vshll.u32 v12, $0x3;
	v57 =	vshll.u32 v13, $0x3;
	v5 =	vadd.s32 $0xC, v3  }
0xed: {  	v46 =	vand.u32 $0x7F, v22;
	v47 =	vand.u32 $0x7F, v24;
	v6 =	vadd.s32 $0xD, v3  }
0xee: {  	v48 =	vshll.u32 v19, $0x3;
	v49 =	vshll.u32 v22, $0x3;
	v7 =	vadd.s32 $0xE, v3  }
0xef: {  	v50 =	vand.u32 $0x7F, v28;
	v51 =	vshll.u32 v24, $0x3;
	v8 =	vadd.s32 $0xF, v3  }
0xf0: {  	v52 =	vshll.u32 v27, $0x3;
	v24 =	vand.u32 $0x7F, v30;
	v14 =	vadd.s32 $0x8, v3;
	v9 =	vld.idx.msk [tilespmem:v3+s3+$0x0], $0xffff  }
0xf1: {  	v22 =	vand.u32 $0x7F, v31;
	v53 =	vshll.u32 v28, $0x3;
	v15 =	vadd.s32 $0x9, v3;
	v10 =	vld.idx.msk [tilespmem:v5+s3+$0x0], $0xffff  }
0xf2: {  	v28 =	vshll.u32 v30, $0x3;
	v54 =	vshll.u32 v56, $0x3;
	v17 =	vadd.s32 $0xA, v3;
	v11 =	vld.idx.msk [tilespmem:v6+s3+$0x0], $0xffff  }
0xf3: {  	v33 =	vshll.u32 v36, $0x3;
	v30 =	vand.u32 $0x7F, v58;
	v18 =	vadd.s32 $0xB, v3;
	v12 =	vld.idx.msk [tilespmem:v7+s3+$0x0], $0xffff  }
0xf4: {  	v20 =	vadd.s32 $0x4, v3;
	v21 =	vadd.s32 $0x5, v3;
	v23 =	vadd.s32 $0x6, v3;
	v13 =	vld.idx.msk [tilespmem:v8+s3+$0x0], $0xffff  }
0xf5: {  	v25 =	vadd.s32 $0x7, v3;
	v26 =	vadd.s32 $0x1, v3;
	v34 =	vadd.s32 $0x2, v3;
	v14 =	vld.idx.msk [tilespmem:v14+s3+$0x0], $0xffff  }
0xf6: {  	v35 =	vadd.s32 $0x3, v3;
	v5 =	vand.u32 $0x7F, v16;
	v7 =	vshll.u32 v16, $0x3;
	v16 =	vld.idx.msk [tilespmem:v15+s3+$0x0], $0xffff  }
0xf7: {  	v44 =	vand.u32 $0xFFFFFC00, v54;
	v6 =	vand.u32 $0x7F, v19;
	v8 =	vand.u32 $0x7F, v27;
	v19 =	vld.idx.msk [tilespmem:v17+s3+$0x0], $0xffff  }
0xf8: {  	v27 =	vshll.u32 v31, $0x3;
	v17 =	vand.u32 $0xFFFFFC00, v29;
	v31 =	vand.u32 $0x7F, v56;
	v15 =	vld.idx.msk [tilespmem:v18+s3+$0x0], $0xffff  }
0xf9: {  	v20 =	vld.idx.msk [tilespmem:v20+s3+$0x0], $0xffff;
	v18 =	vand.u32 $0xFFFFFC00, v61;
	v61 =	vand.u32 $0xFFFFFC00, v57;
	v17 =	vor.u32 v32, v17  }
0xfa: {  	v21 =	vld.idx.msk [tilespmem:v21+s3+$0x0], $0xffff;
	v32 =	vshll.u32 v58, $0x3;
	v18 =	vor.u32 v59, v18;
	v59 =	vand.u32 $0xFFFFFC00, v62  }
0xfb: {  	v7 =	vand.u32 $0xFFFFFC00, v7;
	v58 =	vadd.s32 v0, v17;
	v17 =	vld.idx.msk [tilespmem:v23+s3+$0x0], $0xffff;
	v38 =	vadd.s32 v0, v18  }
0xfc: {  	v23 =	vor.u32 v60, v59;
	v60 =	vand.u32 $0xFFFFFC00, v63;
	v18 =	vld.idx.msk [tilespmem:v25+s3+$0x0], $0xffff;
	v5 =	vor.u32 v5, v7  }
0xfd: {  	v7 =	vand.u32 $0xFFFFFC00, v48;
	v39 =	vadd.s32 v0, v23;
	v25 =	vor.u32 v40, v60;
	v23 =	vld.idx.msk [tilespmem:v26+s3+$0x0], $0xffff  }
0xfe: {  	v26 =	vor.u32 v43, v61;
	v41 =	vadd.s32 v0, v5;
	v62 =	vadd.s32 v0, v25;
	v25 =	vld.idx.msk [tilespmem:v34+s3+$0x0], $0xffff  }
0xff: {  	v5 =	vor.u32 v6, v7;
	v6 =	vand.u32 $0xFFFFFC00, v49;
	v63 =	vadd.s32 v0, v26;
	v26 =	vld.idx.msk [tilespmem:v35+s3+$0x0], $0xffff  }
0x100: {  	v29 =	vand.u32 $0x7F, v36;
	v40 =	vadd.s32 v0, v5;
	v5 =	vor.u32 v46, v6;
	v34 =	vld.idx.msk [tilespmem:v58+s19+$0x0], $0xffff  }
0x101: {  	v7 =	vand.u32 $0xFFFFFC00, v52;
	v6 =	vand.u32 $0xFFFFFC00, v51;
	v42 =	vadd.s32 v0, v5;
	v35 =	vld.idx.msk [tilespmem:v38+s19+$0x0], $0xffff  }
0x102: {  	v5 =	vor.u32 v47, v6;
	v6 =	vor.u32 v8, v7;
	v7 =	vand.u32 $0xFFFFFC00, v53;
	v36 =	vld.idx.msk [tilespmem:v39+s19+$0x0], $0xffff  }
0x103: {  	v8 =	vimm.f32 $0.0e+00;
	v43 =	vadd.s32 v0, v6;
	v45 =	vor.u32 v50, v7;
	v37 =	vld.idx.msk [tilespmem:v62+s19+$0x0], $0xffff  }
0x104: {  	s29 =	simm.s32 $0x16;
	s26 =	sor.u32 $0x10, s26;
	v6 =	vimm.f32 $0.0e+00;
	v39 =	vadd.s32 v0, v5;
	v5 =	vimm.f32 $0.0e+00;
	v38 =	vld.idx.msk [tilespmem:v63+s19+$0x0], $0xffff  }
.LBB2_5:
0x105: {  	v7 =	vmov v2  }
0x106: {  	p0 =	sne.s32 s29, $0x1;
	v31 =	vor.u32 v31, v44;
	v33 =	vand.u32 $0xFFFFFC00, v33;
	v44 =	vadd.s32 v0, v45;
	v41 =	vld.idx.msk [tilespmem:v41+s19+$0x0], $0xffff  }
0x107: {  	v32 =	vand.u32 $0xFFFFFC00, v32;
	v31 =	vadd.s32 v0, v31;
	v29 =	vor.u32 v29, v33;
	v33 =	vld.idx.msk [tilespmem:v40+s19+$0x0], $0xffff  }
0x108: {  	v28 =	vand.u32 $0xFFFFFC00, v28;
	v30 =	vor.u32 v30, v32;
	v29 =	vadd.s32 v0, v29;
	v32 =	vld.idx.msk [tilespmem:v42+s19+$0x0], $0xffff  }
0x109: {  	v27 =	vand.u32 $0xFFFFFC00, v27;
	v24 =	vor.u32 v24, v28;
	v30 =	vadd.s32 v0, v30;
	v28 =	vld.idx.msk [tilespmem:v39+s19+$0x0], $0xffff  }
0x10a: {  	v22 =	vor.u32 v22, v27;
	v24 =	vadd.s32 v0, v24;
	v39 =	vld.idx.msk [tilespmem:v43+s19+$0x0], $0xffff  }
0x10b: {  	v3 =	vadd.s32 $0x10, v3;
	v22 =	vadd.s32 v0, v22;
	v27 =	vld.idx.msk [tilespmem:v44+s19+$0x0], $0xffff  }
0x10c: {  	v9 =	vsub.f32 v34, v9;
	v2 =	vadd.s32 $0x10, v2;
	v40 =	vadd.s32 $0xC, v3;
	v31 =	vld.idx.msk [tilespmem:v31+s19+$0x0], $0xffff  }
0x10d: {  	v34 =	vadd.s32 $0xD, v3;
	v10 =	vsub.f32 v35, v10;
	v11 =	vsub.f32 v36, v11;
	v29 =	vld.idx.msk [tilespmem:v29+s19+$0x0], $0xffff  }
0x10e: {  	v35 =	vadd.s32 $0xE, v3;
	v12 =	vsub.f32 v37, v12;
	v13 =	vsub.f32 v38, v13;
	v30 =	vld.idx.msk [tilespmem:v30+s19+$0x0], $0xffff  }
0x10f: {  	v36 =	vadd.s32 $0xF, v3;
	v14 =	vsub.f32 v41, v14;
	v16 =	vsub.f32 v33, v16;
	v24 =	vld.idx.msk [tilespmem:v24+s19+$0x0], $0xffff  }
0x110: {  	v33 =	vadd.s32 $0x8, v3;
	v19 =	vsub.f32 v32, v19;
	v15 =	vsub.f32 v28, v15;
	v22 =	vld.idx.msk [tilespmem:v22+s19+$0x0], $0xffff  }
0x111: {  	v28 =	vadd.s32 $0x9, v3;
	v20 =	vsub.f32 v39, v20;
	v21 =	vsub.f32 v27, v21  }
0x112: {  	v9 =	vmul.f32 v9, v9;
	v10 =	vmul.f32 v10, v10;
	v23 =	vsub.f32 v31, v23  }
0x113: {  	v11 =	vmul.f32 v11, v11;
	v14 =	vmul.f32 v14, v14;
	v25 =	vsub.f32 v29, v25  }
0x114: {  	v16 =	vmul.f32 v16, v16;
	v20 =	vmul.f32 v20, v20;
	v26 =	vsub.f32 v30, v26  }
0x115: {  	v21 =	vmul.f32 v21, v21;
	v23 =	vmul.f32 v23, v23;
	v17 =	vsub.f32 v24, v17  }
0x116: {  	v24 =	vmul.f32 v25, v25;
	v25 =	vmul.f32 v26, v26;
	v18 =	vsub.f32 v22, v18  }
0x117: {  	v4 =	vadd.f32 v9, v4;
	v8 =	vadd.f32 v23, v8;
	v9 =	vmul.f32 v17, v17  }
0x118: {  	v6 =	vadd.f32 v24, v6;
	v5 =	vadd.f32 v25, v5;
	v17 =	vmul.f32 v18, v18  }
0x119: {  	v4 =	vadd.f32 v20, v4;
	v8 =	vadd.f32 v21, v8;
	v18 =	vmul.f32 v19, v19  }
0x11a: {  	v6 =	vadd.f32 v9, v6;
	v9 =	vmul.f32 v15, v15;
	v5 =	vadd.f32 v17, v5  }
0x11b: {  	v12 =	vmul.f32 v12, v12;
	v4 =	vadd.f32 v14, v4;
	v8 =	vadd.f32 v16, v8  }
0x11c: {  	v6 =	vadd.f32 v18, v6;
	v5 =	vadd.f32 v9, v5;
	v9 =	vmul.f32 v13, v13  }
0x11d: {  	v4 =	vadd.f32 v10, v4;
	v15 =	vadd.s32 $0xA, v3;
	v8 =	vadd.f32 v11, v8  }
0x11e: {  	v17 =	vadd.s32 $0xB, v3;
	v6 =	vadd.f32 v12, v6;
	v5 =	vadd.f32 v9, v5  }
0x11f: {  	v23 =	vadd.s32 $0x6, v3;
	v21 =	vadd.s32 $0x5, v3;
	v18 =	vadd.s32 $0x4, v3  }
0x120: {  	v25 =	vadd.s32 $0x7, v3;
	v10 =	vadd.s32 $0xC, v2;
	v11 =	vadd.s32 $0xD, v2  }
0x121: {  	v26 =	vadd.s32 $0x1, v3;
	v13 =	vadd.s32 $0xF, v2;
	v12 =	vadd.s32 $0xE, v2  }
0x122: {  	v37 =	vadd.s32 $0x2, v3;
	v38 =	vadd.s32 $0x3, v3;
	v14 =	vadd.s32 $0x8, v2  }
0x123: {  	v20 =	vadd.s32 $0xB, v2;
	v19 =	vadd.s32 $0xA, v2;
	v16 =	vadd.s32 $0x9, v2  }
0x124: {  	v32 =	vand.u32 $0x7F, v2;
	v27 =	vadd.s32 $0x5, v2;
	v22 =	vadd.s32 $0x4, v2  }
0x125: {  	v31 =	vadd.s32 $0x7, v2;
	v29 =	vshll.u32 v2, $0x3;
	v30 =	vadd.s32 $0x6, v2  }
0x126: {  	v42 =	vadd.s32 $0x3, v2;
	v41 =	vadd.s32 $0x2, v2;
	v39 =	vadd.s32 $0x1, v2  }
0x127: {  	v43 =	vand.u32 $0x7F, v10;
	v44 =	vand.u32 $0x7F, v11;
	v45 =	vand.u32 $0x7F, v12;
	v9 =	vld.idx.msk [tilespmem:v3+s3+$0x0], $0xffff  }
0x128: {  	v46 =	vshll.u32 v10, $0x3;
	v47 =	vand.u32 $0x7F, v13;
	v10 =	vld.idx.msk [tilespmem:v40+s3+$0x0], $0xffff;
	v40 =	vshll.u32 v11, $0x3  }
0x129: {  	v48 =	vand.u32 $0x7F, v14;
	v49 =	vshll.u32 v13, $0x3;
	v11 =	vld.idx.msk [tilespmem:v34+s3+$0x0], $0xffff;
	v34 =	vshll.u32 v12, $0x3  }
0x12a: {  	v52 =	vand.u32 $0x7F, v20;
	v51 =	vand.u32 $0x7F, v19;
	v50 =	vand.u32 $0x7F, v16;
	v12 =	vld.idx.msk [tilespmem:v35+s3+$0x0], $0xffff  }
0x12b: {  	v54 =	vshll.u32 v19, $0x3;
	v53 =	vshll.u32 v16, $0x3;
	v35 =	vshll.u32 v14, $0x3;
	v13 =	vld.idx.msk [tilespmem:v36+s3+$0x0], $0xffff  }
0x12c: {  	v56 =	vand.u32 $0x7F, v27;
	v55 =	vand.u32 $0x7F, v22;
	v36 =	vshll.u32 v20, $0x3;
	v14 =	vld.idx.msk [tilespmem:v33+s3+$0x0], $0xffff  }
0x12d: {  	v57 =	vshll.u32 v22, $0x3;
	v24 =	vand.u32 $0x7F, v30;
	v22 =	vand.u32 $0x7F, v31;
	v16 =	vld.idx.msk [tilespmem:v28+s3+$0x0], $0xffff  }
0x12e: {  	v58 =	vshll.u32 v27, $0x3;
	v27 =	vshll.u32 v31, $0x3;
	v28 =	vshll.u32 v30, $0x3;
	v19 =	vld.idx.msk [tilespmem:v15+s3+$0x0], $0xffff  }
0x12f: {  	v59 =	vand.u32 $0xFFFFFC00, v29;
	v29 =	vand.u32 $0x7F, v41;
	v31 =	vand.u32 $0x7F, v39;
	v15 =	vld.idx.msk [tilespmem:v17+s3+$0x0], $0xffff  }
0x130: {  	v60 =	vshll.u32 v39, $0x3;
	v33 =	vshll.u32 v41, $0x3;
	v30 =	vand.u32 $0x7F, v42;
	v20 =	vld.idx.msk [tilespmem:v18+s3+$0x0], $0xffff  }
0x131: {  	v17 =	vor.u32 v32, v59;
	v32 =	vshll.u32 v42, $0x3;
	v18 =	vand.u32 $0xFFFFFC00, v46;
	v21 =	vld.idx.msk [tilespmem:v21+s3+$0x0], $0xffff  }
0x132: {  	v40 =	vand.u32 $0xFFFFFC00, v40;
	v39 =	vadd.s32 v0, v17;
	v17 =	vld.idx.msk [tilespmem:v23+s3+$0x0], $0xffff;
	v23 =	vor.u32 v43, v18  }
0x133: {  	v34 =	vand.u32 $0xFFFFFC00, v34;
	v18 =	vld.idx.msk [tilespmem:v25+s3+$0x0], $0xffff;
	v42 =	vadd.s32 v0, v23;
	v25 =	vor.u32 v44, v40  }
0x134: {  	v23 =	vld.idx.msk [tilespmem:v26+s3+$0x0], $0xffff;
	v43 =	vadd.s32 v0, v25;
	v26 =	vor.u32 v45, v34;
	v34 =	vand.u32 $0xFFFFFC00, v49  }
0x135: {  	v35 =	vand.u32 $0xFFFFFC00, v35;
	v25 =	vld.idx.msk [tilespmem:v37+s3+$0x0], $0xffff;
	v37 =	vadd.s32 v0, v26;
	v34 =	vor.u32 v47, v34  }
0x136: {  	v35 =	vor.u32 v48, v35;
	v26 =	vld.idx.msk [tilespmem:v38+s3+$0x0], $0xffff;
	v38 =	vand.u32 $0xFFFFFC00, v53;
	v46 =	vadd.s32 v0, v34  }
.Ltmp1:
0x137: {  	v41 =	vadd.s32 v0, v35;
	v34 =	vld.idx.msk [tilespmem:v39+s19+$0x0], $0xffff;
	v35 =	vor.u32 v50, v38;
	v38 =	vand.u32 $0xFFFFFC00, v54;
	(pc) =	sbr.rel @p0 .LBB2_5-.Ltmp1, $4  }
0x138: {  	v36 =	vand.u32 $0xFFFFFC00, v36;
	v40 =	vadd.s32 v0, v35;
	v38 =	vor.u32 v51, v38;
	v35 =	vld.idx.msk [tilespmem:v42+s19+$0x0], $0xffff  }
0x139: {  	v39 =	vand.u32 $0xFFFFFC00, v57;
	v42 =	vadd.s32 v0, v38;
	v38 =	vor.u32 v52, v36;
	v36 =	vld.idx.msk [tilespmem:v43+s19+$0x0], $0xffff  }
0x13a: {  	v45 =	vand.u32 $0xFFFFFC00, v58;
	v43 =	vor.u32 v55, v39;
	v39 =	vadd.s32 v0, v38;
	v37 =	vld.idx.msk [tilespmem:v37+s19+$0x0], $0xffff  }
0x13b: {  	s29 =	sadd.s32 $0xFFFFFFFF, s29;
	v44 =	vand.u32 $0xFFFFFC00, v60;
	v45 =	vor.u32 v56, v45;
	v43 =	vadd.s32 v0, v43;
	v38 =	vld.idx.msk [tilespmem:v46+s19+$0x0], $0xffff  }
0x13c: {  	v31 =	vor.u32 v31, v44  }
0x13d: {  	v33 =	vand.u32 $0xFFFFFC00, v33;
	v63 =	vadd.s32 v0, v45;
	v32 =	vand.u32 $0xFFFFFC00, v32  }
0x13e: {  	v28 =	vand.u32 $0xFFFFFC00, v28;
	v27 =	vand.u32 $0xFFFFFC00, v27;
	v9 =	vsub.f32 v34, v9  }
0x13f: {  	v3 =	vadd.s32 $0x10, v3;
	v2 =	vadd.s32 $0x10, v2;
	v7 =	vadd.s32 $0x11, v7  }
0x140: {  	v31 =	vadd.s32 v0, v31;
	v29 =	vor.u32 v29, v33;
	v30 =	vor.u32 v30, v32  }
0x141: {  	v41 =	vld.idx.msk [tilespmem:v41+s19+$0x0], $0xffff;
	v24 =	vor.u32 v24, v28;
	v22 =	vor.u32 v22, v27;
	v10 =	vsub.f32 v35, v10  }
0x142: {  	v47 =	vld.idx.msk [tilespmem:v40+s19+$0x0], $0xffff;
	v54 =	vshll.u32 v2, $0x3;
	vm0 =	veq.s32 v7, $0x180;
	v2 =	vand.u32 $0x7F, v2  }
0x143: {  	v48 =	vld.idx.msk [tilespmem:v42+s19+$0x0], $0xffff;
	v29 =	vadd.s32 v0, v29;
	v30 =	vadd.s32 v0, v30;
	v24 =	vadd.s32 v0, v24  }
0x144: {  	v49 =	vld.idx.msk [tilespmem:v43+s19+$0x0], $0xffff;
	v22 =	vadd.s32 v0, v22;
	v11 =	vsub.f32 v36, v11;
	v9 =	vmul.f32 v9, v9  }
0x145: {  	v51 =	vld.idx.msk [tilespmem:v39+s19+$0x0], $0xffff;
	v7 =	vsel vm0, $0x0, v7;
	v55 =	vsel vm0, $0xFFFFFE81, v1;
	v12 =	vsub.f32 v37, v12  }
0x146: {  	v10 =	vmul.f32 v10, v10;
	v56 =	vshll.u32 v7, $0x3;
	v57 =	vadd.s32 $0x1, v7  }
0x147: {  	v7 =	vand.u32 $0x7F, v7;
	v13 =	vsub.f32 v38, v13;
	v4 =	vadd.f32 v9, v4  }
0x148: {  	v9 =	vand.u32 $0xFFFFFC00, v54;
	vm14 =	veq.s32 v57, $0x180;
	v14 =	vsub.f32 v41, v14  }
0x149: {  	v11 =	vmul.f32 v11, v11;
	v50 =	vld.idx.msk [tilespmem:v63+s19+$0x0], $0xffff;
	v16 =	vsub.f32 v47, v16;
	v19 =	vsub.f32 v48, v19  }
0x14a: {  	v20 =	vsub.f32 v49, v20;
	v15 =	vsub.f32 v51, v15;
	v2 =	vor.u32 v2, v9;
	v31 =	vld.idx.msk [tilespmem:v31+s19+$0x0], $0xffff  }
0x14b: {  	v58 =	vsel vm14, $0x0, v57;
	v60 =	vsel vm14, $0xFFFFFE81, v1;
	v12 =	vmul.f32 v12, v12;
	v29 =	vld.idx.msk [tilespmem:v29+s19+$0x0], $0xffff  }
0x14c: {  	v2 =	vadd.s32 v0, v2;
	v59 =	vadd.s32 $0x1, v58;
	v61 =	vshll.u32 v58, $0x3;
	v30 =	vld.idx.msk [tilespmem:v30+s19+$0x0], $0xffff  }
0x14d: {  	v9 =	vand.u32 $0x7F, v58;
	v13 =	vmul.f32 v13, v13;
	v24 =	vld.idx.msk [tilespmem:v24+s19+$0x0], $0xffff;
	v20 =	vmul.f32 v20, v20  }
0x14e: {  	v22 =	vld.idx.msk [tilespmem:v22+s19+$0x0], $0xffff;
	v14 =	vmul.f32 v14, v14;
	v16 =	vmul.f32 v16, v16;
	vm15 =	veq.s32 v59, $0x180  }
0x14f: {  	v27 =	vand.u32 $0xFFFFFC00, v61;
	v19 =	vmul.f32 v19, v19;
	v4 =	vadd.f32 v20, v4  }
0x150: {  	v15 =	vmul.f32 v15, v15;
	v9 =	vor.u32 v9, v27;
	v21 =	vsub.f32 v50, v21  }
0x151: {  	v9 =	vadd.s32 v0, v9;
	v23 =	vsub.f32 v31, v23;
	v4 =	vadd.f32 v14, v4  }
0x152: {  	v25 =	vsub.f32 v29, v25;
	v26 =	vsub.f32 v30, v26;
	v21 =	vmul.f32 v21, v21  }
0x153: {  	v17 =	vsub.f32 v24, v17;
	v18 =	vsub.f32 v22, v18;
	v22 =	vadd.s32 v3, v55  }
0x154: {  	v2 =	vld.idx.msk [tilespmem:v2+s19+$0x0], $0xffff;
	v30 =	vsel vm15, $0xFFFFFE81, v1;
	v23 =	vmul.f32 v23, v23;
	v52 =	vmul.f32 v25, v25  }
0x155: {  	v3 =	vld.idx.msk [tilespmem:v3+s3+$0x0], $0xffff;
	v10 =	vadd.f32 v10, v4;
	v53 =	vmul.f32 v26, v26;
	v17 =	vmul.f32 v17, v17  }
0x156: {  	v26 =	vadd.s32 v22, v60;
	v8 =	vadd.f32 v23, v8;
	v23 =	vand.u32 $0xFFFFFC00, v56  }
0x157: {  	v18 =	vmul.f32 v18, v18;
	v24 =	vadd.s32 v26, v30;
	v7 =	vor.u32 v7, v23  }
0x158: {  	v23 =	vsel vm15, $0x0, v59;
	v6 =	vadd.f32 v52, v6;
	v5 =	vadd.f32 v53, v5  }
0x159: {  	v7 =	vadd.s32 v0, v7;
	v62 =	vshll.u32 v23, $0x3;
	v63 =	vand.u32 $0x7F, v23  }
0x15a: {  	v8 =	vadd.f32 v21, v8;
	v2 =	vsub.f32 v2, v3;
	v36 =	vadd.s32 $0x1, v23  }
0x15b: {  	v27 =	vand.u32 $0xFFFFFC00, v62;
	v6 =	vadd.f32 v17, v6;
	v5 =	vadd.f32 v18, v5  }
0x15c: {  	v9 =	vld.idx.msk [tilespmem:v9+s19+$0x0], $0xffff;
	vm4 =	veq.s32 v36, $0x180;
	v27 =	vor.u32 v63, v27;
	v8 =	vadd.f32 v16, v8  }
0x15d: {  	v32 =	vld.idx.msk [tilespmem:v26+s3+$0x0], $0xffff;
	v2 =	vmul.f32 v2, v2;
	v37 =	vsel vm4, $0x0, v36;
	v40 =	vsel vm4, $0xFFFFFE81, v1  }
0x15e: {  	v27 =	vadd.s32 v0, v27;
	v6 =	vadd.f32 v19, v6;
	v5 =	vadd.f32 v15, v5  }
0x15f: {  	v38 =	vshll.u32 v37, $0x3;
	v39 =	vand.u32 $0x7F, v37;
	v41 =	vadd.s32 v24, v40  }
0x160: {  	v31 =	vld.idx.msk [tilespmem:v22+s3+$0x0], $0xffff;
	v4 =	vadd.f32 v11, v8;
	v2 =	vadd.f32 v2, v10;
	v10 =	vadd.s32 $0x1, v37  }
0x161: {  	v7 =	vld.idx.msk [tilespmem:v7+s19+$0x0], $0xffff;
	v3 =	vadd.f32 v12, v6;
	v5 =	vadd.f32 v13, v5;
	vm5 =	veq.s32 v10, $0x180  }
0x162: {  	v10 =	vsel vm5, $0x0, v10;
	v42 =	vsel vm5, $0xFFFFFE81, v1;
	v9 =	vsub.f32 v9, v32  }
0x163: {  	v43 =	vshll.u32 v10, $0x3;
	v44 =	vadd.s32 $0x1, v10;
	v10 =	vand.u32 $0x7F, v10  }
0x164: {  	v12 =	vadd.s32 v41, v42;
	v13 =	vand.u32 $0xFFFFFC00, v43;
	vm6 =	veq.s32 v44, $0x180  }
0x165: {  	v34 =	vld.idx.msk [tilespmem:v24+s3+$0x0], $0xffff;
	v6 =	vmul.f32 v9, v9;
	v9 =	vand.u32 $0xFFFFFC00, v38;
	v10 =	vor.u32 v10, v13  }
0x166: {  	v33 =	vld.idx.msk [tilespmem:v27+s19+$0x0], $0xffff;
	v45 =	vsel vm6, $0x0, v44;
	v46 =	vsel vm6, $0xFFFFFE81, v1;
	v35 =	vsub.f32 v7, v31  }
0x167: {  	v9 =	vor.u32 v39, v9;
	v47 =	vshll.u32 v45, $0x3;
	v48 =	vadd.s32 $0x1, v45  }
0x168: {  	v13 =	vand.u32 $0x7F, v45;
	v10 =	vadd.s32 v0, v10;
	v14 =	vadd.s32 v12, v46  }
0x169: {  	v9 =	vadd.s32 v0, v9;
	v15 =	vand.u32 $0xFFFFFC00, v47;
	vm7 =	veq.s32 v48, $0x180  }
0x16a: {  	v7 =	vmul.f32 v35, v35;
	v13 =	vor.u32 v13, v15;
	v49 =	vsel vm7, $0x0, v48  }
0x16b: {  	v51 =	vsel vm7, $0xFFFFFE81, v1;
	v8 =	vsub.f32 v33, v34;
	v13 =	vadd.s32 v0, v13  }
0x16c: {  	v16 =	vshll.u32 v49, $0x3;
	v50 =	vand.u32 $0x7F, v49;
	v15 =	vadd.s32 $0x1, v49  }
0x16d: {  	v52 =	vadd.s32 v14, v51;
	v16 =	vand.u32 $0xFFFFFC00, v16;
	vm8 =	veq.s32 v15, $0x180  }
0x16e: {  	v16 =	vor.u32 v50, v16;
	v15 =	vsel vm8, $0x0, v15;
	v53 =	vsel vm8, $0xFFFFFE81, v1  }
0x16f: {  	v8 =	vmul.f32 v8, v8;
	v16 =	vadd.s32 v0, v16;
	v55 =	vadd.s32 $0x1, v15  }
0x170: {  	v54 =	vshll.u32 v15, $0x3;
	v15 =	vand.u32 $0x7F, v15;
	vm9 =	veq.s32 v55, $0x180  }
0x171: {  	v18 =	vadd.s32 v52, v53;
	v19 =	vand.u32 $0xFFFFFC00, v54;
	v56 =	vsel vm9, $0x0, v55  }
0x172: {  	v15 =	vor.u32 v15, v19;
	v57 =	vsel vm9, $0xFFFFFE81, v1;
	v58 =	vshll.u32 v56, $0x3  }
0x173: {  	v59 =	vadd.s32 $0x1, v56;
	v19 =	vand.u32 $0x7F, v56;
	v15 =	vadd.s32 v0, v15  }
0x174: {  	v20 =	vadd.s32 v18, v57;
	v21 =	vand.u32 $0xFFFFFC00, v58;
	vm10 =	veq.s32 v59, $0x180  }
0x175: {  	v19 =	vor.u32 v19, v21;
	v60 =	vsel vm10, $0x0, v59;
	v62 =	vsel vm10, $0xFFFFFE81, v1  }
0x176: {  	v19 =	vadd.s32 v0, v19;
	v22 =	vshll.u32 v60, $0x3;
	v21 =	vadd.s32 $0x1, v60  }
0x177: {  	v11 =	vld.idx.msk [tilespmem:v41+s3+$0x0], $0xffff;
	v61 =	vand.u32 $0x7F, v60;
	v22 =	vand.u32 $0xFFFFFC00, v22;
	vm11 =	veq.s32 v21, $0x180  }
0x178: {  	v12 =	vld.idx.msk [tilespmem:v12+s3+$0x0], $0xffff;
	v63 =	vadd.s32 v20, v62;
	v22 =	vor.u32 v61, v22;
	v21 =	vsel vm11, $0x0, v21  }
0x179: {  	v10 =	vld.idx.msk [tilespmem:v10+s19+$0x0], $0xffff;
	v32 =	vsel vm11, $0xFFFFFE81, v1;
	v22 =	vadd.s32 v0, v22;
	v33 =	vshll.u32 v21, $0x3  }
0x17a: {  	v14 =	vld.idx.msk [tilespmem:v14+s3+$0x0], $0xffff;
	v34 =	vadd.s32 $0x1, v21;
	v21 =	vand.u32 $0x7F, v21;
	v25 =	vand.u32 $0xFFFFFC00, v33  }
0x17b: {  	v9 =	vld.idx.msk [tilespmem:v9+s19+$0x0], $0xffff;
	v24 =	vadd.s32 v63, v32;
	vm12 =	veq.s32 v34, $0x180;
	v21 =	vor.u32 v21, v25  }
0x17c: {  	v13 =	vld.idx.msk [tilespmem:v13+s19+$0x0], $0xffff;
	v35 =	vsel vm12, $0x0, v34;
	v36 =	vsel vm12, $0xFFFFFE81, v1;
	v21 =	vadd.s32 v0, v21  }
0x17d: {  	v17 =	vld.idx.msk [tilespmem:v52+s3+$0x0], $0xffff;
	v37 =	vadd.s32 $0x1, v35;
	v26 =	vadd.s32 v24, v36;
	v38 =	vshll.u32 v35, $0x3  }
0x17e: {  	v16 =	vld.idx.msk [tilespmem:v16+s19+$0x0], $0xffff;
	v25 =	vand.u32 $0x7F, v35;
	vm13 =	veq.s32 v37, $0x180;
	v28 =	vand.u32 $0xFFFFFC00, v38  }
0x17f: {  	v18 =	vld.idx.msk [tilespmem:v18+s3+$0x0], $0xffff;
	v27 =	vsel vm13, $0x0, v37;
	v39 =	vsel vm13, $0xFFFFFE81, v1;
	v25 =	vor.u32 v25, v28  }
0x180: {  	v15 =	vld.idx.msk [tilespmem:v15+s19+$0x0], $0xffff;
	v40 =	vshll.u32 v27, $0x3;
	v41 =	vadd.s32 $0x1, v27;
	v27 =	vand.u32 $0x7F, v27  }
0x181: {  	v20 =	vld.idx.msk [tilespmem:v20+s3+$0x0], $0xffff;
	v25 =	vadd.s32 v0, v25;
	v30 =	vand.u32 $0xFFFFFC00, v40;
	vm14 =	veq.s32 v41, $0x180  }
0x182: {  	v19 =	vld.idx.msk [tilespmem:v19+s19+$0x0], $0xffff;
	v29 =	vadd.s32 v26, v39;
	v27 =	vor.u32 v27, v30;
	v42 =	vsel vm14, $0x0, v41  }
0x183: {  	v23 =	vld.idx.msk [tilespmem:v63+s3+$0x0], $0xffff;
	v44 =	vsel vm14, $0xFFFFFE81, v1;
	v27 =	vadd.s32 v0, v27;
	v43 =	vadd.s32 $0x1, v42  }
0x184: {  	v22 =	vld.idx.msk [tilespmem:v22+s19+$0x0], $0xffff;
	v45 =	vshll.u32 v42, $0x3;
	v28 =	vand.u32 $0x7F, v42;
	vm15 =	veq.s32 v43, $0x180  }
0x185: {  	v24 =	vld.idx.msk [tilespmem:v24+s3+$0x0], $0xffff;
	v31 =	vadd.s32 v29, v44;
	v32 =	vand.u32 $0xFFFFFC00, v45;
	v30 =	vsel vm15, $0x0, v43  }
0x186: {  	v21 =	vld.idx.msk [tilespmem:v21+s19+$0x0], $0xffff;
	v28 =	vor.u32 v28, v32;
	v48 =	vsel vm15, $0xFFFFFE81, v1;
	v46 =	vshll.u32 v30, $0x3  }
0x187: {  	v47 =	vld.idx.msk [tilespmem:v26+s3+$0x0], $0xffff;
	v28 =	vadd.s32 v0, v28;
	v30 =	vand.u32 $0x7F, v30;
	v32 =	vand.u32 $0xFFFFFC00, v46  }
0x188: {  	v3 =	vadd.f32 v6, v3;
	v25 =	vld.idx.msk [tilespmem:v25+s19+$0x0], $0xffff;
	v50 =	vadd.s32 v31, v48;
	v30 =	vor.u32 v30, v32  }
0x189: {  	v4 =	vadd.f32 v7, v4;
	v5 =	vadd.f32 v8, v5;
	v51 =	vld.idx.msk [tilespmem:v29+s3+$0x0], $0xffff;
	v30 =	vadd.s32 v0, v30  }
0x18a: {  	v10 =	vsub.f32 v10, v12;
	v9 =	vsub.f32 v9, v11;
	v49 =	vld.idx.msk [tilespmem:v27+s19+$0x0], $0xffff  }
0x18b: {  	v52 =	vsub.f32 v13, v14;
	v53 =	vsub.f32 v16, v17;
	v55 =	vld.idx.msk [tilespmem:v31+s3+$0x0], $0xffff  }
0x18c: {  	v10 =	vmul.f32 v10, v10;
	v9 =	vmul.f32 v9, v9;
	v15 =	vsub.f32 v15, v18;
	v54 =	vld.idx.msk [tilespmem:v28+s19+$0x0], $0xffff  }
0x18d: {  	v12 =	vmul.f32 v52, v52;
	v13 =	vmul.f32 v53, v53;
	v56 =	vsub.f32 v19, v20;
	v8 =	vld.idx.msk [tilespmem:v50+s3+$0x0], $0xffff  }
0x18e: {  	v4 =	vadd.f32 v10, v4;
	v2 =	vadd.f32 v9, v2;
	v58 =	vmul.f32 v15, v15;
	v57 =	vld.idx.msk [tilespmem:v30+s19+$0x0], $0xffff  }
0x18f: {  	v3 =	vadd.f32 v12, v3;
	v5 =	vadd.f32 v13, v5;
	v59 =	vmul.f32 v56, v56  }
0x190: {  	v2 =	vadd.f32 v58, v2;
	v60 =	vsub.f32 v22, v23  }
0x191: {  	v4 =	vadd.f32 v59, v4;
	v61 =	vsub.f32 v21, v24  }
0x192: {  	v9 =	vmul.f32 v60, v60;
	v7 =	vsub.f32 v25, v47;
	v6 =	vsub.f32 v49, v51  }
0x193: {  	v10 =	vmul.f32 v61, v61;
	v62 =	vsub.f32 v54, v55;
	v8 =	vsub.f32 v57, v8  }
0x194: {  	v3 =	vadd.f32 v9, v3;
	v7 =	vmul.f32 v7, v7;
	v6 =	vmul.f32 v6, v6  }
0x195: {  	s28 =	smin.u32 s28, $0x1C;
	v5 =	vadd.f32 v10, v5;
	v63 =	vmul.f32 v62, v62;
	v8 =	vmul.f32 v8, v8  }
0x196: {  	s28 =	sshll.u32 s28, $0x4;
	v2 =	vadd.f32 v7, v2;
	v4 =	vadd.f32 v6, v4  }
0x197: {  	s28 =	sadd.s32 s28, s11;
	v3 =	vadd.f32 v63, v3;
	v5 =	vadd.f32 v8, v5  }
0x198: {  	s25 =	sadd.s32 $0x1, s25;
	s28 =	sshrl.u32 s28, $0x3  }
0x199: {  	p0 =	sne.s32 s25, $0x10;
	s28 =	smul.u32 $0x1800, s28;
	v2 =	vadd.f32 v4, v2;
	v3 =	vadd.f32 v5, v3  }
.Ltmp2:
0x19a: {  	_ = 	snop;
	(pc) =	sbr.rel @p0 .LBB2_2-.Ltmp2, $4  }
0x19b: {  	s28 =	sor.u32 s4, s28;
	v2 =	vadd.f32 v3, v2  }
0x19c: {  	s28 =	sshrl.u32 s28, $0x3  }
0x19d: {  	s31 =	sadd.s32 s1, s28;
	[tilespmem:s26+$0x11300] =	vst v2  }
0x19e: {  	[tilespmem:s19], [sflag:$0x2] =	stream.strided.gather [hbm4b:s31+s16], $0x1800, s17, s16, $0x38;
	[tilespmem:$0x11500] =	vst v63  }
0x19f: {  	_ =	swait.ge [sflag:s5], $0x1800  }
0x1a0: {  	[sflag:s5] =	ssyncset.done $0x0  }
0x1a1: {  	[sflag:s5] =	ssyncadd.s32 $0xFFFFE800  }
0x1a2: {  	s24 =	sadd.s32 $0x1, s24;
	_ =	swait.ge [sflag:s20], $0x1800  }
0x1a3: {  	p0 =	sne.s32 s24, s13;
	[sflag:s20] =	ssyncset.done $0x0  }
.Ltmp3:
0x1a4: {  	[sflag:s20] =	ssyncadd.s32 $0xFFFFE800;
	(pc) =	sbr.rel @p0 .LBB2_1-.Ltmp3, $4  }
0x1a5: {  	[hbm4b:s12+s21] =	stream.strided.scatter [tilespmem:s23], [sflag:$0x3], $0x200, s22, s21, $0x38;
	[tilespmem:$0x11500] =	vst v63  }
0x1a6: {  	_ =	swait.ge [sflag:s15], $0x200  }
0x1a7: {  	[sflag:s15] =	ssyncset.done $0x0  }
0x1a8: {  	[sflag:s15] =	ssyncadd.s32 $0xFFFFFE00  }
0x1a9: {  	_ =	sfence.sel $0x180000  }
0x1aa: {  	[bflag:$0x0] =	sbarrier.arrive $0xFFFF  }
0x1ab: {  	p0 =	sne.s32 s0, $0x0;
	_ =	strace $0x90000047  }
0x1ac: {  	s0 =	sadd.s32 @!p0 $0x100000, s2;
	[bflag:$0x2] =	sbarrier.arrive $0xFFFF  }
0x1ad: {  	[sflag:s0] =	ssyncadd.tile.s32 @!p0 $0x1;
	_ =	shalt  }
.Lfunc_end2:
_tile_overlayer_lowered:
.L_overlay_start_2:
0x1ae: {  	(tag) =	ssettag $0x2  }
0x1af: {  	s0 =	rddreg [dreg:$0x0];
	s2 =	stileid.u32  }
0x1b0: {  	s1 =	rddreg [dreg:$0x1];
	p0 =	sne.s32 s2, $0x0  }
0x1b1: {  	s3 =	rddreg [dreg:$0x2];
	[bflag:$0x3] =	sbarrier.arrive $0xFFFF;
	s2 =	simm.s32 @!p0 $0x1C03  }
0x1b2: {  	[timem:s3], [sflag:s2] =	dma.local @!p0 [hbm:s0], s1  }
0x1b3: {  	s0 =	simm.s32 @!p0 $0x3  }
0x1b4: {  	_ =	swait.ge @!p0 [sflag:s0], s1  }
0x1b5: {  	s1 =	ssub.s32 @!p0 $0x0, s1;
	[sflag:s0] =	ssyncset.done @!p0 $0x0  }
0x1b6: {  	[sflag:s0] =	ssyncadd.s32 @!p0 s1  }
0x1b7: {  	[bflag:$0x3] =	sbarrier.arrive $0xFFFF  }
0x1b8: {  	_ =	shalt  }

</sc_bundles>
